<compile_context>
chip_gen: v7x
topology: tpu7x:2x2x1
jax: 0.10.2.dev20260603
libtpu: 0.0.44.dev20260713+nightly
codegen_flags: <defaults>
</compile_context>

<pallas_src>
import functools

import jax
import jax.numpy as jnp
from jax import lax
from jax.experimental import pallas as pl
from jax.experimental.pallas import tpu as pltpu
from jax.experimental.pallas import tpu_sc as plsc

E = 32
N = 8192
ADJ = 4096
BETA = 0.25
NC, NS = 2, 16
NW = NC * NS
EDGE_COLS = 128

def _mm1_body(x_ref, w_ref, o_ref):
    o_ref[...] = jnp.dot(x_ref[...], w_ref[...],
                         preferred_element_type=jnp.float32)


def _mm1(code, W1):
    M, K = code.shape
    Nout = W1.shape[1]
    blk = 1024
    return pl.pallas_call(
        _mm1_body,
        grid=(M // blk,),
        in_specs=[pl.BlockSpec((blk, K), lambda i: (i, 0)),
                  pl.BlockSpec((K, Nout), lambda i: (0, 0))],
        out_specs=pl.BlockSpec((blk, Nout), lambda i: (i, 0)),
        out_shape=jax.ShapeDtypeStruct((M, Nout), jnp.float32),
    )(code, W1)


def _sc_degree(dst2d):
    rows_pt = dst2d.shape[0] // NW
    mesh = plsc.VectorSubcoreMesh(core_axis_name="c", subcore_axis_name="s")

    @functools.partial(
        pl.kernel, mesh=mesh,
        out_type=jax.ShapeDtypeStruct((NW, N), jnp.float32),
        scratch_types=[pltpu.VMEM((rows_pt, EDGE_COLS), jnp.int32),
                       pltpu.VMEM((N,), jnp.float32)],
        compiler_params=pltpu.CompilerParams(use_tc_tiling_on_sc=False,
                                             needs_layout_passes=False),
    )
    def k(dst_hbm, out_hbm, dstv, hist):
        c = lax.axis_index("c")
        s = lax.axis_index("s")
        wid = c * NS + s
        z16 = jnp.zeros((16,), jnp.float32)

        def zero_body(i, _):
            hist[pl.ds(i * 16, 16)] = z16
            return 0
        lax.fori_loop(0, N // 16, zero_body, 0)

        pltpu.sync_copy(dst_hbm.at[pl.ds(wid * rows_pt, rows_pt)], dstv)
        ones = jnp.ones((16,), jnp.float32)

        def body(r, _):
            for g in range(EDGE_COLS // 16):
                idx = dstv[r, pl.ds(g * 16, 16)]
                plsc.addupdate_scatter(hist, [idx], ones)
            return 0
        lax.fori_loop(0, rows_pt, body, 0)

        pltpu.sync_copy(hist, out_hbm.at[wid])

    return k(dst2d)


def _sc_scatter(hs, src2d, dst2d):
    rows_pt = src2d.shape[0] // NW
    rows_per_sub = N // NS
    mesh = plsc.VectorSubcoreMesh(core_axis_name="c", subcore_axis_name="s")

    nbuf = 4
    ngrp = rows_pt // nbuf

    @functools.partial(
        pl.kernel, mesh=mesh,
        out_type=jax.ShapeDtypeStruct((NC, N, E), jnp.float32),
        scratch_types=(
            [pltpu.VMEM((rows_pt, EDGE_COLS), jnp.int32),
             pltpu.VMEM((rows_pt, EDGE_COLS), jnp.int32)]
            + [pltpu.VMEM((EDGE_COLS, E), jnp.float32)] * nbuf
            + [pltpu.VMEM((EDGE_COLS, E), jnp.float32),
               pltpu.VMEM_SHARED((N, E), jnp.float32)]
            + [pltpu.SemaphoreType.DMA] * (2 * nbuf)
        ),
        compiler_params=pltpu.CompilerParams(use_tc_tiling_on_sc=False),
    )
    def k(hs_hbm, src_hbm, dst_hbm, out_hbm, srcv, dstv,
          r0, r1, r2, r3, zb, acc,
          g0, g1, g2, g3, s0, s1, s2, s3):
        rows = [r0, r1, r2, r3]
        gs = [g0, g1, g2, g3]
        ss = [s0, s1, s2, s3]
        c = lax.axis_index("c")
        s = lax.axis_index("s")
        wid = c * NS + s
        z16 = jnp.zeros((16,), jnp.float32)

        def zb_body(i, _):
            zb[i, pl.ds(0, 16)] = z16
            zb[i, pl.ds(16, 16)] = z16
            return 0
        lax.fori_loop(0, EDGE_COLS, zb_body, 0)
        for t in range(rows_per_sub // EDGE_COLS):
            pltpu.sync_copy(zb, acc.at[pl.ds(s * rows_per_sub + t * EDGE_COLS,
                                             EDGE_COLS)])
        pltpu.sync_copy(src_hbm.at[pl.ds(wid * rows_pt, rows_pt)], srcv)
        pltpu.sync_copy(dst_hbm.at[pl.ds(wid * rows_pt, rows_pt)], dstv)
        plsc.subcore_barrier()

        for b in range(nbuf):
            pltpu.async_copy(hs_hbm.at[srcv.at[b]], rows[b], gs[b])

        def grp(g, _):
            j = g * nbuf
            for b in range(nbuf):
                pltpu.make_async_copy(hs_hbm.at[srcv.at[j + b]],
                                      rows[b], gs[b]).wait()
                pltpu.async_copy(rows[b], acc.at[dstv.at[j + b]], ss[b],
                                 add=True)
            for b in range(nbuf):
                @pl.when(g < ngrp - 1)
                def _():
                    pltpu.make_async_copy(rows[b], acc.at[dstv.at[j + b]],
                                          ss[b]).wait()
                    pltpu.async_copy(hs_hbm.at[srcv.at[j + nbuf + b]],
                                     rows[b], gs[b])
            return 0
        lax.fori_loop(0, ngrp, grp, 0)
        for b in range(nbuf):
            pltpu.make_async_copy(rows[b],
                                  acc.at[dstv.at[(ngrp - 1) * nbuf + b]],
                                  ss[b]).wait()
        plsc.subcore_barrier()

        pltpu.sync_copy(acc.at[pl.ds(s * rows_per_sub, rows_per_sub)],
                        out_hbm.at[c, pl.ds(s * rows_per_sub, rows_per_sub)])

    return k(hs, src2d, dst2d)


def _sc_gather(ew, ew2, i1a2d, i1b2d, i22d):
    nq = i1a2d.shape[0] * i1a2d.shape[1]
    rows_pt = i1a2d.shape[0] // NW
    mesh = plsc.VectorSubcoreMesh(core_axis_name="c", subcore_axis_name="s")

    @functools.partial(
        pl.kernel, mesh=mesh,
        out_type=[jax.ShapeDtypeStruct((nq, E), jnp.float32),
                  jax.ShapeDtypeStruct((nq, E), jnp.float32)],
        scratch_types=[
            pltpu.VMEM((rows_pt, EDGE_COLS), jnp.int32),
            pltpu.VMEM((rows_pt, EDGE_COLS), jnp.int32),
            pltpu.VMEM((rows_pt, EDGE_COLS), jnp.int32),
            pltpu.VMEM((EDGE_COLS, E), jnp.float32),
            pltpu.VMEM((EDGE_COLS, E), jnp.float32),
            pltpu.VMEM((EDGE_COLS, E), jnp.float32),
            pltpu.SemaphoreType.DMA,
        ],
        compiler_params=pltpu.CompilerParams(use_tc_tiling_on_sc=False),
    )
    def k(ew_hbm, ew2_hbm, ia_hbm, ib_hbm, i2_hbm, zq_hbm, zq2_hbm,
          iav, ibv, i2v, r1, r2, r3, sem):
        c = lax.axis_index("c")
        s = lax.axis_index("s")
        wid = c * NS + s
        pltpu.sync_copy(ia_hbm.at[pl.ds(wid * rows_pt, rows_pt)], iav)
        pltpu.sync_copy(ib_hbm.at[pl.ds(wid * rows_pt, rows_pt)], ibv)
        pltpu.sync_copy(i2_hbm.at[pl.ds(wid * rows_pt, rows_pt)], i2v)

        def body(j, _):
            base = (wid * rows_pt + j) * EDGE_COLS
            pltpu.async_copy(ew_hbm.at[iav.at[j]], r1, sem).wait()
            pltpu.async_copy(ew_hbm.at[ibv.at[j]], r2, sem).wait()
            pltpu.async_copy(ew2_hbm.at[i2v.at[j]], r3, sem).wait()

            def row_body(r, _):
                for cc in range(E // 16):
                    sl = pl.ds(cc * 16, 16)
                    r1[r, sl] = (r1[r, sl] + r2[r, sl]) * 0.5
                return 0
            lax.fori_loop(0, EDGE_COLS, row_body, 0)
            pltpu.sync_copy(r1, zq_hbm.at[pl.ds(base, EDGE_COLS)])
            pltpu.sync_copy(r3, zq2_hbm.at[pl.ds(base, EDGE_COLS)])
            return 0
        lax.fori_loop(0, rows_pt, body, 0)

    return k(ew, ew2, i1a2d, i1b2d, i22d)


def _finish_body(nrows, zfall_ref, zq_ref, zq2_ref,
                 zqs_ref, zq2s_ref, loss_ref):
    i = pl.program_id(0)
    zfb = zfall_ref[:, :E]
    zf2b = zfall_ref[:, E:]
    zq = zq_ref[...]
    zq2 = zq2_ref[...]
    zqs_ref[...] = zfb + (zq - zfb)
    zq2s_ref[...] = zf2b + (zq2 - zf2b)
    part = jnp.sum((zq - zfb) ** 2) + jnp.sum((zq2 - zf2b) ** 2)
    contrib = part * ((1.0 + BETA) / (nrows * E))
    prev = jnp.where(i == 0, jnp.zeros((1, 1), jnp.float32), loss_ref[...])
    loss_ref[...] = prev + contrib


def _finish(zfall, zq, zq2):
    nrows = zfall.shape[0]
    blk = 2048
    row = lambda i: (i, 0)
    full = lambda i: (0, 0)
    return pl.pallas_call(
        functools.partial(_finish_body, nrows),
        grid=(nrows // blk,),
        in_specs=[pl.BlockSpec((blk, 2 * E), row),
                  pl.BlockSpec((blk, E), row),
                  pl.BlockSpec((blk, E), row)],
        out_specs=[pl.BlockSpec((blk, E), row),
                   pl.BlockSpec((blk, E), row),
                   pl.BlockSpec((1, 1), full)],
        out_shape=[jax.ShapeDtypeStruct((nrows, E), jnp.float32),
                   jax.ShapeDtypeStruct((nrows, E), jnp.float32),
                   jax.ShapeDtypeStruct((1, 1), jnp.float32)],
    )(zfall, zq, zq2)


def _prep_body(degp_ref, mm1_ref, dinv_ref, hs1_ref):
    deg = jnp.sum(degp_ref[...], axis=0) + 1.0
    dinv = 1.0 / jnp.sqrt(deg)
    dinv_ref[...] = dinv[:, None]
    hs1_ref[...] = mm1_ref[...] * dinv[:, None]


def _prep(degp, mm1):
    return pl.pallas_call(
        _prep_body,
        out_shape=[jax.ShapeDtypeStruct((N, 1), jnp.float32),
                   jax.ShapeDtypeStruct((N, E), jnp.float32)],
    )(degp, mm1)


def _layer2_body(accp_ref, hs1_ref, dinv_ref, b1_ref, w2_ref, hs2_ref):
    dinv = dinv_ref[...]
    h2 = dinv * (accp_ref[0] + accp_ref[1] + hs1_ref[...]) + b1_ref[...]
    h2 = jnp.maximum(h2, 0.0)
    hs2_ref[...] = jnp.dot(h2, w2_ref[...],
                           preferred_element_type=jnp.float32) * dinv


def _layer2(accp1, hs1, dinv, b1_2d, W2):
    return pl.pallas_call(
        _layer2_body,
        out_shape=jax.ShapeDtypeStruct((N, E), jnp.float32),
    )(accp1, hs1, dinv, b1_2d, W2)


def _codebooks_body(accp_ref, hs2_ref, dinv_ref, b2_ref,
                    ew_ref, ew2_ref, ewt_ref, sqall_ref):
    total = (dinv_ref[...] * (accp_ref[0] + accp_ref[1] + hs2_ref[...])
             + b2_ref[...])
    ew = total[:ADJ]
    ew2 = total[ADJ:]
    ew_ref[...] = ew
    ew2_ref[...] = ew2
    zpad = jnp.zeros((E, ADJ), jnp.float32)
    top = jnp.concatenate([ew.T, zpad], axis=1)
    bot = jnp.concatenate([zpad, ew2.T], axis=1)
    ewt_ref[...] = jnp.concatenate([top, bot], axis=0)
    sqall_ref[...] = jnp.concatenate(
        [jnp.sum(ew ** 2, axis=1), jnp.sum(ew2 ** 2, axis=1)])[None, :]


def _codebooks(accp2, hs2, dinv, b2_2d):
    return pl.pallas_call(
        _codebooks_body,
        out_shape=[jax.ShapeDtypeStruct((ADJ, E), jnp.float32),
                   jax.ShapeDtypeStruct((ADJ, E), jnp.float32),
                   jax.ShapeDtypeStruct((2 * E, 2 * ADJ), jnp.float32),
                   jax.ShapeDtypeStruct((1, 2 * ADJ), jnp.float32)],
    )(accp2, hs2, dinv, b2_2d)


def _quant_body(zfall_ref, ewt_ref, sqall_ref, i1a_ref, i1b_ref, i2_ref):
    blk = zfall_ref.shape[0]
    fiota = lax.broadcasted_iota(jnp.int32, (1, ADJ), 1).astype(jnp.float32)
    big = jnp.float32(1e9)
    nn = (((1,), (0,)), ((), ()))

    zfall = zfall_ref[...]
    zfb = zfall[:, :E]
    zf2b = zfall[:, E:]
    mmall = lax.dot_general(zfall, ewt_ref[...], nn,
                            preferred_element_type=jnp.float32)
    sqall = sqall_ref[...]

    d = (jnp.sum(zfb ** 2, axis=1, keepdims=True) + sqall[:, :ADJ]
         - 2.0 * mmall[:, :ADJ])
    m1 = jnp.min(d, axis=1, keepdims=True)
    i1f = jnp.min(jnp.where(d == m1, fiota, big), axis=1)
    d2 = jnp.where(fiota == i1f[:, None], jnp.float32(jnp.inf), d)
    m2 = jnp.min(d2, axis=1, keepdims=True)
    i1bf = jnp.min(jnp.where(d2 == m2, fiota, big), axis=1)
    i1a_ref[...] = i1f[:, None].astype(jnp.int32)
    i1b_ref[...] = i1bf[:, None].astype(jnp.int32)

    dn = (jnp.sum(zf2b ** 2, axis=1, keepdims=True) + sqall[:, ADJ:]
          - 2.0 * mmall[:, ADJ:])
    mn = jnp.min(dn, axis=1, keepdims=True)
    i2f = jnp.min(jnp.where(dn == mn, fiota, big), axis=1)
    i2_ref[...] = i2f[:, None].astype(jnp.int32)


def _quant(zfall, ewt, sqall):
    nrows = zfall.shape[0]
    blk = 512
    grid = (nrows // blk,)
    full = lambda i: (0, 0)
    row = lambda i: (i, 0)
    return pl.pallas_call(
        _quant_body,
        grid=grid,
        in_specs=[pl.BlockSpec((blk, 2 * E), row),
                  pl.BlockSpec((2 * E, 2 * ADJ), full),
                  pl.BlockSpec((1, 2 * ADJ), full)],
        out_specs=[pl.BlockSpec((blk, 1), row),
                   pl.BlockSpec((blk, 1), row),
                   pl.BlockSpec((blk, 1), row)],
        out_shape=[jax.ShapeDtypeStruct((nrows, 1), jnp.int32),
                   jax.ShapeDtypeStruct((nrows, 1), jnp.int32),
                   jax.ShapeDtypeStruct((nrows, 1), jnp.int32)],
    )(zfall, ewt, sqall)


def kernel(z, code, edge_index, W1, b1, W2, b2):
    b = z.shape[0]
    src2d = edge_index[0].reshape(-1, EDGE_COLS)
    dst2d = edge_index[1].reshape(-1, EDGE_COLS)

    degp = _sc_degree(dst2d)
    mm1 = _mm1(code, W1)
    dinv, hs1 = _prep(degp, mm1)
    accp1 = _sc_scatter(hs1, src2d, dst2d)
    hs2 = _layer2(accp1, hs1, dinv, b1.reshape(1, E), W2)
    accp2 = _sc_scatter(hs2, src2d, dst2d)
    ew, ew2, ewt, sqall = _codebooks(accp2, hs2, dinv, b2.reshape(1, E))

    zfall = jnp.transpose(z, (0, 2, 3, 1)).reshape(-1, 2 * E)
    i1a, i1b, i2 = _quant(zfall, ewt, sqall)
    zqr, zq2r = _sc_gather(ew, ew2,
                           i1a.reshape(-1, EDGE_COLS),
                           i1b.reshape(-1, EDGE_COLS),
                           i2.reshape(-1, EDGE_COLS))
    zq, zq2, lossm = _finish(zfall, zqr, zq2r)

    h, w = z.shape[2], z.shape[3]
    z_adj_q = jnp.transpose(zq.reshape(b, h, w, E), (0, 3, 1, 2))
    z_noun_q = jnp.transpose(zq2.reshape(b, h, w, E), (0, 3, 1, 2))
    z_q = jnp.concatenate([z_adj_q, z_noun_q], axis=1)
    idx1 = jnp.concatenate([i1a, i1b], axis=1).reshape(b, -1)
    idx2 = i2.reshape(b, -1)
    loss = lossm.reshape(())
    return z_q, loss, idx1, idx2

# --- scband reference (transcript-rebuilt; emitter-appended) ---
"""Pipeline reference for scband-mlc-quantizer-noun-76553497084148 (READ-ONLY COPY).

The authoritative reference and input builder live on the scoring server;
editing this copy changes nothing except your own understanding.
"""

import jax, jax.numpy as jnp
import numpy as np

E_DIM = 32
ADJ_LEN = 4096
N_NODES = 8192
BETA = 0.25
TOPK = 2


def gcn_conv(x, edge_index, W, b, num_nodes):
    # torch_geometric GCNConv: D^-1/2 (A+I) D^-1/2 X W + b
    h = x @ W
    src = edge_index[0]
    dst = edge_index[1]
    loop = jnp.arange(num_nodes, dtype=src.dtype)
    src = jnp.concatenate([src, loop])
    dst = jnp.concatenate([dst, loop])
    deg = jnp.zeros((num_nodes,), dtype=h.dtype).at[dst].add(1.0)
    dinv = jnp.where(deg > 0, 1.0 / jnp.sqrt(deg), 0.0)
    norm = dinv[src] * dinv[dst]
    msg = jnp.take(h, src, axis=0) * norm[:, None]
    out = jnp.zeros_like(h).at[dst].add(msg)
    return out + b


def setup_inputs(seed: int = 0) -> dict:
    key = jax.random.key(seed)
    ks = jax.random.split(key, 7)
    z = jax.random.normal(ks[0], (64, 2 * E_DIM, 16, 16), dtype=jnp.float32)
    code = jax.random.normal(ks[1], (N_NODES, 768), dtype=jnp.float32) * 0.02
    edge_index = jax.random.randint(ks[2], (2, 131072), 0, N_NODES, dtype=jnp.int32)
    W1 = jax.random.normal(ks[3], (768, E_DIM), dtype=jnp.float32) * 0.05
    b1 = jnp.zeros((E_DIM,), dtype=jnp.float32)
    W2 = jax.random.normal(ks[4], (E_DIM, E_DIM), dtype=jnp.float32) * 0.05
    b2 = jnp.zeros((E_DIM,), dtype=jnp.float32)
    return {"z": z, "code": code, "edge_index": edge_index, "W1": W1, "b1": b1, "W2": W2, "b2": b2}


def reference(z, code, edge_index, W1, b1, W2, b2):
    sg = jax.lax.stop_gradient
    # GCN over codebook graph (eval mode: dropout is identity)
    h = gcn_conv(code, edge_index, W1, b1, N_NODES)
    h = jax.nn.relu(h)
    total = gcn_conv(h, edge_index, W2, b2, N_NODES)
    b = z.shape[0]
    # adjective branch: top-k quantization
    z_adj = jnp.transpose(z[:, :E_DIM], (0, 2, 3, 1))
    zf = z_adj.reshape(-1, E_DIM)
    ew = total[:ADJ_LEN]
    d = jnp.sum(zf ** 2, axis=1, keepdims=True) + jnp.sum(ew ** 2, axis=1)[None, :] - 2.0 * (zf @ ew.T)
    _, idx1 = jax.lax.top_k(-d, TOPK)
    zq = jnp.take(ew, idx1, axis=0).mean(axis=1).reshape(z_adj.shape)
    loss = jnp.mean((sg(zq) - z_adj) ** 2) + BETA * jnp.mean((zq - sg(z_adj)) ** 2)
    z_adj_q = z_adj + sg(zq - z_adj)
    z_adj_q = jnp.transpose(z_adj_q, (0, 3, 1, 2))
    idx1 = idx1.reshape(b, -1)  # sane_index_shape: (b*256, topk) -> (b, 256*topk)
    # noun branch: argmin quantization
    z_noun = jnp.transpose(z[:, E_DIM:], (0, 2, 3, 1))
    zf2 = z_noun.reshape(-1, E_DIM)
    ew2 = total[ADJ_LEN:]
    d2 = jnp.sum(zf2 ** 2, axis=1, keepdims=True) + jnp.sum(ew2 ** 2, axis=1)[None, :] - 2.0 * (zf2 @ ew2.T)
    idx2 = jnp.argmin(d2, axis=1)
    zq2 = jnp.take(ew2, idx2, axis=0).reshape(z_noun.shape)
    loss = loss + jnp.mean((sg(zq2) - z_noun) ** 2) + BETA * jnp.mean((zq2 - sg(z_noun)) ** 2)
    z_noun_q = z_noun + sg(zq2 - z_noun)
    z_noun_q = jnp.transpose(z_noun_q, (0, 3, 1, 2))
    z_q = jnp.concatenate([z_adj_q, z_noun_q], axis=1)
    idx2 = idx2.reshape(b, -1)
    return z_q, loss, idx1, idx2

if __name__ == "__main__":
    import jax
    _d = setup_inputs()
    print(jax.jit(kernel)(*tuple(_d.values())))

</pallas_src>

<mosaic_0001>
#map = affine_map<(d0, d1) -> (0, 0)>
#map1 = affine_map<(d0, d1) -> (0, 0, 0)>
module attributes {stable_mosaic.version = 14 : i64} {
  func.func @k(%arg0: i32, %arg1: i32, %arg2: memref<8192x32xf32, #tpu.memory_space<hbm>>, %arg3: memref<1024x128xi32, #tpu.memory_space<hbm>>, %arg4: memref<1024x128xi32, #tpu.memory_space<hbm>>, %arg5: memref<2x8192x32xf32, #tpu.memory_space<hbm>>, %arg6: memref<32x128xi32, #tpu.memory_space<vmem>>, %arg7: memref<32x128xi32, #tpu.memory_space<vmem>>, %arg8: memref<128x32xf32, #tpu.memory_space<vmem>>, %arg9: memref<128x32xf32, #tpu.memory_space<vmem>>, %arg10: memref<128x32xf32, #tpu.memory_space<vmem>>, %arg11: memref<128x32xf32, #tpu.memory_space<vmem>>, %arg12: memref<128x32xf32, #tpu.memory_space<vmem>>, %arg13: memref<8192x32xf32, #tpu.memory_space<vmem_shared>>, %arg14: memref<!tpu.dma_semaphore, #tpu.memory_space<semaphore_mem>>, %arg15: memref<!tpu.dma_semaphore, #tpu.memory_space<semaphore_mem>>, %arg16: memref<!tpu.dma_semaphore, #tpu.memory_space<semaphore_mem>>, %arg17: memref<!tpu.dma_semaphore, #tpu.memory_space<semaphore_mem>>, %arg18: memref<!tpu.dma_semaphore, #tpu.memory_space<semaphore_mem>>, %arg19: memref<!tpu.dma_semaphore, #tpu.memory_space<semaphore_mem>>, %arg20: memref<!tpu.dma_semaphore, #tpu.memory_space<semaphore_mem>>, %arg21: memref<!tpu.dma_semaphore, #tpu.memory_space<semaphore_mem>>) attributes {dimension_semantics = [#tpu.dimension_semantics<core_parallel>, #tpu.dimension_semantics<subcore_parallel>], iteration_bounds = array<i64: 2, 16>, scalar_prefetch = 0 : i64, scratch_operands = 16 : i64, tpu.core_type = #tpu.core_type<sc_vector_subcore>, window_params = [{transform_indices = #map}, {transform_indices = #map}, {transform_indices = #map}, {transform_indices = #map1}]} {
    %mul3A = arith.constant 16 : i32
    %mul3A_0 = arith.muli %arg0, %mul3A : i32
    %add3A = arith.addi %mul3A_0, %arg1 : i32
    %broadcast_in_dim3A = arith.constant 0.000000e+00 : f32
    %broadcast_in_dim3A_1 = vector.broadcast %broadcast_in_dim3A : f32 to vector<16xf32>
    %scan3A = arith.constant 0 : i32
    %scan3A_2 = arith.constant 0 : i32
    %scan3A_3 = arith.constant 128 : i32
    %scan3A_4 = arith.addi %scan3A_2, %scan3A_3 : i32
    %scan3A_5 = arith.constant 1 : i32
    %scan3A_6 = scf.for %scan3A_94 = %scan3A_2 to %scan3A_4 step %scan3A_5 iter_args(%scan3A_95 = %scan3A) -> (i32)  : i32 {
      %swap3A = arith.index_cast %scan3A_94 : i32 to index
      %swap3A_96 = arith.constant 0 : index
      %swap3A_97 = tpu.vector_load %arg12[%swap3A, %swap3A_96] {strides = array<i32>} : memref<128x32xf32, #tpu.memory_space<vmem>>, vector<1x16xf32>,
      %swap3A_98 = vector.shape_cast %swap3A_97 : vector<1x16xf32> to vector<16xf32>
      %swap3A_99 = vector.shape_cast %broadcast_in_dim3A_1 : vector<16xf32> to vector<1x16xf32>
      tpu.vector_store %arg12[%swap3A, %swap3A_96], %swap3A_99 {strides = array<i32>} : memref<128x32xf32, #tpu.memory_space<vmem>>, vector<1x16xf32>,
      %swap3A_100 = arith.index_cast %scan3A_94 : i32 to index
      %swap3A_101 = arith.constant 16 : index
      %swap3A_102 = tpu.vector_load %arg12[%swap3A_100, %swap3A_101] {strides = array<i32>} : memref<128x32xf32, #tpu.memory_space<vmem>>, vector<1x16xf32>,
      %swap3A_103 = vector.shape_cast %swap3A_102 : vector<1x16xf32> to vector<16xf32>
      %swap3A_104 = vector.shape_cast %broadcast_in_dim3A_1 : vector<16xf32> to vector<1x16xf32>
      tpu.vector_store %arg12[%swap3A_100, %swap3A_101], %swap3A_104 {strides = array<i32>} : memref<128x32xf32, #tpu.memory_space<vmem>>, vector<1x16xf32>,
      %scan3A_105 = arith.constant 0 : i32
      scf.yield %scan3A_105 : i32
    }
    %scan3A_7 = arith.constant 128 : i32
    %mul3A_8 = arith.constant 512 : i32
    %mul3A_9 = arith.muli %arg1, %mul3A_8 : i32
    %add3A_10 = arith.constant 0 : i32
    %add3A_11 = arith.addi %mul3A_9, %add3A_10 : i32
    "tpu.region"() ({
      %run_scoped3A = tpu.sem_alloc : memref<!tpu.dma_semaphore, #tpu.memory_space<semaphore_mem>>
      %dma_start3A_94 = arith.constant 0 : i32
      %dma_start3A_95 = tpu.memref_slice %arg13[%add3A_11, %dma_start3A_94] : memref<8192x32xf32, #tpu.memory_space<vmem_shared>> -> memref<128x32xf32, #tpu.memory_space<vmem_shared>>
      %dma_start3A_96 = arith.constant 0 : i32
      %dma_start3A_97 = tpu.memref_slice %arg13[%add3A_11, %dma_start3A_96] : memref<8192x32xf32, #tpu.memory_space<vmem_shared>> -> memref<128x32xf32, #tpu.memory_space<vmem_shared>>
      tpu.enqueue_dma source(%arg12 : memref<128x32xf32, #tpu.memory_space<vmem>>) target(%dma_start3A_97 : memref<128x32xf32, #tpu.memory_space<vmem_shared>>) target_semaphore(%run_scoped3A : memref<!tpu.dma_semaphore, #tpu.memory_space<semaphore_mem>>)
      %dma_wait3A_98 = arith.constant 0 : i32
      %dma_wait3A_99 = tpu.memref_slice %arg13[%add3A_11, %dma_wait3A_98] : memref<8192x32xf32, #tpu.memory_space<vmem_shared>> -> memref<128x32xf32, #tpu.memory_space<vmem_shared>>
      %dma_wait3A_100 = arith.constant 0 : i32
      %dma_wait3A_101 = tpu.memref_slice %arg13[%add3A_11, %dma_wait3A_100] : memref<8192x32xf32, #tpu.memory_space<vmem_shared>> -> memref<128x32xf32, #tpu.memory_space<vmem_shared>>
      tpu.wait_dma2 semaphore(%run_scoped3A : memref<!tpu.dma_semaphore, #tpu.memory_space<semaphore_mem>>) src(%arg12 : memref<128x32xf32, #tpu.memory_space<vmem>>) dst(%dma_wait3A_101 : memref<128x32xf32, #tpu.memory_space<vmem_shared>>)
      tpu.yield
    }) : () -> ()
    %mul3A_12 = arith.constant 512 : i32
    %mul3A_13 = arith.muli %arg1, %mul3A_12 : i32
    %add3A_14 = arith.constant 128 : i32
    %add3A_15 = arith.addi %mul3A_13, %add3A_14 : i32
    "tpu.region"() ({
      %run_scoped3A = tpu.sem_alloc : memref<!tpu.dma_semaphore, #tpu.memory_space<semaphore_mem>>
      %dma_start3A_94 = arith.constant 0 : i32
      %dma_start3A_95 = tpu.memref_slice %arg13[%add3A_15, %dma_start3A_94] : memref<8192x32xf32, #tpu.memory_space<vmem_shared>> -> memref<128x32xf32, #tpu.memory_space<vmem_shared>>
      %dma_start3A_96 = arith.constant 0 : i32
      %dma_start3A_97 = tpu.memref_slice %arg13[%add3A_15, %dma_start3A_96] : memref<8192x32xf32, #tpu.memory_space<vmem_shared>> -> memref<128x32xf32, #tpu.memory_space<vmem_shared>>
      tpu.enqueue_dma source(%arg12 : memref<128x32xf32, #tpu.memory_space<vmem>>) target(%dma_start3A_97 : memref<128x32xf32, #tpu.memory_space<vmem_shared>>) target_semaphore(%run_scoped3A : memref<!tpu.dma_semaphore, #tpu.memory_space<semaphore_mem>>)
      %dma_wait3A_98 = arith.constant 0 : i32
      %dma_wait3A_99 = tpu.memref_slice %arg13[%add3A_15, %dma_wait3A_98] : memref<8192x32xf32, #tpu.memory_space<vmem_shared>> -> memref<128x32xf32, #tpu.memory_space<vmem_shared>>
      %dma_wait3A_100 = arith.constant 0 : i32
      %dma_wait3A_101 = tpu.memref_slice %arg13[%add3A_15, %dma_wait3A_100] : memref<8192x32xf32, #tpu.memory_space<vmem_shared>> -> memref<128x32xf32, #tpu.memory_space<vmem_shared>>
      tpu.wait_dma2 semaphore(%run_scoped3A : memref<!tpu.dma_semaphore, #tpu.memory_space<semaphore_mem>>) src(%arg12 : memref<128x32xf32, #tpu.memory_space<vmem>>) dst(%dma_wait3A_101 : memref<128x32xf32, #tpu.memory_space<vmem_shared>>)
      tpu.yield
    }) : () -> ()
    %mul3A_16 = arith.constant 512 : i32
    %mul3A_17 = arith.muli %arg1, %mul3A_16 : i32
    %add3A_18 = arith.constant 256 : i32
    %add3A_19 = arith.addi %mul3A_17, %add3A_18 : i32
    "tpu.region"() ({
      %run_scoped3A = tpu.sem_alloc : memref<!tpu.dma_semaphore, #tpu.memory_space<semaphore_mem>>
      %dma_start3A_94 = arith.constant 0 : i32
      %dma_start3A_95 = tpu.memref_slice %arg13[%add3A_19, %dma_start3A_94] : memref<8192x32xf32, #tpu.memory_space<vmem_shared>> -> memref<128x32xf32, #tpu.memory_space<vmem_shared>>
      %dma_start3A_96 = arith.constant 0 : i32
      %dma_start3A_97 = tpu.memref_slice %arg13[%add3A_19, %dma_start3A_96] : memref<8192x32xf32, #tpu.memory_space<vmem_shared>> -> memref<128x32xf32, #tpu.memory_space<vmem_shared>>
      tpu.enqueue_dma source(%arg12 : memref<128x32xf32, #tpu.memory_space<vmem>>) target(%dma_start3A_97 : memref<128x32xf32, #tpu.memory_space<vmem_shared>>) target_semaphore(%run_scoped3A : memref<!tpu.dma_semaphore, #tpu.memory_space<semaphore_mem>>)
      %dma_wait3A_98 = arith.constant 0 : i32
      %dma_wait3A_99 = tpu.memref_slice %arg13[%add3A_19, %dma_wait3A_98] : memref<8192x32xf32, #tpu.memory_space<vmem_shared>> -> memref<128x32xf32, #tpu.memory_space<vmem_shared>>
      %dma_wait3A_100 = arith.constant 0 : i32
      %dma_wait3A_101 = tpu.memref_slice %arg13[%add3A_19, %dma_wait3A_100] : memref<8192x32xf32, #tpu.memory_space<vmem_shared>> -> memref<128x32xf32, #tpu.memory_space<vmem_shared>>
      tpu.wait_dma2 semaphore(%run_scoped3A : memref<!tpu.dma_semaphore, #tpu.memory_space<semaphore_mem>>) src(%arg12 : memref<128x32xf32, #tpu.memory_space<vmem>>) dst(%dma_wait3A_101 : memref<128x32xf32, #tpu.memory_space<vmem_shared>>)
      tpu.yield
    }) : () -> ()
    %mul3A_20 = arith.constant 512 : i32
    %mul3A_21 = arith.muli %arg1, %mul3A_20 : i32
    %add3A_22 = arith.constant 384 : i32
    %add3A_23 = arith.addi %mul3A_21, %add3A_22 : i32
    "tpu.region"() ({
      %run_scoped3A = tpu.sem_alloc : memref<!tpu.dma_semaphore, #tpu.memory_space<semaphore_mem>>
      %dma_start3A_94 = arith.constant 0 : i32
      %dma_start3A_95 = tpu.memref_slice %arg13[%add3A_23, %dma_start3A_94] : memref<8192x32xf32, #tpu.memory_space<vmem_shared>> -> memref<128x32xf32, #tpu.memory_space<vmem_shared>>
      %dma_start3A_96 = arith.constant 0 : i32
      %dma_start3A_97 = tpu.memref_slice %arg13[%add3A_23, %dma_start3A_96] : memref<8192x32xf32, #tpu.memory_space<vmem_shared>> -> memref<128x32xf32, #tpu.memory_space<vmem_shared>>
      tpu.enqueue_dma source(%arg12 : memref<128x32xf32, #tpu.memory_space<vmem>>) target(%dma_start3A_97 : memref<128x32xf32, #tpu.memory_space<vmem_shared>>) target_semaphore(%run_scoped3A : memref<!tpu.dma_semaphore, #tpu.memory_space<semaphore_mem>>)
      %dma_wait3A_98 = arith.constant 0 : i32
      %dma_wait3A_99 = tpu.memref_slice %arg13[%add3A_23, %dma_wait3A_98] : memref<8192x32xf32, #tpu.memory_space<vmem_shared>> -> memref<128x32xf32, #tpu.memory_space<vmem_shared>>
      %dma_wait3A_100 = arith.constant 0 : i32
      %dma_wait3A_101 = tpu.memref_slice %arg13[%add3A_23, %dma_wait3A_100] : memref<8192x32xf32, #tpu.memory_space<vmem_shared>> -> memref<128x32xf32, #tpu.memory_space<vmem_shared>>
      tpu.wait_dma2 semaphore(%run_scoped3A : memref<!tpu.dma_semaphore, #tpu.memory_space<semaphore_mem>>) src(%arg12 : memref<128x32xf32, #tpu.memory_space<vmem>>) dst(%dma_wait3A_101 : memref<128x32xf32, #tpu.memory_space<vmem_shared>>)
      tpu.yield
    }) : () -> ()
    %mul3A_24 = arith.constant 32 : i32
    %mul3A_25 = arith.muli %add3A, %mul3A_24 : i32
    "tpu.region"() ({
      %run_scoped3A = tpu.sem_alloc : memref<!tpu.dma_semaphore, #tpu.memory_space<semaphore_mem>>
      %dma_start3A_94 = arith.constant 0 : i32
      %dma_start3A_95 = tpu.memref_slice %arg3[%mul3A_25, %dma_start3A_94] : memref<1024x128xi32, #tpu.memory_space<hbm>> -> memref<32x128xi32, #tpu.memory_space<hbm>>
      %dma_start3A_96 = arith.constant 0 : i32
      %dma_start3A_97 = tpu.memref_slice %arg3[%mul3A_25, %dma_start3A_96] : memref<1024x128xi32, #tpu.memory_space<hbm>> -> memref<32x128xi32, #tpu.memory_space<hbm>>
      tpu.enqueue_dma source(%dma_start3A_97 : memref<32x128xi32, #tpu.memory_space<hbm>>) target(%arg6 : memref<32x128xi32, #tpu.memory_space<vmem>>) target_semaphore(%run_scoped3A : memref<!tpu.dma_semaphore, #tpu.memory_space<semaphore_mem>>)
      %dma_wait3A_98 = arith.constant 0 : i32
      %dma_wait3A_99 = tpu.memref_slice %arg3[%mul3A_25, %dma_wait3A_98] : memref<1024x128xi32, #tpu.memory_space<hbm>> -> memref<32x128xi32, #tpu.memory_space<hbm>>
      %dma_wait3A_100 = arith.constant 0 : i32
      %dma_wait3A_101 = tpu.memref_slice %arg3[%mul3A_25, %dma_wait3A_100] : memref<1024x128xi32, #tpu.memory_space<hbm>> -> memref<32x128xi32, #tpu.memory_space<hbm>>
      tpu.wait_dma2 semaphore(%run_scoped3A : memref<!tpu.dma_semaphore, #tpu.memory_space<semaphore_mem>>) src(%dma_wait3A_101 : memref<32x128xi32, #tpu.memory_space<hbm>>) dst(%arg6 : memref<32x128xi32, #tpu.memory_space<vmem>>)
      tpu.yield
    }) : () -> ()
    %mul3A_26 = arith.constant 32 : i32
    %mul3A_27 = arith.muli %add3A, %mul3A_26 : i32
    "tpu.region"() ({
      %run_scoped3A = tpu.sem_alloc : memref<!tpu.dma_semaphore, #tpu.memory_space<semaphore_mem>>
      %dma_start3A_94 = arith.constant 0 : i32
      %dma_start3A_95 = tpu.memref_slice %arg4[%mul3A_27, %dma_start3A_94] : memref<1024x128xi32, #tpu.memory_space<hbm>> -> memref<32x128xi32, #tpu.memory_space<hbm>>
      %dma_start3A_96 = arith.constant 0 : i32
      %dma_start3A_97 = tpu.memref_slice %arg4[%mul3A_27, %dma_start3A_96] : memref<1024x128xi32, #tpu.memory_space<hbm>> -> memref<32x128xi32, #tpu.memory_space<hbm>>
      tpu.enqueue_dma source(%dma_start3A_97 : memref<32x128xi32, #tpu.memory_space<hbm>>) target(%arg7 : memref<32x128xi32, #tpu.memory_space<vmem>>) target_semaphore(%run_scoped3A : memref<!tpu.dma_semaphore, #tpu.memory_space<semaphore_mem>>)
      %dma_wait3A_98 = arith.constant 0 : i32
      %dma_wait3A_99 = tpu.memref_slice %arg4[%mul3A_27, %dma_wait3A_98] : memref<1024x128xi32, #tpu.memory_space<hbm>> -> memref<32x128xi32, #tpu.memory_space<hbm>>
      %dma_wait3A_100 = arith.constant 0 : i32
      %dma_wait3A_101 = tpu.memref_slice %arg4[%mul3A_27, %dma_wait3A_100] : memref<1024x128xi32, #tpu.memory_space<hbm>> -> memref<32x128xi32, #tpu.memory_space<hbm>>
      tpu.wait_dma2 semaphore(%run_scoped3A : memref<!tpu.dma_semaphore, #tpu.memory_space<semaphore_mem>>) src(%dma_wait3A_101 : memref<32x128xi32, #tpu.memory_space<hbm>>) dst(%arg7 : memref<32x128xi32, #tpu.memory_space<vmem>>)
      tpu.yield
    }) : () -> ()
    %barrier3A = arith.constant 0 : index
    tpu.barrier barrier_id(%barrier3A)
    %dma_start3A = arith.constant 0 : i32
    %dma_start3A_28 = arith.constant 0 : i32
    %dma_start3A_29 = tpu.memref_slice %arg6[%dma_start3A, %dma_start3A_28] : memref<32x128xi32, #tpu.memory_space<vmem>> -> memref<1x128xi32, #tpu.memory_space<vmem>>
    %dma_start3A_30 = tpu.memref_squeeze %dma_start3A_29 : memref<1x128xi32, #tpu.memory_space<vmem>> -> memref<128xi32, #tpu.memory_space<vmem>>
    %dma_start3A_31 = arith.constant 0 : i32
    %dma_start3A_32 = arith.constant 0 : i32
    %dma_start3A_33 = tpu.memref_slice %arg2[%dma_start3A_31, %dma_start3A_32] : memref<8192x32xf32, #tpu.memory_space<hbm>> -> memref<8192x32xf32, #tpu.memory_space<hbm>>
    tpu.enqueue_indirect_dma source(%dma_start3A_33 : memref<8192x32xf32, #tpu.memory_space<hbm>>) target(%arg8 : memref<128x32xf32, #tpu.memory_space<vmem>>) offsets(%dma_start3A_30 : memref<128xi32, #tpu.memory_space<vmem>>) semaphore(%arg14 : memref<!tpu.dma_semaphore, #tpu.memory_space<semaphore_mem>>)
    %dma_start3A_34 = arith.constant 1 : i32
    %dma_start3A_35 = arith.constant 0 : i32
    %dma_start3A_36 = tpu.memref_slice %arg6[%dma_start3A_34, %dma_start3A_35] : memref<32x128xi32, #tpu.memory_space<vmem>> -> memref<1x128xi32, #tpu.memory_space<vmem>>
    %dma_start3A_37 = tpu.memref_squeeze %dma_start3A_36 : memref<1x128xi32, #tpu.memory_space<vmem>> -> memref<128xi32, #tpu.memory_space<vmem>>
    %dma_start3A_38 = arith.constant 0 : i32
    %dma_start3A_39 = arith.constant 0 : i32
    %dma_start3A_40 = tpu.memref_slice %arg2[%dma_start3A_38, %dma_start3A_39] : memref<8192x32xf32, #tpu.memory_space<hbm>> -> memref<8192x32xf32, #tpu.memory_space<hbm>>
    tpu.enqueue_indirect_dma source(%dma_start3A_40 : memref<8192x32xf32, #tpu.memory_space<hbm>>) target(%arg9 : memref<128x32xf32, #tpu.memory_space<vmem>>) offsets(%dma_start3A_37 : memref<128xi32, #tpu.memory_space<vmem>>) semaphore(%arg15 : memref<!tpu.dma_semaphore, #tpu.memory_space<semaphore_mem>>)
    %dma_start3A_41 = arith.constant 2 : i32
    %dma_start3A_42 = arith.constant 0 : i32
    %dma_start3A_43 = tpu.memref_slice %arg6[%dma_start3A_41, %dma_start3A_42] : memref<32x128xi32, #tpu.memory_space<vmem>> -> memref<1x128xi32, #tpu.memory_space<vmem>>
    %dma_start3A_44 = tpu.memref_squeeze %dma_start3A_43 : memref<1x128xi32, #tpu.memory_space<vmem>> -> memref<128xi32, #tpu.memory_space<vmem>>
    %dma_start3A_45 = arith.constant 0 : i32
    %dma_start3A_46 = arith.constant 0 : i32
    %dma_start3A_47 = tpu.memref_slice %arg2[%dma_start3A_45, %dma_start3A_46] : memref<8192x32xf32, #tpu.memory_space<hbm>> -> memref<8192x32xf32, #tpu.memory_space<hbm>>
    tpu.enqueue_indirect_dma source(%dma_start3A_47 : memref<8192x32xf32, #tpu.memory_space<hbm>>) target(%arg10 : memref<128x32xf32, #tpu.memory_space<vmem>>) offsets(%dma_start3A_44 : memref<128xi32, #tpu.memory_space<vmem>>) semaphore(%arg16 : memref<!tpu.dma_semaphore, #tpu.memory_space<semaphore_mem>>)
    %dma_start3A_48 = arith.constant 3 : i32
    %dma_start3A_49 = arith.constant 0 : i32
    %dma_start3A_50 = tpu.memref_slice %arg6[%dma_start3A_48, %dma_start3A_49] : memref<32x128xi32, #tpu.memory_space<vmem>> -> memref<1x128xi32, #tpu.memory_space<vmem>>
    %dma_start3A_51 = tpu.memref_squeeze %dma_start3A_50 : memref<1x128xi32, #tpu.memory_space<vmem>> -> memref<128xi32, #tpu.memory_space<vmem>>
    %dma_start3A_52 = arith.constant 0 : i32
    %dma_start3A_53 = arith.constant 0 : i32
    %dma_start3A_54 = tpu.memref_slice %arg2[%dma_start3A_52, %dma_start3A_53] : memref<8192x32xf32, #tpu.memory_space<hbm>> -> memref<8192x32xf32, #tpu.memory_space<hbm>>
    tpu.enqueue_indirect_dma source(%dma_start3A_54 : memref<8192x32xf32, #tpu.memory_space<hbm>>) target(%arg11 : memref<128x32xf32, #tpu.memory_space<vmem>>) offsets(%dma_start3A_51 : memref<128xi32, #tpu.memory_space<vmem>>) semaphore(%arg17 : memref<!tpu.dma_semaphore, #tpu.memory_space<semaphore_mem>>)
    %scan3A_55 = arith.constant 0 : i32
    %scan3A_56 = arith.constant 0 : i32
    %scan3A_57 = arith.constant 8 : i32
    %scan3A_58 = arith.addi %scan3A_56, %scan3A_57 : i32
    %scan3A_59 = arith.constant 1 : i32
    %scan3A_60 = scf.for %scan3A_94 = %scan3A_56 to %scan3A_58 step %scan3A_59 iter_args(%scan3A_95 = %scan3A_55) -> (i32)  : i32 {
      %mul3A_96 = arith.constant 4 : i32
      %mul3A_97 = arith.muli %scan3A_94, %mul3A_96 : i32
      %add3A_98 = arith.constant 0 : i32
      %add3A_99 = arith.addi %mul3A_97, %add3A_98 : i32
      %dma_wait3A_100 = arith.constant 0 : i32
      %dma_wait3A_101 = tpu.memref_slice %arg6[%add3A_99, %dma_wait3A_100] : memref<32x128xi32, #tpu.memory_space<vmem>> -> memref<1x128xi32, #tpu.memory_space<vmem>>
      %dma_wait3A_102 = tpu.memref_squeeze %dma_wait3A_101 : memref<1x128xi32, #tpu.memory_space<vmem>> -> memref<128xi32, #tpu.memory_space<vmem>>
      %dma_wait3A_103 = arith.constant 0 : i32
      %dma_wait3A_104 = arith.constant 0 : i32
      %dma_wait3A_105 = tpu.memref_slice %arg2[%dma_wait3A_103, %dma_wait3A_104] : memref<8192x32xf32, #tpu.memory_space<hbm>> -> memref<8192x32xf32, #tpu.memory_space<hbm>>
      tpu.wait_indirect_dma semaphore(%arg14 : memref<!tpu.dma_semaphore, #tpu.memory_space<semaphore_mem>>) src(%dma_wait3A_105 : memref<8192x32xf32, #tpu.memory_space<hbm>>) dst(%arg8 : memref<128x32xf32, #tpu.memory_space<vmem>>)
      %add3A_106 = arith.constant 0 : i32
      %add3A_107 = arith.addi %mul3A_97, %add3A_106 : i32
      %dma_start3A_108 = arith.constant 0 : i32
      %dma_start3A_109 = tpu.memref_slice %arg7[%add3A_107, %dma_start3A_108] : memref<32x128xi32, #tpu.memory_space<vmem>> -> memref<1x128xi32, #tpu.memory_space<vmem>>
      %dma_start3A_110 = tpu.memref_squeeze %dma_start3A_109 : memref<1x128xi32, #tpu.memory_space<vmem>> -> memref<128xi32, #tpu.memory_space<vmem>>
      %dma_start3A_111 = arith.constant 0 : i32
      %dma_start3A_112 = arith.constant 0 : i32
      %dma_start3A_113 = tpu.memref_slice %arg13[%dma_start3A_111, %dma_start3A_112] : memref<8192x32xf32, #tpu.memory_space<vmem_shared>> -> memref<8192x32xf32, #tpu.memory_space<vmem_shared>>
      tpu.enqueue_indirect_dma source(%arg8 : memref<128x32xf32, #tpu.memory_space<vmem>>) target(%dma_start3A_113 : memref<8192x32xf32, #tpu.memory_space<vmem_shared>>) offsets(%dma_start3A_110 : memref<128xi32, #tpu.memory_space<vmem>>) semaphore(%arg18 : memref<!tpu.dma_semaphore, #tpu.memory_space<semaphore_mem>>) {add = true}
      %add3A_114 = arith.constant 1 : i32
      %add3A_115 = arith.addi %mul3A_97, %add3A_114 : i32
      %dma_wait3A_116 = arith.constant 0 : i32
      %dma_wait3A_117 = tpu.memref_slice %arg6[%add3A_115, %dma_wait3A_116] : memref<32x128xi32, #tpu.memory_space<vmem>> -> memref<1x128xi32, #tpu.memory_space<vmem>>
      %dma_wait3A_118 = tpu.memref_squeeze %dma_wait3A_117 : memref<1x128xi32, #tpu.memory_space<vmem>> -> memref<128xi32, #tpu.memory_space<vmem>>
      %dma_wait3A_119 = arith.constant 0 : i32
      %dma_wait3A_120 = arith.constant 0 : i32
      %dma_wait3A_121 = tpu.memref_slice %arg2[%dma_wait3A_119, %dma_wait3A_120] : memref<8192x32xf32, #tpu.memory_space<hbm>> -> memref<8192x32xf32, #tpu.memory_space<hbm>>
      tpu.wait_indirect_dma semaphore(%arg15 : memref<!tpu.dma_semaphore, #tpu.memory_space<semaphore_mem>>) src(%dma_wait3A_121 : memref<8192x32xf32, #tpu.memory_space<hbm>>) dst(%arg9 : memref<128x32xf32, #tpu.memory_space<vmem>>)
      %add3A_122 = arith.constant 1 : i32
      %add3A_123 = arith.addi %mul3A_97, %add3A_122 : i32
      %dma_start3A_124 = arith.constant 0 : i32
      %dma_start3A_125 = tpu.memref_slice %arg7[%add3A_123, %dma_start3A_124] : memref<32x128xi32, #tpu.memory_space<vmem>> -> memref<1x128xi32, #tpu.memory_space<vmem>>
      %dma_start3A_126 = tpu.memref_squeeze %dma_start3A_125 : memref<1x128xi32, #tpu.memory_space<vmem>> -> memref<128xi32, #tpu.memory_space<vmem>>
      %dma_start3A_127 = arith.constant 0 : i32
      %dma_start3A_128 = arith.constant 0 : i32
      %dma_start3A_129 = tpu.memref_slice %arg13[%dma_start3A_127, %dma_start3A_128] : memref<8192x32xf32, #tpu.memory_space<vmem_shared>> -> memref<8192x32xf32, #tpu.memory_space<vmem_shared>>
      tpu.enqueue_indirect_dma source(%arg9 : memref<128x32xf32, #tpu.memory_space<vmem>>) target(%dma_start3A_129 : memref<8192x32xf32, #tpu.memory_space<vmem_shared>>) offsets(%dma_start3A_126 : memref<128xi32, #tpu.memory_space<vmem>>) semaphore(%arg19 : memref<!tpu.dma_semaphore, #tpu.memory_space<semaphore_mem>>) {add = true}
      %add3A_130 = arith.constant 2 : i32
      %add3A_131 = arith.addi %mul3A_97, %add3A_130 : i32
      %dma_wait3A_132 = arith.constant 0 : i32
      %dma_wait3A_133 = tpu.memref_slice %arg6[%add3A_131, %dma_wait3A_132] : memref<32x128xi32, #tpu.memory_space<vmem>> -> memref<1x128xi32, #tpu.memory_space<vmem>>
      %dma_wait3A_134 = tpu.memref_squeeze %dma_wait3A_133 : memref<1x128xi32, #tpu.memory_space<vmem>> -> memref<128xi32, #tpu.memory_space<vmem>>
      %dma_wait3A_135 = arith.constant 0 : i32
      %dma_wait3A_136 = arith.constant 0 : i32
      %dma_wait3A_137 = tpu.memref_slice %arg2[%dma_wait3A_135, %dma_wait3A_136] : memref<8192x32xf32, #tpu.memory_space<hbm>> -> memref<8192x32xf32, #tpu.memory_space<hbm>>
      tpu.wait_indirect_dma semaphore(%arg16 : memref<!tpu.dma_semaphore, #tpu.memory_space<semaphore_mem>>) src(%dma_wait3A_137 : memref<8192x32xf32, #tpu.memory_space<hbm>>) dst(%arg10 : memref<128x32xf32, #tpu.memory_space<vmem>>)
      %add3A_138 = arith.constant 2 : i32
      %add3A_139 = arith.addi %mul3A_97, %add3A_138 : i32
      %dma_start3A_140 = arith.constant 0 : i32
      %dma_start3A_141 = tpu.memref_slice %arg7[%add3A_139, %dma_start3A_140] : memref<32x128xi32, #tpu.memory_space<vmem>> -> memref<1x128xi32, #tpu.memory_space<vmem>>
      %dma_start3A_142 = tpu.memref_squeeze %dma_start3A_141 : memref<1x128xi32, #tpu.memory_space<vmem>> -> memref<128xi32, #tpu.memory_space<vmem>>
      %dma_start3A_143 = arith.constant 0 : i32
      %dma_start3A_144 = arith.constant 0 : i32
      %dma_start3A_145 = tpu.memref_slice %arg13[%dma_start3A_143, %dma_start3A_144] : memref<8192x32xf32, #tpu.memory_space<vmem_shared>> -> memref<8192x32xf32, #tpu.memory_space<vmem_shared>>
      tpu.enqueue_indirect_dma source(%arg10 : memref<128x32xf32, #tpu.memory_space<vmem>>) target(%dma_start3A_145 : memref<8192x32xf32, #tpu.memory_space<vmem_shared>>) offsets(%dma_start3A_142 : memref<128xi32, #tpu.memory_space<vmem>>) semaphore(%arg20 : memref<!tpu.dma_semaphore, #tpu.memory_space<semaphore_mem>>) {add = true}
      %add3A_146 = arith.constant 3 : i32
      %add3A_147 = arith.addi %mul3A_97, %add3A_146 : i32
      %dma_wait3A_148 = arith.constant 0 : i32
      %dma_wait3A_149 = tpu.memref_slice %arg6[%add3A_147, %dma_wait3A_148] : memref<32x128xi32, #tpu.memory_space<vmem>> -> memref<1x128xi32, #tpu.memory_space<vmem>>
      %dma_wait3A_150 = tpu.memref_squeeze %dma_wait3A_149 : memref<1x128xi32, #tpu.memory_space<vmem>> -> memref<128xi32, #tpu.memory_space<vmem>>
      %dma_wait3A_151 = arith.constant 0 : i32
      %dma_wait3A_152 = arith.constant 0 : i32
      %dma_wait3A_153 = tpu.memref_slice %arg2[%dma_wait3A_151, %dma_wait3A_152] : memref<8192x32xf32, #tpu.memory_space<hbm>> -> memref<8192x32xf32, #tpu.memory_space<hbm>>
      tpu.wait_indirect_dma semaphore(%arg17 : memref<!tpu.dma_semaphore, #tpu.memory_space<semaphore_mem>>) src(%dma_wait3A_153 : memref<8192x32xf32, #tpu.memory_space<hbm>>) dst(%arg11 : memref<128x32xf32, #tpu.memory_space<vmem>>)
      %add3A_154 = arith.constant 3 : i32
      %add3A_155 = arith.addi %mul3A_97, %add3A_154 : i32
      %dma_start3A_156 = arith.constant 0 : i32
      %dma_start3A_157 = tpu.memref_slice %arg7[%add3A_155, %dma_start3A_156] : memref<32x128xi32, #tpu.memory_space<vmem>> -> memref<1x128xi32, #tpu.memory_space<vmem>>
      %dma_start3A_158 = tpu.memref_squeeze %dma_start3A_157 : memref<1x128xi32, #tpu.memory_space<vmem>> -> memref<128xi32, #tpu.memory_space<vmem>>
      %dma_start3A_159 = arith.constant 0 : i32
      %dma_start3A_160 = arith.constant 0 : i32
      %dma_start3A_161 = tpu.memref_slice %arg13[%dma_start3A_159, %dma_start3A_160] : memref<8192x32xf32, #tpu.memory_space<vmem_shared>> -> memref<8192x32xf32, #tpu.memory_space<vmem_shared>>
      tpu.enqueue_indirect_dma source(%arg11 : memref<128x32xf32, #tpu.memory_space<vmem>>) target(%dma_start3A_161 : memref<8192x32xf32, #tpu.memory_space<vmem_shared>>) offsets(%dma_start3A_158 : memref<128xi32, #tpu.memory_space<vmem>>) semaphore(%arg21 : memref<!tpu.dma_semaphore, #tpu.memory_space<semaphore_mem>>) {add = true}
      %lt3A = arith.constant 7 : i32
      %lt3A_162 = arith.cmpi slt, %scan3A_94, %lt3A : i32
      %convert_element_type3A = arith.extui %lt3A_162 : i1 to i32
      %cond3A = arith.constant 0 : i32
      %cond3A_163 = arith.cmpi ne, %convert_element_type3A, %cond3A : i32
      scf.if %cond3A_163 {
        %add3A_180 = arith.constant 0 : i32
        %add3A_181 = arith.addi %mul3A_97, %add3A_180 : i32
        %dma_wait3A_182 = arith.constant 0 : i32
        %dma_wait3A_183 = tpu.memref_slice %arg7[%add3A_181, %dma_wait3A_182] : memref<32x128xi32, #tpu.memory_space<vmem>> -> memref<1x128xi32, #tpu.memory_space<vmem>>
        %dma_wait3A_184 = tpu.memref_squeeze %dma_wait3A_183 : memref<1x128xi32, #tpu.memory_space<vmem>> -> memref<128xi32, #tpu.memory_space<vmem>>
        %dma_wait3A_185 = arith.constant 0 : i32
        %dma_wait3A_186 = arith.constant 0 : i32
        %dma_wait3A_187 = tpu.memref_slice %arg13[%dma_wait3A_185, %dma_wait3A_186] : memref<8192x32xf32, #tpu.memory_space<vmem_shared>> -> memref<8192x32xf32, #tpu.memory_space<vmem_shared>>
        tpu.wait_indirect_dma semaphore(%arg18 : memref<!tpu.dma_semaphore, #tpu.memory_space<semaphore_mem>>) src(%arg8 : memref<128x32xf32, #tpu.memory_space<vmem>>) dst(%dma_wait3A_187 : memref<8192x32xf32, #tpu.memory_space<vmem_shared>>)
        %add3A_188 = arith.constant 4 : i32
        %add3A_189 = arith.addi %mul3A_97, %add3A_188 : i32
        %add3A_190 = arith.constant 0 : i32
        %add3A_191 = arith.addi %add3A_189, %add3A_190 : i32
        %dma_start3A_192 = arith.constant 0 : i32
        %dma_start3A_193 = tpu.memref_slice %arg6[%add3A_191, %dma_start3A_192] : memref<32x128xi32, #tpu.memory_space<vmem>> -> memref<1x128xi32, #tpu.memory_space<vmem>>
        %dma_start3A_194 = tpu.memref_squeeze %dma_start3A_193 : memref<1x128xi32, #tpu.memory_space<vmem>> -> memref<128xi32, #tpu.memory_space<vmem>>
        %dma_start3A_195 = arith.constant 0 : i32
        %dma_start3A_196 = arith.constant 0 : i32
        %dma_start3A_197 = tpu.memref_slice %arg2[%dma_start3A_195, %dma_start3A_196] : memref<8192x32xf32, #tpu.memory_space<hbm>> -> memref<8192x32xf32, #tpu.memory_space<hbm>>
        tpu.enqueue_indirect_dma source(%dma_start3A_197 : memref<8192x32xf32, #tpu.memory_space<hbm>>) target(%arg8 : memref<128x32xf32, #tpu.memory_space<vmem>>) offsets(%dma_start3A_194 : memref<128xi32, #tpu.memory_space<vmem>>) semaphore(%arg14 : memref<!tpu.dma_semaphore, #tpu.memory_space<semaphore_mem>>)
      } else {
      }
      %lt3A_164 = arith.constant 7 : i32
      %lt3A_165 = arith.cmpi slt, %scan3A_94, %lt3A_164 : i32
      %convert_element_type3A_166 = arith.extui %lt3A_165 : i1 to i32
      %cond3A_167 = arith.constant 0 : i32
      %cond3A_168 = arith.cmpi ne, %convert_element_type3A_166, %cond3A_167 : i32
      scf.if %cond3A_168 {
        %add3A_180 = arith.constant 1 : i32
        %add3A_181 = arith.addi %mul3A_97, %add3A_180 : i32
        %dma_wait3A_182 = arith.constant 0 : i32
        %dma_wait3A_183 = tpu.memref_slice %arg7[%add3A_181, %dma_wait3A_182] : memref<32x128xi32, #tpu.memory_space<vmem>> -> memref<1x128xi32, #tpu.memory_space<vmem>>
        %dma_wait3A_184 = tpu.memref_squeeze %dma_wait3A_183 : memref<1x128xi32, #tpu.memory_space<vmem>> -> memref<128xi32, #tpu.memory_space<vmem>>
        %dma_wait3A_185 = arith.constant 0 : i32
        %dma_wait3A_186 = arith.constant 0 : i32
        %dma_wait3A_187 = tpu.memref_slice %arg13[%dma_wait3A_185, %dma_wait3A_186] : memref<8192x32xf32, #tpu.memory_space<vmem_shared>> -> memref<8192x32xf32, #tpu.memory_space<vmem_shared>>
        tpu.wait_indirect_dma semaphore(%arg19 : memref<!tpu.dma_semaphore, #tpu.memory_space<semaphore_mem>>) src(%arg9 : memref<128x32xf32, #tpu.memory_space<vmem>>) dst(%dma_wait3A_187 : memref<8192x32xf32, #tpu.memory_space<vmem_shared>>)
        %add3A_188 = arith.constant 4 : i32
        %add3A_189 = arith.addi %mul3A_97, %add3A_188 : i32
        %add3A_190 = arith.constant 1 : i32
        %add3A_191 = arith.addi %add3A_189, %add3A_190 : i32
        %dma_start3A_192 = arith.constant 0 : i32
        %dma_start3A_193 = tpu.memref_slice %arg6[%add3A_191, %dma_start3A_192] : memref<32x128xi32, #tpu.memory_space<vmem>> -> memref<1x128xi32, #tpu.memory_space<vmem>>
        %dma_start3A_194 = tpu.memref_squeeze %dma_start3A_193 : memref<1x128xi32, #tpu.memory_space<vmem>> -> memref<128xi32, #tpu.memory_space<vmem>>
        %dma_start3A_195 = arith.constant 0 : i32
        %dma_start3A_196 = arith.constant 0 : i32
        %dma_start3A_197 = tpu.memref_slice %arg2[%dma_start3A_195, %dma_start3A_196] : memref<8192x32xf32, #tpu.memory_space<hbm>> -> memref<8192x32xf32, #tpu.memory_space<hbm>>
        tpu.enqueue_indirect_dma source(%dma_start3A_197 : memref<8192x32xf32, #tpu.memory_space<hbm>>) target(%arg9 : memref<128x32xf32, #tpu.memory_space<vmem>>) offsets(%dma_start3A_194 : memref<128xi32, #tpu.memory_space<vmem>>) semaphore(%arg15 : memref<!tpu.dma_semaphore, #tpu.memory_space<semaphore_mem>>)
      } else {
      }
      %lt3A_169 = arith.constant 7 : i32
      %lt3A_170 = arith.cmpi slt, %scan3A_94, %lt3A_169 : i32
      %convert_element_type3A_171 = arith.extui %lt3A_170 : i1 to i32
      %cond3A_172 = arith.constant 0 : i32
      %cond3A_173 = arith.cmpi ne, %convert_element_type3A_171, %cond3A_172 : i32
      scf.if %cond3A_173 {
        %add3A_180 = arith.constant 2 : i32
        %add3A_181 = arith.addi %mul3A_97, %add3A_180 : i32
        %dma_wait3A_182 = arith.constant 0 : i32
        %dma_wait3A_183 = tpu.memref_slice %arg7[%add3A_181, %dma_wait3A_182] : memref<32x128xi32, #tpu.memory_space<vmem>> -> memref<1x128xi32, #tpu.memory_space<vmem>>
        %dma_wait3A_184 = tpu.memref_squeeze %dma_wait3A_183 : memref<1x128xi32, #tpu.memory_space<vmem>> -> memref<128xi32, #tpu.memory_space<vmem>>
        %dma_wait3A_185 = arith.constant 0 : i32
        %dma_wait3A_186 = arith.constant 0 : i32
        %dma_wait3A_187 = tpu.memref_slice %arg13[%dma_wait3A_185, %dma_wait3A_186] : memref<8192x32xf32, #tpu.memory_space<vmem_shared>> -> memref<8192x32xf32, #tpu.memory_space<vmem_shared>>
        tpu.wait_indirect_dma semaphore(%arg20 : memref<!tpu.dma_semaphore, #tpu.memory_space<semaphore_mem>>) src(%arg10 : memref<128x32xf32, #tpu.memory_space<vmem>>) dst(%dma_wait3A_187 : memref<8192x32xf32, #tpu.memory_space<vmem_shared>>)
        %add3A_188 = arith.constant 4 : i32
        %add3A_189 = arith.addi %mul3A_97, %add3A_188 : i32
        %add3A_190 = arith.constant 2 : i32
        %add3A_191 = arith.addi %add3A_189, %add3A_190 : i32
        %dma_start3A_192 = arith.constant 0 : i32
        %dma_start3A_193 = tpu.memref_slice %arg6[%add3A_191, %dma_start3A_192] : memref<32x128xi32, #tpu.memory_space<vmem>> -> memref<1x128xi32, #tpu.memory_space<vmem>>
        %dma_start3A_194 = tpu.memref_squeeze %dma_start3A_193 : memref<1x128xi32, #tpu.memory_space<vmem>> -> memref<128xi32, #tpu.memory_space<vmem>>
        %dma_start3A_195 = arith.constant 0 : i32
        %dma_start3A_196 = arith.constant 0 : i32
        %dma_start3A_197 = tpu.memref_slice %arg2[%dma_start3A_195, %dma_start3A_196] : memref<8192x32xf32, #tpu.memory_space<hbm>> -> memref<8192x32xf32, #tpu.memory_space<hbm>>
        tpu.enqueue_indirect_dma source(%dma_start3A_197 : memref<8192x32xf32, #tpu.memory_space<hbm>>) target(%arg10 : memref<128x32xf32, #tpu.memory_space<vmem>>) offsets(%dma_start3A_194 : memref<128xi32, #tpu.memory_space<vmem>>) semaphore(%arg16 : memref<!tpu.dma_semaphore, #tpu.memory_space<semaphore_mem>>)
      } else {
      }
      %lt3A_174 = arith.constant 7 : i32
      %lt3A_175 = arith.cmpi slt, %scan3A_94, %lt3A_174 : i32
      %convert_element_type3A_176 = arith.extui %lt3A_175 : i1 to i32
      %cond3A_177 = arith.constant 0 : i32
      %cond3A_178 = arith.cmpi ne, %convert_element_type3A_176, %cond3A_177 : i32
      scf.if %cond3A_178 {
        %add3A_180 = arith.constant 3 : i32
        %add3A_181 = arith.addi %mul3A_97, %add3A_180 : i32
        %dma_wait3A_182 = arith.constant 0 : i32
        %dma_wait3A_183 = tpu.memref_slice %arg7[%add3A_181, %dma_wait3A_182] : memref<32x128xi32, #tpu.memory_space<vmem>> -> memref<1x128xi32, #tpu.memory_space<vmem>>
        %dma_wait3A_184 = tpu.memref_squeeze %dma_wait3A_183 : memref<1x128xi32, #tpu.memory_space<vmem>> -> memref<128xi32, #tpu.memory_space<vmem>>
        %dma_wait3A_185 = arith.constant 0 : i32
        %dma_wait3A_186 = arith.constant 0 : i32
        %dma_wait3A_187 = tpu.memref_slice %arg13[%dma_wait3A_185, %dma_wait3A_186] : memref<8192x32xf32, #tpu.memory_space<vmem_shared>> -> memref<8192x32xf32, #tpu.memory_space<vmem_shared>>
        tpu.wait_indirect_dma semaphore(%arg21 : memref<!tpu.dma_semaphore, #tpu.memory_space<semaphore_mem>>) src(%arg11 : memref<128x32xf32, #tpu.memory_space<vmem>>) dst(%dma_wait3A_187 : memref<8192x32xf32, #tpu.memory_space<vmem_shared>>)
        %add3A_188 = arith.constant 4 : i32
        %add3A_189 = arith.addi %mul3A_97, %add3A_188 : i32
        %add3A_190 = arith.constant 3 : i32
        %add3A_191 = arith.addi %add3A_189, %add3A_190 : i32
        %dma_start3A_192 = arith.constant 0 : i32
        %dma_start3A_193 = tpu.memref_slice %arg6[%add3A_191, %dma_start3A_192] : memref<32x128xi32, #tpu.memory_space<vmem>> -> memref<1x128xi32, #tpu.memory_space<vmem>>
        %dma_start3A_194 = tpu.memref_squeeze %dma_start3A_193 : memref<1x128xi32, #tpu.memory_space<vmem>> -> memref<128xi32, #tpu.memory_space<vmem>>
        %dma_start3A_195 = arith.constant 0 : i32
        %dma_start3A_196 = arith.constant 0 : i32
        %dma_start3A_197 = tpu.memref_slice %arg2[%dma_start3A_195, %dma_start3A_196] : memref<8192x32xf32, #tpu.memory_space<hbm>> -> memref<8192x32xf32, #tpu.memory_space<hbm>>
        tpu.enqueue_indirect_dma source(%dma_start3A_197 : memref<8192x32xf32, #tpu.memory_space<hbm>>) target(%arg11 : memref<128x32xf32, #tpu.memory_space<vmem>>) offsets(%dma_start3A_194 : memref<128xi32, #tpu.memory_space<vmem>>) semaphore(%arg17 : memref<!tpu.dma_semaphore, #tpu.memory_space<semaphore_mem>>)
      } else {
      }
      %scan3A_179 = arith.constant 0 : i32
      scf.yield %scan3A_179 : i32
    }
    %scan3A_61 = arith.constant 8 : i32
    %dma_wait3A = arith.constant 28 : i32
    %dma_wait3A_62 = arith.constant 0 : i32
    %dma_wait3A_63 = tpu.memref_slice %arg7[%dma_wait3A, %dma_wait3A_62] : memref<32x128xi32, #tpu.memory_space<vmem>> -> memref<1x128xi32, #tpu.memory_space<vmem>>
    %dma_wait3A_64 = tpu.memref_squeeze %dma_wait3A_63 : memref<1x128xi32, #tpu.memory_space<vmem>> -> memref<128xi32, #tpu.memory_space<vmem>>
    %dma_wait3A_65 = arith.constant 0 : i32
    %dma_wait3A_66 = arith.constant 0 : i32
    %dma_wait3A_67 = tpu.memref_slice %arg13[%dma_wait3A_65, %dma_wait3A_66] : memref<8192x32xf32, #tpu.memory_space<vmem_shared>> -> memref<8192x32xf32, #tpu.memory_space<vmem_shared>>
    tpu.wait_indirect_dma semaphore(%arg18 : memref<!tpu.dma_semaphore, #tpu.memory_space<semaphore_mem>>) src(%arg8 : memref<128x32xf32, #tpu.memory_space<vmem>>) dst(%dma_wait3A_67 : memref<8192x32xf32, #tpu.memory_space<vmem_shared>>)
    %dma_wait3A_68 = arith.constant 29 : i32
    %dma_wait3A_69 = arith.constant 0 : i32
    %dma_wait3A_70 = tpu.memref_slice %arg7[%dma_wait3A_68, %dma_wait3A_69] : memref<32x128xi32, #tpu.memory_space<vmem>> -> memref<1x128xi32, #tpu.memory_space<vmem>>
    %dma_wait3A_71 = tpu.memref_squeeze %dma_wait3A_70 : memref<1x128xi32, #tpu.memory_space<vmem>> -> memref<128xi32, #tpu.memory_space<vmem>>
    %dma_wait3A_72 = arith.constant 0 : i32
    %dma_wait3A_73 = arith.constant 0 : i32
    %dma_wait3A_74 = tpu.memref_slice %arg13[%dma_wait3A_72, %dma_wait3A_73] : memref<8192x32xf32, #tpu.memory_space<vmem_shared>> -> memref<8192x32xf32, #tpu.memory_space<vmem_shared>>
    tpu.wait_indirect_dma semaphore(%arg19 : memref<!tpu.dma_semaphore, #tpu.memory_space<semaphore_mem>>) src(%arg9 : memref<128x32xf32, #tpu.memory_space<vmem>>) dst(%dma_wait3A_74 : memref<8192x32xf32, #tpu.memory_space<vmem_shared>>)
    %dma_wait3A_75 = arith.constant 30 : i32
    %dma_wait3A_76 = arith.constant 0 : i32
    %dma_wait3A_77 = tpu.memref_slice %arg7[%dma_wait3A_75, %dma_wait3A_76] : memref<32x128xi32, #tpu.memory_space<vmem>> -> memref<1x128xi32, #tpu.memory_space<vmem>>
    %dma_wait3A_78 = tpu.memref_squeeze %dma_wait3A_77 : memref<1x128xi32, #tpu.memory_space<vmem>> -> memref<128xi32, #tpu.memory_space<vmem>>
    %dma_wait3A_79 = arith.constant 0 : i32
    %dma_wait3A_80 = arith.constant 0 : i32
    %dma_wait3A_81 = tpu.memref_slice %arg13[%dma_wait3A_79, %dma_wait3A_80] : memref<8192x32xf32, #tpu.memory_space<vmem_shared>> -> memref<8192x32xf32, #tpu.memory_space<vmem_shared>>
    tpu.wait_indirect_dma semaphore(%arg20 : memref<!tpu.dma_semaphore, #tpu.memory_space<semaphore_mem>>) src(%arg10 : memref<128x32xf32, #tpu.memory_space<vmem>>) dst(%dma_wait3A_81 : memref<8192x32xf32, #tpu.memory_space<vmem_shared>>)
    %dma_wait3A_82 = arith.constant 31 : i32
    %dma_wait3A_83 = arith.constant 0 : i32
    %dma_wait3A_84 = tpu.memref_slice %arg7[%dma_wait3A_82, %dma_wait3A_83] : memref<32x128xi32, #tpu.memory_space<vmem>> -> memref<1x128xi32, #tpu.memory_space<vmem>>
    %dma_wait3A_85 = tpu.memref_squeeze %dma_wait3A_84 : memref<1x128xi32, #tpu.memory_space<vmem>> -> memref<128xi32, #tpu.memory_space<vmem>>
    %dma_wait3A_86 = arith.constant 0 : i32
    %dma_wait3A_87 = arith.constant 0 : i32
    %dma_wait3A_88 = tpu.memref_slice %arg13[%dma_wait3A_86, %dma_wait3A_87] : memref<8192x32xf32, #tpu.memory_space<vmem_shared>> -> memref<8192x32xf32, #tpu.memory_space<vmem_shared>>
    tpu.wait_indirect_dma semaphore(%arg21 : memref<!tpu.dma_semaphore, #tpu.memory_space<semaphore_mem>>) src(%arg11 : memref<128x32xf32, #tpu.memory_space<vmem>>) dst(%dma_wait3A_88 : memref<8192x32xf32, #tpu.memory_space<vmem_shared>>)
    %barrier3A_89 = arith.constant 0 : index
    tpu.barrier barrier_id(%barrier3A_89)
    %mul3A_90 = arith.constant 512 : i32
    %mul3A_91 = arith.muli %arg1, %mul3A_90 : i32
    %mul3A_92 = arith.constant 512 : i32
    %mul3A_93 = arith.muli %arg1, %mul3A_92 : i32
    "tpu.region"() ({
      %run_scoped3A = tpu.sem_alloc : memref<!tpu.dma_semaphore, #tpu.memory_space<semaphore_mem>>
      %dma_start3A_94 = arith.constant 0 : i32
      %dma_start3A_95 = tpu.memref_slice %arg5[%arg0, %mul3A_93, %dma_start3A_94] : memref<2x8192x32xf32, #tpu.memory_space<hbm>> -> memref<1x512x32xf32, #tpu.memory_space<hbm>>
      %dma_start3A_96 = tpu.memref_squeeze %dma_start3A_95 : memref<1x512x32xf32, #tpu.memory_space<hbm>> -> memref<512x32xf32, #tpu.memory_space<hbm>>
      %dma_start3A_97 = arith.constant 0 : i32
      %dma_start3A_98 = tpu.memref_slice %arg13[%mul3A_91, %dma_start3A_97] : memref<8192x32xf32, #tpu.memory_space<vmem_shared>> -> memref<512x32xf32, #tpu.memory_space<vmem_shared>>
      tpu.enqueue_dma source(%dma_start3A_98 : memref<512x32xf32, #tpu.memory_space<vmem_shared>>) target(%dma_start3A_96 : memref<512x32xf32, #tpu.memory_space<hbm>>) target_semaphore(%run_scoped3A : memref<!tpu.dma_semaphore, #tpu.memory_space<semaphore_mem>>)
      %dma_wait3A_99 = arith.constant 0 : i32
      %dma_wait3A_100 = tpu.memref_slice %arg5[%arg0, %mul3A_93, %dma_wait3A_99] : memref<2x8192x32xf32, #tpu.memory_space<hbm>> -> memref<1x512x32xf32, #tpu.memory_space<hbm>>
      %dma_wait3A_101 = tpu.memref_squeeze %dma_wait3A_100 : memref<1x512x32xf32, #tpu.memory_space<hbm>> -> memref<512x32xf32, #tpu.memory_space<hbm>>
      %dma_wait3A_102 = arith.constant 0 : i32
      %dma_wait3A_103 = tpu.memref_slice %arg13[%mul3A_91, %dma_wait3A_102] : memref<8192x32xf32, #tpu.memory_space<vmem_shared>> -> memref<512x32xf32, #tpu.memory_space<vmem_shared>>
      tpu.wait_dma2 semaphore(%run_scoped3A : memref<!tpu.dma_semaphore, #tpu.memory_space<semaphore_mem>>) src(%dma_wait3A_103 : memref<512x32xf32, #tpu.memory_space<vmem_shared>>) dst(%dma_wait3A_101 : memref<512x32xf32, #tpu.memory_space<hbm>>)
      tpu.yield
    }) : () -> ()
    return
  }
}

#map = affine_map<(d0, d1) -> (0, 0)>
#map1 = affine_map<(d0, d1) -> (0, 0, 0)>
module attributes {stable_mosaic.version = 14 : i64} {
  func.func @k(%arg0: i32, %arg1: i32, %arg2: memref<8192x32xf32, #tpu.memory_space<hbm>>, %arg3: memref<1024x128xi32, #tpu.memory_space<hbm>>, %arg4: memref<1024x128xi32, #tpu.memory_space<hbm>>, %arg5: memref<2x8192x32xf32, #tpu.memory_space<hbm>>, %arg6: memref<32x128xi32, #tpu.memory_space<vmem>>, %arg7: memref<32x128xi32, #tpu.memory_space<vmem>>, %arg8: memref<128x32xf32, #tpu.memory_space<vmem>>, %arg9: memref<128x32xf32, #tpu.memory_space<vmem>>, %arg10: memref<128x32xf32, #tpu.memory_space<vmem>>, %arg11: memref<128x32xf32, #tpu.memory_space<vmem>>, %arg12: memref<128x32xf32, #tpu.memory_space<vmem>>, %arg13: memref<8192x32xf32, #tpu.memory_space<vmem_shared>>, %arg14: memref<!tpu.dma_semaphore, #tpu.memory_space<semaphore_mem>>, %arg15: memref<!tpu.dma_semaphore, #tpu.memory_space<semaphore_mem>>, %arg16: memref<!tpu.dma_semaphore, #tpu.memory_space<semaphore_mem>>, %arg17: memref<!tpu.dma_semaphore, #tpu.memory_space<semaphore_mem>>, %arg18: memref<!tpu.dma_semaphore, #tpu.memory_space<semaphore_mem>>, %arg19: memref<!tpu.dma_semaphore, #tpu.memory_space<semaphore_mem>>, %arg20: memref<!tpu.dma_semaphore, #tpu.memory_space<semaphore_mem>>, %arg21: memref<!tpu.dma_semaphore, #tpu.memory_space<semaphore_mem>>) attributes {dimension_semantics = [#tpu.dimension_semantics<core_parallel>, #tpu.dimension_semantics<subcore_parallel>], iteration_bounds = array<i64: 2, 16>, scalar_prefetch = 0 : i64, scratch_operands = 16 : i64, tpu.core_type = #tpu.core_type<sc_vector_subcore>, window_params = [{transform_indices = #map}, {transform_indices = #map}, {transform_indices = #map}, {transform_indices = #map1}]} {
    %mul3A = arith.constant 16 : i32
    %mul3A_0 = arith.muli %arg0, %mul3A : i32
    %add3A = arith.addi %mul3A_0, %arg1 : i32
    %broadcast_in_dim3A = arith.constant 0.000000e+00 : f32
    %broadcast_in_dim3A_1 = vector.broadcast %broadcast_in_dim3A : f32 to vector<16xf32>
    %scan3A = arith.constant 0 : i32
    %scan3A_2 = arith.constant 0 : i32
    %scan3A_3 = arith.constant 128 : i32
    %scan3A_4 = arith.addi %scan3A_2, %scan3A_3 : i32
    %scan3A_5 = arith.constant 1 : i32
    %scan3A_6 = scf.for %scan3A_94 = %scan3A_2 to %scan3A_4 step %scan3A_5 iter_args(%scan3A_95 = %scan3A) -> (i32)  : i32 {
      %swap3A = arith.index_cast %scan3A_94 : i32 to index
      %swap3A_96 = arith.constant 0 : index
      %swap3A_97 = tpu.vector_load %arg12[%swap3A, %swap3A_96] {strides = array<i32>} : memref<128x32xf32, #tpu.memory_space<vmem>>, vector<1x16xf32>,
      %swap3A_98 = vector.shape_cast %swap3A_97 : vector<1x16xf32> to vector<16xf32>
      %swap3A_99 = vector.shape_cast %broadcast_in_dim3A_1 : vector<16xf32> to vector<1x16xf32>
      tpu.vector_store %arg12[%swap3A, %swap3A_96], %swap3A_99 {strides = array<i32>} : memref<128x32xf32, #tpu.memory_space<vmem>>, vector<1x16xf32>,
      %swap3A_100 = arith.index_cast %scan3A_94 : i32 to index
      %swap3A_101 = arith.constant 16 : index
      %swap3A_102 = tpu.vector_load %arg12[%swap3A_100, %swap3A_101] {strides = array<i32>} : memref<128x32xf32, #tpu.memory_space<vmem>>, vector<1x16xf32>,
      %swap3A_103 = vector.shape_cast %swap3A_102 : vector<1x16xf32> to vector<16xf32>
      %swap3A_104 = vector.shape_cast %broadcast_in_dim3A_1 : vector<16xf32> to vector<1x16xf32>
      tpu.vector_store %arg12[%swap3A_100, %swap3A_101], %swap3A_104 {strides = array<i32>} : memref<128x32xf32, #tpu.memory_space<vmem>>, vector<1x16xf32>,
      %scan3A_105 = arith.constant 0 : i32
      scf.yield %scan3A_105 : i32
    }
    %scan3A_7 = arith.constant 128 : i32
    %mul3A_8 = arith.constant 512 : i32
    %mul3A_9 = arith.muli %arg1, %mul3A_8 : i32
    %add3A_10 = arith.constant 0 : i32
    %add3A_11 = arith.addi %mul3A_9, %add3A_10 : i32
    "tpu.region"() ({
      %run_scoped3A = tpu.sem_alloc : memref<!tpu.dma_semaphore, #tpu.memory_space<semaphore_mem>>
      %dma_start3A_94 = arith.constant 0 : i32
      %dma_start3A_95 = tpu.memref_slice %arg13[%add3A_11, %dma_start3A_94] : memref<8192x32xf32, #tpu.memory_space<vmem_shared>> -> memref<128x32xf32, #tpu.memory_space<vmem_shared>>
      %dma_start3A_96 = arith.constant 0 : i32
      %dma_start3A_97 = tpu.memref_slice %arg13[%add3A_11, %dma_start3A_96] : memref<8192x32xf32, #tpu.memory_space<vmem_shared>> -> memref<128x32xf32, #tpu.memory_space<vmem_shared>>
      tpu.enqueue_dma source(%arg12 : memref<128x32xf32, #tpu.memory_space<vmem>>) target(%dma_start3A_97 : memref<128x32xf32, #tpu.memory_space<vmem_shared>>) target_semaphore(%run_scoped3A : memref<!tpu.dma_semaphore, #tpu.memory_space<semaphore_mem>>)
      %dma_wait3A_98 = arith.constant 0 : i32
      %dma_wait3A_99 = tpu.memref_slice %arg13[%add3A_11, %dma_wait3A_98] : memref<8192x32xf32, #tpu.memory_space<vmem_shared>> -> memref<128x32xf32, #tpu.memory_space<vmem_shared>>
      %dma_wait3A_100 = arith.constant 0 : i32
      %dma_wait3A_101 = tpu.memref_slice %arg13[%add3A_11, %dma_wait3A_100] : memref<8192x32xf32, #tpu.memory_space<vmem_shared>> -> memref<128x32xf32, #tpu.memory_space<vmem_shared>>
      tpu.wait_dma2 semaphore(%run_scoped3A : memref<!tpu.dma_semaphore, #tpu.memory_space<semaphore_mem>>) src(%arg12 : memref<128x32xf32, #tpu.memory_space<vmem>>) dst(%dma_wait3A_101 : memref<128x32xf32, #tpu.memory_space<vmem_shared>>)
      tpu.yield
    }) : () -> ()
    %mul3A_12 = arith.constant 512 : i32
    %mul3A_13 = arith.muli %arg1, %mul3A_12 : i32
    %add3A_14 = arith.constant 128 : i32
    %add3A_15 = arith.addi %mul3A_13, %add3A_14 : i32
    "tpu.region"() ({
      %run_scoped3A = tpu.sem_alloc : memref<!tpu.dma_semaphore, #tpu.memory_space<semaphore_mem>>
      %dma_start3A_94 = arith.constant 0 : i32
      %dma_start3A_95 = tpu.memref_slice %arg13[%add3A_15, %dma_start3A_94] : memref<8192x32xf32, #tpu.memory_space<vmem_shared>> -> memref<128x32xf32, #tpu.memory_space<vmem_shared>>
      %dma_start3A_96 = arith.constant 0 : i32
      %dma_start3A_97 = tpu.memref_slice %arg13[%add3A_15, %dma_start3A_96] : memref<8192x32xf32, #tpu.memory_space<vmem_shared>> -> memref<128x32xf32, #tpu.memory_space<vmem_shared>>
      tpu.enqueue_dma source(%arg12 : memref<128x32xf32, #tpu.memory_space<vmem>>) target(%dma_start3A_97 : memref<128x32xf32, #tpu.memory_space<vmem_shared>>) target_semaphore(%run_scoped3A : memref<!tpu.dma_semaphore, #tpu.memory_space<semaphore_mem>>)
      %dma_wait3A_98 = arith.constant 0 : i32
      %dma_wait3A_99 = tpu.memref_slice %arg13[%add3A_15, %dma_wait3A_98] : memref<8192x32xf32, #tpu.memory_space<vmem_shared>> -> memref<128x32xf32, #tpu.memory_space<vmem_shared>>
      %dma_wait3A_100 = arith.constant 0 : i32
      %dma_wait3A_101 = tpu.memref_slice %arg13[%add3A_15, %dma_wait3A_100] : memref<8192x32xf32, #tpu.memory_space<vmem_shared>> -> memref<128x32xf32, #tpu.memory_space<vmem_shared>>
      tpu.wait_dma2 semaphore(%run_scoped3A : memref<!tpu.dma_semaphore, #tpu.memory_space<semaphore_mem>>) src(%arg12 : memref<128x32xf32, #tpu.memory_space<vmem>>) dst(%dma_wait3A_101 : memref<128x32xf32, #tpu.memory_space<vmem_shared>>)
      tpu.yield
    }) : () -> ()
    %mul3A_16 = arith.constant 512 : i32
    %mul3A_17 = arith.muli %arg1, %mul3A_16 : i32
    %add3A_18 = arith.constant 256 : i32
    %add3A_19 = arith.addi %mul3A_17, %add3A_18 : i32
    "tpu.region"() ({
      %run_scoped3A = tpu.sem_alloc : memref<!tpu.dma_semaphore, #tpu.memory_space<semaphore_mem>>
      %dma_start3A_94 = arith.constant 0 : i32
      %dma_start3A_95 = tpu.memref_slice %arg13[%add3A_19, %dma_start3A_94] : memref<8192x32xf32, #tpu.memory_space<vmem_shared>> -> memref<128x32xf32, #tpu.memory_space<vmem_shared>>
      %dma_start3A_96 = arith.constant 0 : i32
      %dma_start3A_97 = tpu.memref_slice %arg13[%add3A_19, %dma_start3A_96] : memref<8192x32xf32, #tpu.memory_space<vmem_shared>> -> memref<128x32xf32, #tpu.memory_space<vmem_shared>>
      tpu.enqueue_dma source(%arg12 : memref<128x32xf32, #tpu.memory_space<vmem>>) target(%dma_start3A_97 : memref<128x32xf32, #tpu.memory_space<vmem_shared>>) target_semaphore(%run_scoped3A : memref<!tpu.dma_semaphore, #tpu.memory_space<semaphore_mem>>)
      %dma_wait3A_98 = arith.constant 0 : i32
      %dma_wait3A_99 = tpu.memref_slice %arg13[%add3A_19, %dma_wait3A_98] : memref<8192x32xf32, #tpu.memory_space<vmem_shared>> -> memref<128x32xf32, #tpu.memory_space<vmem_shared>>
      %dma_wait3A_100 = arith.constant 0 : i32
      %dma_wait3A_101 = tpu.memref_slice %arg13[%add3A_19, %dma_wait3A_100] : memref<8192x32xf32, #tpu.memory_space<vmem_shared>> -> memref<128x32xf32, #tpu.memory_space<vmem_shared>>
      tpu.wait_dma2 semaphore(%run_scoped3A : memref<!tpu.dma_semaphore, #tpu.memory_space<semaphore_mem>>) src(%arg12 : memref<128x32xf32, #tpu.memory_space<vmem>>) dst(%dma_wait3A_101 : memref<128x32xf32, #tpu.memory_space<vmem_shared>>)
      tpu.yield
    }) : () -> ()
    %mul3A_20 = arith.constant 512 : i32
    %mul3A_21 = arith.muli %arg1, %mul3A_20 : i32
    %add3A_22 = arith.constant 384 : i32
    %add3A_23 = arith.addi %mul3A_21, %add3A_22 : i32
    "tpu.region"() ({
      %run_scoped3A = tpu.sem_alloc : memref<!tpu.dma_semaphore, #tpu.memory_space<semaphore_mem>>
      %dma_start3A_94 = arith.constant 0 : i32
      %dma_start3A_95 = tpu.memref_slice %arg13[%add3A_23, %dma_start3A_94] : memref<8192x32xf32, #tpu.memory_space<vmem_shared>> -> memref<128x32xf32, #tpu.memory_space<vmem_shared>>
      %dma_start3A_96 = arith.constant 0 : i32
      %dma_start3A_97 = tpu.memref_slice %arg13[%add3A_23, %dma_start3A_96] : memref<8192x32xf32, #tpu.memory_space<vmem_shared>> -> memref<128x32xf32, #tpu.memory_space<vmem_shared>>
      tpu.enqueue_dma source(%arg12 : memref<128x32xf32, #tpu.memory_space<vmem>>) target(%dma_start3A_97 : memref<128x32xf32, #tpu.memory_space<vmem_shared>>) target_semaphore(%run_scoped3A : memref<!tpu.dma_semaphore, #tpu.memory_space<semaphore_mem>>)
      %dma_wait3A_98 = arith.constant 0 : i32
      %dma_wait3A_99 = tpu.memref_slice %arg13[%add3A_23, %dma_wait3A_98] : memref<8192x32xf32, #tpu.memory_space<vmem_shared>> -> memref<128x32xf32, #tpu.memory_space<vmem_shared>>
      %dma_wait3A_100 = arith.constant 0 : i32
      %dma_wait3A_101 = tpu.memref_slice %arg13[%add3A_23, %dma_wait3A_100] : memref<8192x32xf32, #tpu.memory_space<vmem_shared>> -> memref<128x32xf32, #tpu.memory_space<vmem_shared>>
      tpu.wait_dma2 semaphore(%run_scoped3A : memref<!tpu.dma_semaphore, #tpu.memory_space<semaphore_mem>>) src(%arg12 : memref<128x32xf32, #tpu.memory_space<vmem>>) dst(%dma_wait3A_101 : memref<128x32xf32, #tpu.memory_space<vmem_shared>>)
      tpu.yield
    }) : () -> ()
    %mul3A_24 = arith.constant 32 : i32
    %mul3A_25 = arith.muli %add3A, %mul3A_24 : i32
    "tpu.region"() ({
      %run_scoped3A = tpu.sem_alloc : memref<!tpu.dma_semaphore, #tpu.memory_space<semaphore_mem>>
      %dma_start3A_94 = arith.constant 0 : i32
      %dma_start3A_95 = tpu.memref_slice %arg3[%mul3A_25, %dma_start3A_94] : memref<1024x128xi32, #tpu.memory_space<hbm>> -> memref<32x128xi32, #tpu.memory_space<hbm>>
      %dma_start3A_96 = arith.constant 0 : i32
      %dma_start3A_97 = tpu.memref_slice %arg3[%mul3A_25, %dma_start3A_96] : memref<1024x128xi32, #tpu.memory_space<hbm>> -> memref<32x128xi32, #tpu.memory_space<hbm>>
      tpu.enqueue_dma source(%dma_start3A_97 : memref<32x128xi32, #tpu.memory_space<hbm>>) target(%arg6 : memref<32x128xi32, #tpu.memory_space<vmem>>) target_semaphore(%run_scoped3A : memref<!tpu.dma_semaphore, #tpu.memory_space<semaphore_mem>>)
      %dma_wait3A_98 = arith.constant 0 : i32
      %dma_wait3A_99 = tpu.memref_slice %arg3[%mul3A_25, %dma_wait3A_98] : memref<1024x128xi32, #tpu.memory_space<hbm>> -> memref<32x128xi32, #tpu.memory_space<hbm>>
      %dma_wait3A_100 = arith.constant 0 : i32
      %dma_wait3A_101 = tpu.memref_slice %arg3[%mul3A_25, %dma_wait3A_100] : memref<1024x128xi32, #tpu.memory_space<hbm>> -> memref<32x128xi32, #tpu.memory_space<hbm>>
      tpu.wait_dma2 semaphore(%run_scoped3A : memref<!tpu.dma_semaphore, #tpu.memory_space<semaphore_mem>>) src(%dma_wait3A_101 : memref<32x128xi32, #tpu.memory_space<hbm>>) dst(%arg6 : memref<32x128xi32, #tpu.memory_space<vmem>>)
      tpu.yield
    }) : () -> ()
    %mul3A_26 = arith.constant 32 : i32
    %mul3A_27 = arith.muli %add3A, %mul3A_26 : i32
    "tpu.region"() ({
      %run_scoped3A = tpu.sem_alloc : memref<!tpu.dma_semaphore, #tpu.memory_space<semaphore_mem>>
      %dma_start3A_94 = arith.constant 0 : i32
      %dma_start3A_95 = tpu.memref_slice %arg4[%mul3A_27, %dma_start3A_94] : memref<1024x128xi32, #tpu.memory_space<hbm>> -> memref<32x128xi32, #tpu.memory_space<hbm>>
      %dma_start3A_96 = arith.constant 0 : i32
      %dma_start3A_97 = tpu.memref_slice %arg4[%mul3A_27, %dma_start3A_96] : memref<1024x128xi32, #tpu.memory_space<hbm>> -> memref<32x128xi32, #tpu.memory_space<hbm>>
      tpu.enqueue_dma source(%dma_start3A_97 : memref<32x128xi32, #tpu.memory_space<hbm>>) target(%arg7 : memref<32x128xi32, #tpu.memory_space<vmem>>) target_semaphore(%run_scoped3A : memref<!tpu.dma_semaphore, #tpu.memory_space<semaphore_mem>>)
      %dma_wait3A_98 = arith.constant 0 : i32
      %dma_wait3A_99 = tpu.memref_slice %arg4[%mul3A_27, %dma_wait3A_98] : memref<1024x128xi32, #tpu.memory_space<hbm>> -> memref<32x128xi32, #tpu.memory_space<hbm>>
      %dma_wait3A_100 = arith.constant 0 : i32
      %dma_wait3A_101 = tpu.memref_slice %arg4[%mul3A_27, %dma_wait3A_100] : memref<1024x128xi32, #tpu.memory_space<hbm>> -> memref<32x128xi32, #tpu.memory_space<hbm>>
      tpu.wait_dma2 semaphore(%run_scoped3A : memref<!tpu.dma_semaphore, #tpu.memory_space<semaphore_mem>>) src(%dma_wait3A_101 : memref<32x128xi32, #tpu.memory_space<hbm>>) dst(%arg7 : memref<32x128xi32, #tpu.memory_space<vmem>>)
      tpu.yield
    }) : () -> ()
    %barrier3A = arith.constant 0 : index
    tpu.barrier barrier_id(%barrier3A)
    %dma_start3A = arith.constant 0 : i32
    %dma_start3A_28 = arith.constant 0 : i32
    %dma_start3A_29 = tpu.memref_slice %arg6[%dma_start3A, %dma_start3A_28] : memref<32x128xi32, #tpu.memory_space<vmem>> -> memref<1x128xi32, #tpu.memory_space<vmem>>
    %dma_start3A_30 = tpu.memref_squeeze %dma_start3A_29 : memref<1x128xi32, #tpu.memory_space<vmem>> -> memref<128xi32, #tpu.memory_space<vmem>>
    %dma_start3A_31 = arith.constant 0 : i32
    %dma_start3A_32 = arith.constant 0 : i32
    %dma_start3A_33 = tpu.memref_slice %arg2[%dma_start3A_31, %dma_start3A_32] : memref<8192x32xf32, #tpu.memory_space<hbm>> -> memref<8192x32xf32, #tpu.memory_space<hbm>>
    tpu.enqueue_indirect_dma source(%dma_start3A_33 : memref<8192x32xf32, #tpu.memory_space<hbm>>) target(%arg8 : memref<128x32xf32, #tpu.memory_space<vmem>>) offsets(%dma_start3A_30 : memref<128xi32, #tpu.memory_space<vmem>>) semaphore(%arg14 : memref<!tpu.dma_semaphore, #tpu.memory_space<semaphore_mem>>)
    %dma_start3A_34 = arith.constant 1 : i32
    %dma_start3A_35 = arith.constant 0 : i32
    %dma_start3A_36 = tpu.memref_slice %arg6[%dma_start3A_34, %dma_start3A_35] : memref<32x128xi32, #tpu.memory_space<vmem>> -> memref<1x128xi32, #tpu.memory_space<vmem>>
    %dma_start3A_37 = tpu.memref_squeeze %dma_start3A_36 : memref<1x128xi32, #tpu.memory_space<vmem>> -> memref<128xi32, #tpu.memory_space<vmem>>
    %dma_start3A_38 = arith.constant 0 : i32
    %dma_start3A_39 = arith.constant 0 : i32
    %dma_start3A_40 = tpu.memref_slice %arg2[%dma_start3A_38, %dma_start3A_39] : memref<8192x32xf32, #tpu.memory_space<hbm>> -> memref<8192x32xf32, #tpu.memory_space<hbm>>
    tpu.enqueue_indirect_dma source(%dma_start3A_40 : memref<8192x32xf32, #tpu.memory_space<hbm>>) target(%arg9 : memref<128x32xf32, #tpu.memory_space<vmem>>) offsets(%dma_start3A_37 : memref<128xi32, #tpu.memory_space<vmem>>) semaphore(%arg15 : memref<!tpu.dma_semaphore, #tpu.memory_space<semaphore_mem>>)
    %dma_start3A_41 = arith.constant 2 : i32
    %dma_start3A_42 = arith.constant 0 : i32
    %dma_start3A_43 = tpu.memref_slice %arg6[%dma_start3A_41, %dma_start3A_42] : memref<32x128xi32, #tpu.memory_space<vmem>> -> memref<1x128xi32, #tpu.memory_space<vmem>>
    %dma_start3A_44 = tpu.memref_squeeze %dma_start3A_43 : memref<1x128xi32, #tpu.memory_space<vmem>> -> memref<128xi32, #tpu.memory_space<vmem>>
    %dma_start3A_45 = arith.constant 0 : i32
    %dma_start3A_46 = arith.constant 0 : i32
    %dma_start3A_47 = tpu.memref_slice %arg2[%dma_start3A_45, %dma_start3A_46] : memref<8192x32xf32, #tpu.memory_space<hbm>> -> memref<8192x32xf32, #tpu.memory_space<hbm>>
    tpu.enqueue_indirect_dma source(%dma_start3A_47 : memref<8192x32xf32, #tpu.memory_space<hbm>>) target(%arg10 : memref<128x32xf32, #tpu.memory_space<vmem>>) offsets(%dma_start3A_44 : memref<128xi32, #tpu.memory_space<vmem>>) semaphore(%arg16 : memref<!tpu.dma_semaphore, #tpu.memory_space<semaphore_mem>>)
    %dma_start3A_48 = arith.constant 3 : i32
    %dma_start3A_49 = arith.constant 0 : i32
    %dma_start3A_50 = tpu.memref_slice %arg6[%dma_start3A_48, %dma_start3A_49] : memref<32x128xi32, #tpu.memory_space<vmem>> -> memref<1x128xi32, #tpu.memory_space<vmem>>
    %dma_start3A_51 = tpu.memref_squeeze %dma_start3A_50 : memref<1x128xi32, #tpu.memory_space<vmem>> -> memref<128xi32, #tpu.memory_space<vmem>>
    %dma_start3A_52 = arith.constant 0 : i32
    %dma_start3A_53 = arith.constant 0 : i32
    %dma_start3A_54 = tpu.memref_slice %arg2[%dma_start3A_52, %dma_start3A_53] : memref<8192x32xf32, #tpu.memory_space<hbm>> -> memref<8192x32xf32, #tpu.memory_space<hbm>>
    tpu.enqueue_indirect_dma source(%dma_start3A_54 : memref<8192x32xf32, #tpu.memory_space<hbm>>) target(%arg11 : memref<128x32xf32, #tpu.memory_space<vmem>>) offsets(%dma_start3A_51 : memref<128xi32, #tpu.memory_space<vmem>>) semaphore(%arg17 : memref<!tpu.dma_semaphore, #tpu.memory_space<semaphore_mem>>)
    %scan3A_55 = arith.constant 0 : i32
    %scan3A_56 = arith.constant 0 : i32
    %scan3A_57 = arith.constant 8 : i32
    %scan3A_58 = arith.addi %scan3A_56, %scan3A_57 : i32
    %scan3A_59 = arith.constant 1 : i32
    %scan3A_60 = scf.for %scan3A_94 = %scan3A_56 to %scan3A_58 step %scan3A_59 iter_args(%scan3A_95 = %scan3A_55) -> (i32)  : i32 {
      %mul3A_96 = arith.constant 4 : i32
      %mul3A_97 = arith.muli %scan3A_94, %mul3A_96 : i32
      %add3A_98 = arith.constant 0 : i32
      %add3A_99 = arith.addi %mul3A_97, %add3A_98 : i32
      %dma_wait3A_100 = arith.constant 0 : i32
      %dma_wait3A_101 = tpu.memref_slice %arg6[%add3A_99, %dma_wait3A_100] : memref<32x128xi32, #tpu.memory_space<vmem>> -> memref<1x128xi32, #tpu.memory_space<vmem>>
      %dma_wait3A_102 = tpu.memref_squeeze %dma_wait3A_101 : memref<1x128xi32, #tpu.memory_space<vmem>> -> memref<128xi32, #tpu.memory_space<vmem>>
      %dma_wait3A_103 = arith.constant 0 : i32
      %dma_wait3A_104 = arith.constant 0 : i32
      %dma_wait3A_105 = tpu.memref_slice %arg2[%dma_wait3A_103, %dma_wait3A_104] : memref<8192x32xf32, #tpu.memory_space<hbm>> -> memref<8192x32xf32, #tpu.memory_space<hbm>>
      tpu.wait_indirect_dma semaphore(%arg14 : memref<!tpu.dma_semaphore, #tpu.memory_space<semaphore_mem>>) src(%dma_wait3A_105 : memref<8192x32xf32, #tpu.memory_space<hbm>>) dst(%arg8 : memref<128x32xf32, #tpu.memory_space<vmem>>)
      %add3A_106 = arith.constant 0 : i32
      %add3A_107 = arith.addi %mul3A_97, %add3A_106 : i32
      %dma_start3A_108 = arith.constant 0 : i32
      %dma_start3A_109 = tpu.memref_slice %arg7[%add3A_107, %dma_start3A_108] : memref<32x128xi32, #tpu.memory_space<vmem>> -> memref<1x128xi32, #tpu.memory_space<vmem>>
      %dma_start3A_110 = tpu.memref_squeeze %dma_start3A_109 : memref<1x128xi32, #tpu.memory_space<vmem>> -> memref<128xi32, #tpu.memory_space<vmem>>
      %dma_start3A_111 = arith.constant 0 : i32
      %dma_start3A_112 = arith.constant 0 : i32
      %dma_start3A_113 = tpu.memref_slice %arg13[%dma_start3A_111, %dma_start3A_112] : memref<8192x32xf32, #tpu.memory_space<vmem_shared>> -> memref<8192x32xf32, #tpu.memory_space<vmem_shared>>
      tpu.enqueue_indirect_dma source(%arg8 : memref<128x32xf32, #tpu.memory_space<vmem>>) target(%dma_start3A_113 : memref<8192x32xf32, #tpu.memory_space<vmem_shared>>) offsets(%dma_start3A_110 : memref<128xi32, #tpu.memory_space<vmem>>) semaphore(%arg18 : memref<!tpu.dma_semaphore, #tpu.memory_space<semaphore_mem>>) {add = true}
      %add3A_114 = arith.constant 1 : i32
      %add3A_115 = arith.addi %mul3A_97, %add3A_114 : i32
      %dma_wait3A_116 = arith.constant 0 : i32
      %dma_wait3A_117 = tpu.memref_slice %arg6[%add3A_115, %dma_wait3A_116] : memref<32x128xi32, #tpu.memory_space<vmem>> -> memref<1x128xi32, #tpu.memory_space<vmem>>
      %dma_wait3A_118 = tpu.memref_squeeze %dma_wait3A_117 : memref<1x128xi32, #tpu.memory_space<vmem>> -> memref<128xi32, #tpu.memory_space<vmem>>
      %dma_wait3A_119 = arith.constant 0 : i32
      %dma_wait3A_120 = arith.constant 0 : i32
      %dma_wait3A_121 = tpu.memref_slice %arg2[%dma_wait3A_119, %dma_wait3A_120] : memref<8192x32xf32, #tpu.memory_space<hbm>> -> memref<8192x32xf32, #tpu.memory_space<hbm>>
      tpu.wait_indirect_dma semaphore(%arg15 : memref<!tpu.dma_semaphore, #tpu.memory_space<semaphore_mem>>) src(%dma_wait3A_121 : memref<8192x32xf32, #tpu.memory_space<hbm>>) dst(%arg9 : memref<128x32xf32, #tpu.memory_space<vmem>>)
      %add3A_122 = arith.constant 1 : i32
      %add3A_123 = arith.addi %mul3A_97, %add3A_122 : i32
      %dma_start3A_124 = arith.constant 0 : i32
      %dma_start3A_125 = tpu.memref_slice %arg7[%add3A_123, %dma_start3A_124] : memref<32x128xi32, #tpu.memory_space<vmem>> -> memref<1x128xi32, #tpu.memory_space<vmem>>
      %dma_start3A_126 = tpu.memref_squeeze %dma_start3A_125 : memref<1x128xi32, #tpu.memory_space<vmem>> -> memref<128xi32, #tpu.memory_space<vmem>>
      %dma_start3A_127 = arith.constant 0 : i32
      %dma_start3A_128 = arith.constant 0 : i32
      %dma_start3A_129 = tpu.memref_slice %arg13[%dma_start3A_127, %dma_start3A_128] : memref<8192x32xf32, #tpu.memory_space<vmem_shared>> -> memref<8192x32xf32, #tpu.memory_space<vmem_shared>>
      tpu.enqueue_indirect_dma source(%arg9 : memref<128x32xf32, #tpu.memory_space<vmem>>) target(%dma_start3A_129 : memref<8192x32xf32, #tpu.memory_space<vmem_shared>>) offsets(%dma_start3A_126 : memref<128xi32, #tpu.memory_space<vmem>>) semaphore(%arg19 : memref<!tpu.dma_semaphore, #tpu.memory_space<semaphore_mem>>) {add = true}
      %add3A_130 = arith.constant 2 : i32
      %add3A_131 = arith.addi %mul3A_97, %add3A_130 : i32
      %dma_wait3A_132 = arith.constant 0 : i32
      %dma_wait3A_133 = tpu.memref_slice %arg6[%add3A_131, %dma_wait3A_132] : memref<32x128xi32, #tpu.memory_space<vmem>> -> memref<1x128xi32, #tpu.memory_space<vmem>>
      %dma_wait3A_134 = tpu.memref_squeeze %dma_wait3A_133 : memref<1x128xi32, #tpu.memory_space<vmem>> -> memref<128xi32, #tpu.memory_space<vmem>>
      %dma_wait3A_135 = arith.constant 0 : i32
      %dma_wait3A_136 = arith.constant 0 : i32
      %dma_wait3A_137 = tpu.memref_slice %arg2[%dma_wait3A_135, %dma_wait3A_136] : memref<8192x32xf32, #tpu.memory_space<hbm>> -> memref<8192x32xf32, #tpu.memory_space<hbm>>
      tpu.wait_indirect_dma semaphore(%arg16 : memref<!tpu.dma_semaphore, #tpu.memory_space<semaphore_mem>>) src(%dma_wait3A_137 : memref<8192x32xf32, #tpu.memory_space<hbm>>) dst(%arg10 : memref<128x32xf32, #tpu.memory_space<vmem>>)
      %add3A_138 = arith.constant 2 : i32
      %add3A_139 = arith.addi %mul3A_97, %add3A_138 : i32
      %dma_start3A_140 = arith.constant 0 : i32
      %dma_start3A_141 = tpu.memref_slice %arg7[%add3A_139, %dma_start3A_140] : memref<32x128xi32, #tpu.memory_space<vmem>> -> memref<1x128xi32, #tpu.memory_space<vmem>>
      %dma_start3A_142 = tpu.memref_squeeze %dma_start3A_141 : memref<1x128xi32, #tpu.memory_space<vmem>> -> memref<128xi32, #tpu.memory_space<vmem>>
      %dma_start3A_143 = arith.constant 0 : i32
      %dma_start3A_144 = arith.constant 0 : i32
      %dma_start3A_145 = tpu.memref_slice %arg13[%dma_start3A_143, %dma_start3A_144] : memref<8192x32xf32, #tpu.memory_space<vmem_shared>> -> memref<8192x32xf32, #tpu.memory_space<vmem_shared>>
      tpu.enqueue_indirect_dma source(%arg10 : memref<128x32xf32, #tpu.memory_space<vmem>>) target(%dma_start3A_145 : memref<8192x32xf32, #tpu.memory_space<vmem_shared>>) offsets(%dma_start3A_142 : memref<128xi32, #tpu.memory_space<vmem>>) semaphore(%arg20 : memref<!tpu.dma_semaphore, #tpu.memory_space<semaphore_mem>>) {add = true}
      %add3A_146 = arith.constant 3 : i32
      %add3A_147 = arith.addi %mul3A_97, %add3A_146 : i32
      %dma_wait3A_148 = arith.constant 0 : i32
      %dma_wait3A_149 = tpu.memref_slice %arg6[%add3A_147, %dma_wait3A_148] : memref<32x128xi32, #tpu.memory_space<vmem>> -> memref<1x128xi32, #tpu.memory_space<vmem>>
      %dma_wait3A_150 = tpu.memref_squeeze %dma_wait3A_149 : memref<1x128xi32, #tpu.memory_space<vmem>> -> memref<128xi32, #tpu.memory_space<vmem>>
      %dma_wait3A_151 = arith.constant 0 : i32
      %dma_wait3A_152 = arith.constant 0 : i32
      %dma_wait3A_153 = tpu.memref_slice %arg2[%dma_wait3A_151, %dma_wait3A_152] : memref<8192x32xf32, #tpu.memory_space<hbm>> -> memref<8192x32xf32, #tpu.memory_space<hbm>>
      tpu.wait_indirect_dma semaphore(%arg17 : memref<!tpu.dma_semaphore, #tpu.memory_space<semaphore_mem>>) src(%dma_wait3A_153 : memref<8192x32xf32, #tpu.memory_space<hbm>>) dst(%arg11 : memref<128x32xf32, #tpu.memory_space<vmem>>)
      %add3A_154 = arith.constant 3 : i32
      %add3A_155 = arith.addi %mul3A_97, %add3A_154 : i32
      %dma_start3A_156 = arith.constant 0 : i32
      %dma_start3A_157 = tpu.memref_slice %arg7[%add3A_155, %dma_start3A_156] : memref<32x128xi32, #tpu.memory_space<vmem>> -> memref<1x128xi32, #tpu.memory_space<vmem>>
      %dma_start3A_158 = tpu.memref_squeeze %dma_start3A_157 : memref<1x128xi32, #tpu.memory_space<vmem>> -> memref<128xi32, #tpu.memory_space<vmem>>
      %dma_start3A_159 = arith.constant 0 : i32
      %dma_start3A_160 = arith.constant 0 : i32
      %dma_start3A_161 = tpu.memref_slice %arg13[%dma_start3A_159, %dma_start3A_160] : memref<8192x32xf32, #tpu.memory_space<vmem_shared>> -> memref<8192x32xf32, #tpu.memory_space<vmem_shared>>
      tpu.enqueue_indirect_dma source(%arg11 : memref<128x32xf32, #tpu.memory_space<vmem>>) target(%dma_start3A_161 : memref<8192x32xf32, #tpu.memory_space<vmem_shared>>) offsets(%dma_start3A_158 : memref<128xi32, #tpu.memory_space<vmem>>) semaphore(%arg21 : memref<!tpu.dma_semaphore, #tpu.memory_space<semaphore_mem>>) {add = true}
      %lt3A = arith.constant 7 : i32
      %lt3A_162 = arith.cmpi slt, %scan3A_94, %lt3A : i32
      %convert_element_type3A = arith.extui %lt3A_162 : i1 to i32
      %cond3A = arith.constant 0 : i32
      %cond3A_163 = arith.cmpi ne, %convert_element_type3A, %cond3A : i32
      scf.if %cond3A_163 {
        %add3A_180 = arith.constant 0 : i32
        %add3A_181 = arith.addi %mul3A_97, %add3A_180 : i32
        %dma_wait3A_182 = arith.constant 0 : i32
        %dma_wait3A_183 = tpu.memref_slice %arg7[%add3A_181, %dma_wait3A_182] : memref<32x128xi32, #tpu.memory_space<vmem>> -> memref<1x128xi32, #tpu.memory_space<vmem>>
        %dma_wait3A_184 = tpu.memref_squeeze %dma_wait3A_183 : memref<1x128xi32, #tpu.memory_space<vmem>> -> memref<128xi32, #tpu.memory_space<vmem>>
        %dma_wait3A_185 = arith.constant 0 : i32
        %dma_wait3A_186 = arith.constant 0 : i32
        %dma_wait3A_187 = tpu.memref_slice %arg13[%dma_wait3A_185, %dma_wait3A_186] : memref<8192x32xf32, #tpu.memory_space<vmem_shared>> -> memref<8192x32xf32, #tpu.memory_space<vmem_shared>>
        tpu.wait_indirect_dma semaphore(%arg18 : memref<!tpu.dma_semaphore, #tpu.memory_space<semaphore_mem>>) src(%arg8 : memref<128x32xf32, #tpu.memory_space<vmem>>) dst(%dma_wait3A_187 : memref<8192x32xf32, #tpu.memory_space<vmem_shared>>)
        %add3A_188 = arith.constant 4 : i32
        %add3A_189 = arith.addi %mul3A_97, %add3A_188 : i32
        %add3A_190 = arith.constant 0 : i32
        %add3A_191 = arith.addi %add3A_189, %add3A_190 : i32
        %dma_start3A_192 = arith.constant 0 : i32
        %dma_start3A_193 = tpu.memref_slice %arg6[%add3A_191, %dma_start3A_192] : memref<32x128xi32, #tpu.memory_space<vmem>> -> memref<1x128xi32, #tpu.memory_space<vmem>>
        %dma_start3A_194 = tpu.memref_squeeze %dma_start3A_193 : memref<1x128xi32, #tpu.memory_space<vmem>> -> memref<128xi32, #tpu.memory_space<vmem>>
        %dma_start3A_195 = arith.constant 0 : i32
        %dma_start3A_196 = arith.constant 0 : i32
        %dma_start3A_197 = tpu.memref_slice %arg2[%dma_start3A_195, %dma_start3A_196] : memref<8192x32xf32, #tpu.memory_space<hbm>> -> memref<8192x32xf32, #tpu.memory_space<hbm>>
        tpu.enqueue_indirect_dma source(%dma_start3A_197 : memref<8192x32xf32, #tpu.memory_space<hbm>>) target(%arg8 : memref<128x32xf32, #tpu.memory_space<vmem>>) offsets(%dma_start3A_194 : memref<128xi32, #tpu.memory_space<vmem>>) semaphore(%arg14 : memref<!tpu.dma_semaphore, #tpu.memory_space<semaphore_mem>>)
      } else {
      }
      %lt3A_164 = arith.constant 7 : i32
      %lt3A_165 = arith.cmpi slt, %scan3A_94, %lt3A_164 : i32
      %convert_element_type3A_166 = arith.extui %lt3A_165 : i1 to i32
      %cond3A_167 = arith.constant 0 : i32
      %cond3A_168 = arith.cmpi ne, %convert_element_type3A_166, %cond3A_167 : i32
      scf.if %cond3A_168 {
        %add3A_180 = arith.constant 1 : i32
        %add3A_181 = arith.addi %mul3A_97, %add3A_180 : i32
        %dma_wait3A_182 = arith.constant 0 : i32
        %dma_wait3A_183 = tpu.memref_slice %arg7[%add3A_181, %dma_wait3A_182] : memref<32x128xi32, #tpu.memory_space<vmem>> -> memref<1x128xi32, #tpu.memory_space<vmem>>
        %dma_wait3A_184 = tpu.memref_squeeze %dma_wait3A_183 : memref<1x128xi32, #tpu.memory_space<vmem>> -> memref<128xi32, #tpu.memory_space<vmem>>
        %dma_wait3A_185 = arith.constant 0 : i32
        %dma_wait3A_186 = arith.constant 0 : i32
        %dma_wait3A_187 = tpu.memref_slice %arg13[%dma_wait3A_185, %dma_wait3A_186] : memref<8192x32xf32, #tpu.memory_space<vmem_shared>> -> memref<8192x32xf32, #tpu.memory_space<vmem_shared>>
        tpu.wait_indirect_dma semaphore(%arg19 : memref<!tpu.dma_semaphore, #tpu.memory_space<semaphore_mem>>) src(%arg9 : memref<128x32xf32, #tpu.memory_space<vmem>>) dst(%dma_wait3A_187 : memref<8192x32xf32, #tpu.memory_space<vmem_shared>>)
        %add3A_188 = arith.constant 4 : i32
        %add3A_189 = arith.addi %mul3A_97, %add3A_188 : i32
        %add3A_190 = arith.constant 1 : i32
        %add3A_191 = arith.addi %add3A_189, %add3A_190 : i32
        %dma_start3A_192 = arith.constant 0 : i32
        %dma_start3A_193 = tpu.memref_slice %arg6[%add3A_191, %dma_start3A_192] : memref<32x128xi32, #tpu.memory_space<vmem>> -> memref<1x128xi32, #tpu.memory_space<vmem>>
        %dma_start3A_194 = tpu.memref_squeeze %dma_start3A_193 : memref<1x128xi32, #tpu.memory_space<vmem>> -> memref<128xi32, #tpu.memory_space<vmem>>
        %dma_start3A_195 = arith.constant 0 : i32
        %dma_start3A_196 = arith.constant 0 : i32
        %dma_start3A_197 = tpu.memref_slice %arg2[%dma_start3A_195, %dma_start3A_196] : memref<8192x32xf32, #tpu.memory_space<hbm>> -> memref<8192x32xf32, #tpu.memory_space<hbm>>
        tpu.enqueue_indirect_dma source(%dma_start3A_197 : memref<8192x32xf32, #tpu.memory_space<hbm>>) target(%arg9 : memref<128x32xf32, #tpu.memory_space<vmem>>) offsets(%dma_start3A_194 : memref<128xi32, #tpu.memory_space<vmem>>) semaphore(%arg15 : memref<!tpu.dma_semaphore, #tpu.memory_space<semaphore_mem>>)
      } else {
      }
      %lt3A_169 = arith.constant 7 : i32
      %lt3A_170 = arith.cmpi slt, %scan3A_94, %lt3A_169 : i32
      %convert_element_type3A_171 = arith.extui %lt3A_170 : i1 to i32
      %cond3A_172 = arith.constant 0 : i32
      %cond3A_173 = arith.cmpi ne, %convert_element_type3A_171, %cond3A_172 : i32
      scf.if %cond3A_173 {
        %add3A_180 = arith.constant 2 : i32
        %add3A_181 = arith.addi %mul3A_97, %add3A_180 : i32
        %dma_wait3A_182 = arith.constant 0 : i32
        %dma_wait3A_183 = tpu.memref_slice %arg7[%add3A_181, %dma_wait3A_182] : memref<32x128xi32, #tpu.memory_space<vmem>> -> memref<1x128xi32, #tpu.memory_space<vmem>>
        %dma_wait3A_184 = tpu.memref_squeeze %dma_wait3A_183 : memref<1x128xi32, #tpu.memory_space<vmem>> -> memref<128xi32, #tpu.memory_space<vmem>>
        %dma_wait3A_185 = arith.constant 0 : i32
        %dma_wait3A_186 = arith.constant 0 : i32
        %dma_wait3A_187 = tpu.memref_slice %arg13[%dma_wait3A_185, %dma_wait3A_186] : memref<8192x32xf32, #tpu.memory_space<vmem_shared>> -> memref<8192x32xf32, #tpu.memory_space<vmem_shared>>
        tpu.wait_indirect_dma semaphore(%arg20 : memref<!tpu.dma_semaphore, #tpu.memory_space<semaphore_mem>>) src(%arg10 : memref<128x32xf32, #tpu.memory_space<vmem>>) dst(%dma_wait3A_187 : memref<8192x32xf32, #tpu.memory_space<vmem_shared>>)
        %add3A_188 = arith.constant 4 : i32
        %add3A_189 = arith.addi %mul3A_97, %add3A_188 : i32
        %add3A_190 = arith.constant 2 : i32
        %add3A_191 = arith.addi %add3A_189, %add3A_190 : i32
        %dma_start3A_192 = arith.constant 0 : i32
        %dma_start3A_193 = tpu.memref_slice %arg6[%add3A_191, %dma_start3A_192] : memref<32x128xi32, #tpu.memory_space<vmem>> -> memref<1x128xi32, #tpu.memory_space<vmem>>
        %dma_start3A_194 = tpu.memref_squeeze %dma_start3A_193 : memref<1x128xi32, #tpu.memory_space<vmem>> -> memref<128xi32, #tpu.memory_space<vmem>>
        %dma_start3A_195 = arith.constant 0 : i32
        %dma_start3A_196 = arith.constant 0 : i32
        %dma_start3A_197 = tpu.memref_slice %arg2[%dma_start3A_195, %dma_start3A_196] : memref<8192x32xf32, #tpu.memory_space<hbm>> -> memref<8192x32xf32, #tpu.memory_space<hbm>>
        tpu.enqueue_indirect_dma source(%dma_start3A_197 : memref<8192x32xf32, #tpu.memory_space<hbm>>) target(%arg10 : memref<128x32xf32, #tpu.memory_space<vmem>>) offsets(%dma_start3A_194 : memref<128xi32, #tpu.memory_space<vmem>>) semaphore(%arg16 : memref<!tpu.dma_semaphore, #tpu.memory_space<semaphore_mem>>)
      } else {
      }
      %lt3A_174 = arith.constant 7 : i32
      %lt3A_175 = arith.cmpi slt, %scan3A_94, %lt3A_174 : i32
      %convert_element_type3A_176 = arith.extui %lt3A_175 : i1 to i32
      %cond3A_177 = arith.constant 0 : i32
      %cond3A_178 = arith.cmpi ne, %convert_element_type3A_176, %cond3A_177 : i32
      scf.if %cond3A_178 {
        %add3A_180 = arith.constant 3 : i32
        %add3A_181 = arith.addi %mul3A_97, %add3A_180 : i32
        %dma_wait3A_182 = arith.constant 0 : i32
        %dma_wait3A_183 = tpu.memref_slice %arg7[%add3A_181, %dma_wait3A_182] : memref<32x128xi32, #tpu.memory_space<vmem>> -> memref<1x128xi32, #tpu.memory_space<vmem>>
        %dma_wait3A_184 = tpu.memref_squeeze %dma_wait3A_183 : memref<1x128xi32, #tpu.memory_space<vmem>> -> memref<128xi32, #tpu.memory_space<vmem>>
        %dma_wait3A_185 = arith.constant 0 : i32
        %dma_wait3A_186 = arith.constant 0 : i32
        %dma_wait3A_187 = tpu.memref_slice %arg13[%dma_wait3A_185, %dma_wait3A_186] : memref<8192x32xf32, #tpu.memory_space<vmem_shared>> -> memref<8192x32xf32, #tpu.memory_space<vmem_shared>>
        tpu.wait_indirect_dma semaphore(%arg21 : memref<!tpu.dma_semaphore, #tpu.memory_space<semaphore_mem>>) src(%arg11 : memref<128x32xf32, #tpu.memory_space<vmem>>) dst(%dma_wait3A_187 : memref<8192x32xf32, #tpu.memory_space<vmem_shared>>)
        %add3A_188 = arith.constant 4 : i32
        %add3A_189 = arith.addi %mul3A_97, %add3A_188 : i32
        %add3A_190 = arith.constant 3 : i32
        %add3A_191 = arith.addi %add3A_189, %add3A_190 : i32
        %dma_start3A_192 = arith.constant 0 : i32
        %dma_start3A_193 = tpu.memref_slice %arg6[%add3A_191, %dma_start3A_192] : memref<32x128xi32, #tpu.memory_space<vmem>> -> memref<1x128xi32, #tpu.memory_space<vmem>>
        %dma_start3A_194 = tpu.memref_squeeze %dma_start3A_193 : memref<1x128xi32, #tpu.memory_space<vmem>> -> memref<128xi32, #tpu.memory_space<vmem>>
        %dma_start3A_195 = arith.constant 0 : i32
        %dma_start3A_196 = arith.constant 0 : i32
        %dma_start3A_197 = tpu.memref_slice %arg2[%dma_start3A_195, %dma_start3A_196] : memref<8192x32xf32, #tpu.memory_space<hbm>> -> memref<8192x32xf32, #tpu.memory_space<hbm>>
        tpu.enqueue_indirect_dma source(%dma_start3A_197 : memref<8192x32xf32, #tpu.memory_space<hbm>>) target(%arg11 : memref<128x32xf32, #tpu.memory_space<vmem>>) offsets(%dma_start3A_194 : memref<128xi32, #tpu.memory_space<vmem>>) semaphore(%arg17 : memref<!tpu.dma_semaphore, #tpu.memory_space<semaphore_mem>>)
      } else {
      }
      %scan3A_179 = arith.constant 0 : i32
      scf.yield %scan3A_179 : i32
    }
    %scan3A_61 = arith.constant 8 : i32
    %dma_wait3A = arith.constant 28 : i32
    %dma_wait3A_62 = arith.constant 0 : i32
    %dma_wait3A_63 = tpu.memref_slice %arg7[%dma_wait3A, %dma_wait3A_62] : memref<32x128xi32, #tpu.memory_space<vmem>> -> memref<1x128xi32, #tpu.memory_space<vmem>>
    %dma_wait3A_64 = tpu.memref_squeeze %dma_wait3A_63 : memref<1x128xi32, #tpu.memory_space<vmem>> -> memref<128xi32, #tpu.memory_space<vmem>>
    %dma_wait3A_65 = arith.constant 0 : i32
    %dma_wait3A_66 = arith.constant 0 : i32
    %dma_wait3A_67 = tpu.memref_slice %arg13[%dma_wait3A_65, %dma_wait3A_66] : memref<8192x32xf32, #tpu.memory_space<vmem_shared>> -> memref<8192x32xf32, #tpu.memory_space<vmem_shared>>
    tpu.wait_indirect_dma semaphore(%arg18 : memref<!tpu.dma_semaphore, #tpu.memory_space<semaphore_mem>>) src(%arg8 : memref<128x32xf32, #tpu.memory_space<vmem>>) dst(%dma_wait3A_67 : memref<8192x32xf32, #tpu.memory_space<vmem_shared>>)
    %dma_wait3A_68 = arith.constant 29 : i32
    %dma_wait3A_69 = arith.constant 0 : i32
    %dma_wait3A_70 = tpu.memref_slice %arg7[%dma_wait3A_68, %dma_wait3A_69] : memref<32x128xi32, #tpu.memory_space<vmem>> -> memref<1x128xi32, #tpu.memory_space<vmem>>
    %dma_wait3A_71 = tpu.memref_squeeze %dma_wait3A_70 : memref<1x128xi32, #tpu.memory_space<vmem>> -> memref<128xi32, #tpu.memory_space<vmem>>
    %dma_wait3A_72 = arith.constant 0 : i32
    %dma_wait3A_73 = arith.constant 0 : i32
    %dma_wait3A_74 = tpu.memref_slice %arg13[%dma_wait3A_72, %dma_wait3A_73] : memref<8192x32xf32, #tpu.memory_space<vmem_shared>> -> memref<8192x32xf32, #tpu.memory_space<vmem_shared>>
    tpu.wait_indirect_dma semaphore(%arg19 : memref<!tpu.dma_semaphore, #tpu.memory_space<semaphore_mem>>) src(%arg9 : memref<128x32xf32, #tpu.memory_space<vmem>>) dst(%dma_wait3A_74 : memref<8192x32xf32, #tpu.memory_space<vmem_shared>>)
    %dma_wait3A_75 = arith.constant 30 : i32
    %dma_wait3A_76 = arith.constant 0 : i32
    %dma_wait3A_77 = tpu.memref_slice %arg7[%dma_wait3A_75, %dma_wait3A_76] : memref<32x128xi32, #tpu.memory_space<vmem>> -> memref<1x128xi32, #tpu.memory_space<vmem>>
    %dma_wait3A_78 = tpu.memref_squeeze %dma_wait3A_77 : memref<1x128xi32, #tpu.memory_space<vmem>> -> memref<128xi32, #tpu.memory_space<vmem>>
    %dma_wait3A_79 = arith.constant 0 : i32
    %dma_wait3A_80 = arith.constant 0 : i32
    %dma_wait3A_81 = tpu.memref_slice %arg13[%dma_wait3A_79, %dma_wait3A_80] : memref<8192x32xf32, #tpu.memory_space<vmem_shared>> -> memref<8192x32xf32, #tpu.memory_space<vmem_shared>>
    tpu.wait_indirect_dma semaphore(%arg20 : memref<!tpu.dma_semaphore, #tpu.memory_space<semaphore_mem>>) src(%arg10 : memref<128x32xf32, #tpu.memory_space<vmem>>) dst(%dma_wait3A_81 : memref<8192x32xf32, #tpu.memory_space<vmem_shared>>)
    %dma_wait3A_82 = arith.constant 31 : i32
    %dma_wait3A_83 = arith.constant 0 : i32
    %dma_wait3A_84 = tpu.memref_slice %arg7[%dma_wait3A_82, %dma_wait3A_83] : memref<32x128xi32, #tpu.memory_space<vmem>> -> memref<1x128xi32, #tpu.memory_space<vmem>>
    %dma_wait3A_85 = tpu.memref_squeeze %dma_wait3A_84 : memref<1x128xi32, #tpu.memory_space<vmem>> -> memref<128xi32, #tpu.memory_space<vmem>>
    %dma_wait3A_86 = arith.constant 0 : i32
    %dma_wait3A_87 = arith.constant 0 : i32
    %dma_wait3A_88 = tpu.memref_slice %arg13[%dma_wait3A_86, %dma_wait3A_87] : memref<8192x32xf32, #tpu.memory_space<vmem_shared>> -> memref<8192x32xf32, #tpu.memory_space<vmem_shared>>
    tpu.wait_indirect_dma semaphore(%arg21 : memref<!tpu.dma_semaphore, #tpu.memory_space<semaphore_mem>>) src(%arg11 : memref<128x32xf32, #tpu.memory_space<vmem>>) dst(%dma_wait3A_88 : memref<8192x32xf32, #tpu.memory_space<vmem_shared>>)
    %barrier3A_89 = arith.constant 0 : index
    tpu.barrier barrier_id(%barrier3A_89)
    %mul3A_90 = arith.constant 512 : i32
    %mul3A_91 = arith.muli %arg1, %mul3A_90 : i32
    %mul3A_92 = arith.constant 512 : i32
    %mul3A_93 = arith.muli %arg1, %mul3A_92 : i32
    "tpu.region"() ({
      %run_scoped3A = tpu.sem_alloc : memref<!tpu.dma_semaphore, #tpu.memory_space<semaphore_mem>>
      %dma_start3A_94 = arith.constant 0 : i32
      %dma_start3A_95 = tpu.memref_slice %arg5[%arg0, %mul3A_93, %dma_start3A_94] : memref<2x8192x32xf32, #tpu.memory_space<hbm>> -> memref<1x512x32xf32, #tpu.memory_space<hbm>>
      %dma_start3A_96 = tpu.memref_squeeze %dma_start3A_95 : memref<1x512x32xf32, #tpu.memory_space<hbm>> -> memref<512x32xf32, #tpu.memory_space<hbm>>
      %dma_start3A_97 = arith.constant 0 : i32
      %dma_start3A_98 = tpu.memref_slice %arg13[%mul3A_91, %dma_start3A_97] : memref<8192x32xf32, #tpu.memory_space<vmem_shared>> -> memref<512x32xf32, #tpu.memory_space<vmem_shared>>
      tpu.enqueue_dma source(%dma_start3A_98 : memref<512x32xf32, #tpu.memory_space<vmem_shared>>) target(%dma_start3A_96 : memref<512x32xf32, #tpu.memory_space<hbm>>) target_semaphore(%run_scoped3A : memref<!tpu.dma_semaphore, #tpu.memory_space<semaphore_mem>>)
      %dma_wait3A_99 = arith.constant 0 : i32
      %dma_wait3A_100 = tpu.memref_slice %arg5[%arg0, %mul3A_93, %dma_wait3A_99] : memref<2x8192x32xf32, #tpu.memory_space<hbm>> -> memref<1x512x32xf32, #tpu.memory_space<hbm>>
      %dma_wait3A_101 = tpu.memref_squeeze %dma_wait3A_100 : memref<1x512x32xf32, #tpu.memory_space<hbm>> -> memref<512x32xf32, #tpu.memory_space<hbm>>
      %dma_wait3A_102 = arith.constant 0 : i32
      %dma_wait3A_103 = tpu.memref_slice %arg13[%mul3A_91, %dma_wait3A_102] : memref<8192x32xf32, #tpu.memory_space<vmem_shared>> -> memref<512x32xf32, #tpu.memory_space<vmem_shared>>
      tpu.wait_dma2 semaphore(%run_scoped3A : memref<!tpu.dma_semaphore, #tpu.memory_space<semaphore_mem>>) src(%dma_wait3A_103 : memref<512x32xf32, #tpu.memory_space<vmem_shared>>) dst(%dma_wait3A_101 : memref<512x32xf32, #tpu.memory_space<hbm>>)
      tpu.yield
    }) : () -> ()
    return
  }
}

#map = affine_map<(d0, d1) -> (0, 0)>
module attributes {stable_mosaic.version = 14 : i64} {
  func.func @k(%arg0: i32, %arg1: i32, %arg2: memref<1024x128xi32, #tpu.memory_space<hbm>>, %arg3: memref<32x8192xf32, #tpu.memory_space<hbm>>, %arg4: memref<32x128xi32, #tpu.memory_space<vmem>>, %arg5: memref<8192xf32, #tpu.memory_space<vmem>>) attributes {dimension_semantics = [#tpu.dimension_semantics<core_parallel>, #tpu.dimension_semantics<subcore_parallel>], iteration_bounds = array<i64: 2, 16>, scalar_prefetch = 0 : i64, scratch_operands = 2 : i64, tpu.core_type = #tpu.core_type<sc_vector_subcore>, window_params = [{transform_indices = #map}, {transform_indices = #map}]} {
    %mul3A = arith.constant 16 : i32
    %mul3A_0 = arith.muli %arg0, %mul3A : i32
    %add3A = arith.addi %mul3A_0, %arg1 : i32
    %broadcast_in_dim3A = arith.constant 0.000000e+00 : f32
    %broadcast_in_dim3A_1 = vector.broadcast %broadcast_in_dim3A : f32 to vector<16xf32>
    %scan3A = arith.constant 0 : i32
    %scan3A_2 = arith.constant 0 : i32
    %scan3A_3 = arith.constant 512 : i32
    %scan3A_4 = arith.addi %scan3A_2, %scan3A_3 : i32
    %scan3A_5 = arith.constant 1 : i32
    %scan3A_6 = scf.for %scan3A_19 = %scan3A_2 to %scan3A_4 step %scan3A_5 iter_args(%scan3A_20 = %scan3A) -> (i32)  : i32 {
      %mul3A_21 = arith.constant 16 : i32
      %mul3A_22 = arith.muli %scan3A_19, %mul3A_21 : i32
      %swap3A = arith.index_cast %mul3A_22 : i32 to index
      %swap3A_23 = tpu.vector_load %arg5[%swap3A] {strides = array<i32>} : memref<8192xf32, #tpu.memory_space<vmem>>, vector<16xf32>,
      tpu.vector_store %arg5[%swap3A], %broadcast_in_dim3A_1 {strides = array<i32>} : memref<8192xf32, #tpu.memory_space<vmem>>, vector<16xf32>,
      %scan3A_24 = arith.constant 0 : i32
      scf.yield %scan3A_24 : i32
    }
    %scan3A_7 = arith.constant 512 : i32
    %mul3A_8 = arith.constant 32 : i32
    %mul3A_9 = arith.muli %add3A, %mul3A_8 : i32
    "tpu.region"() ({
      %run_scoped3A = tpu.sem_alloc : memref<!tpu.dma_semaphore, #tpu.memory_space<semaphore_mem>>
      %dma_start3A = arith.constant 0 : i32
      %dma_start3A_19 = tpu.memref_slice %arg2[%mul3A_9, %dma_start3A] : memref<1024x128xi32, #tpu.memory_space<hbm>> -> memref<32x128xi32, #tpu.memory_space<hbm>>
      %dma_start3A_20 = arith.constant 0 : i32
      %dma_start3A_21 = tpu.memref_slice %arg2[%mul3A_9, %dma_start3A_20] : memref<1024x128xi32, #tpu.memory_space<hbm>> -> memref<32x128xi32, #tpu.memory_space<hbm>>
      tpu.enqueue_dma source(%dma_start3A_21 : memref<32x128xi32, #tpu.memory_space<hbm>>) target(%arg4 : memref<32x128xi32, #tpu.memory_space<vmem>>) target_semaphore(%run_scoped3A : memref<!tpu.dma_semaphore, #tpu.memory_space<semaphore_mem>>)
      %dma_wait3A = arith.constant 0 : i32
      %dma_wait3A_22 = tpu.memref_slice %arg2[%mul3A_9, %dma_wait3A] : memref<1024x128xi32, #tpu.memory_space<hbm>> -> memref<32x128xi32, #tpu.memory_space<hbm>>
      %dma_wait3A_23 = arith.constant 0 : i32
      %dma_wait3A_24 = tpu.memref_slice %arg2[%mul3A_9, %dma_wait3A_23] : memref<1024x128xi32, #tpu.memory_space<hbm>> -> memref<32x128xi32, #tpu.memory_space<hbm>>
      tpu.wait_dma2 semaphore(%run_scoped3A : memref<!tpu.dma_semaphore, #tpu.memory_space<semaphore_mem>>) src(%dma_wait3A_24 : memref<32x128xi32, #tpu.memory_space<hbm>>) dst(%arg4 : memref<32x128xi32, #tpu.memory_space<vmem>>)
      tpu.yield
    }) : () -> ()
    %broadcast_in_dim3A_10 = arith.constant 1.000000e+00 : f32
    %broadcast_in_dim3A_11 = vector.broadcast %broadcast_in_dim3A_10 : f32 to vector<16xf32>
    %scan3A_12 = arith.constant 0 : i32
    %scan3A_13 = arith.constant 0 : i32
    %scan3A_14 = arith.constant 32 : i32
    %scan3A_15 = arith.addi %scan3A_13, %scan3A_14 : i32
    %scan3A_16 = arith.constant 1 : i32
    %scan3A_17 = scf.for %scan3A_19 = %scan3A_13 to %scan3A_15 step %scan3A_16 iter_args(%scan3A_20 = %scan3A_12) -> (i32)  : i32 {
      %get3A = arith.index_cast %scan3A_19 : i32 to index
      %get3A_21 = arith.constant 0 : index
      %get3A_22 = tpu.vector_load %arg4[%get3A, %get3A_21] {strides = array<i32>} : memref<32x128xi32, #tpu.memory_space<vmem>>, vector<16xi32>,
      tpu.vector_store_idx %arg5[%get3A_22], %broadcast_in_dim3A_11 {add = true} : memref<8192xf32, #tpu.memory_space<vmem>>[vector<16xi32>], vector<16xf32>,
      %get3A_23 = arith.index_cast %scan3A_19 : i32 to index
      %get3A_24 = arith.constant 16 : index
      %get3A_25 = tpu.vector_load %arg4[%get3A_23, %get3A_24] {strides = array<i32>} : memref<32x128xi32, #tpu.memory_space<vmem>>, vector<16xi32>,
      tpu.vector_store_idx %arg5[%get3A_25], %broadcast_in_dim3A_11 {add = true} : memref<8192xf32, #tpu.memory_space<vmem>>[vector<16xi32>], vector<16xf32>,
      %get3A_26 = arith.index_cast %scan3A_19 : i32 to index
      %get3A_27 = arith.constant 32 : index
      %get3A_28 = tpu.vector_load %arg4[%get3A_26, %get3A_27] {strides = array<i32>} : memref<32x128xi32, #tpu.memory_space<vmem>>, vector<16xi32>,
      tpu.vector_store_idx %arg5[%get3A_28], %broadcast_in_dim3A_11 {add = true} : memref<8192xf32, #tpu.memory_space<vmem>>[vector<16xi32>], vector<16xf32>,
      %get3A_29 = arith.index_cast %scan3A_19 : i32 to index
      %get3A_30 = arith.constant 48 : index
      %get3A_31 = tpu.vector_load %arg4[%get3A_29, %get3A_30] {strides = array<i32>} : memref<32x128xi32, #tpu.memory_space<vmem>>, vector<16xi32>,
      tpu.vector_store_idx %arg5[%get3A_31], %broadcast_in_dim3A_11 {add = true} : memref<8192xf32, #tpu.memory_space<vmem>>[vector<16xi32>], vector<16xf32>,
      %get3A_32 = arith.index_cast %scan3A_19 : i32 to index
      %get3A_33 = arith.constant 64 : index
      %get3A_34 = tpu.vector_load %arg4[%get3A_32, %get3A_33] {strides = array<i32>} : memref<32x128xi32, #tpu.memory_space<vmem>>, vector<16xi32>,
      tpu.vector_store_idx %arg5[%get3A_34], %broadcast_in_dim3A_11 {add = true} : memref<8192xf32, #tpu.memory_space<vmem>>[vector<16xi32>], vector<16xf32>,
      %get3A_35 = arith.index_cast %scan3A_19 : i32 to index
      %get3A_36 = arith.constant 80 : index
      %get3A_37 = tpu.vector_load %arg4[%get3A_35, %get3A_36] {strides = array<i32>} : memref<32x128xi32, #tpu.memory_space<vmem>>, vector<16xi32>,
      tpu.vector_store_idx %arg5[%get3A_37], %broadcast_in_dim3A_11 {add = true} : memref<8192xf32, #tpu.memory_space<vmem>>[vector<16xi32>], vector<16xf32>,
      %get3A_38 = arith.index_cast %scan3A_19 : i32 to index
      %get3A_39 = arith.constant 96 : index
      %get3A_40 = tpu.vector_load %arg4[%get3A_38, %get3A_39] {strides = array<i32>} : memref<32x128xi32, #tpu.memory_space<vmem>>, vector<16xi32>,
      tpu.vector_store_idx %arg5[%get3A_40], %broadcast_in_dim3A_11 {add = true} : memref<8192xf32, #tpu.memory_space<vmem>>[vector<16xi32>], vector<16xf32>,
      %get3A_41 = arith.index_cast %scan3A_19 : i32 to index
      %get3A_42 = arith.constant 112 : index
      %get3A_43 = tpu.vector_load %arg4[%get3A_41, %get3A_42] {strides = array<i32>} : memref<32x128xi32, #tpu.memory_space<vmem>>, vector<16xi32>,
      tpu.vector_store_idx %arg5[%get3A_43], %broadcast_in_dim3A_11 {add = true} : memref<8192xf32, #tpu.memory_space<vmem>>[vector<16xi32>], vector<16xf32>,
      %scan3A_44 = arith.constant 0 : i32
      scf.yield %scan3A_44 : i32
    }
    %scan3A_18 = arith.constant 32 : i32
    "tpu.region"() ({
      %run_scoped3A = tpu.sem_alloc : memref<!tpu.dma_semaphore, #tpu.memory_space<semaphore_mem>>
      %dma_start3A = arith.constant 0 : i32
      %dma_start3A_19 = tpu.memref_slice %arg3[%add3A, %dma_start3A] : memref<32x8192xf32, #tpu.memory_space<hbm>> -> memref<1x8192xf32, #tpu.memory_space<hbm>>
      %dma_start3A_20 = tpu.memref_squeeze %dma_start3A_19 : memref<1x8192xf32, #tpu.memory_space<hbm>> -> memref<8192xf32, #tpu.memory_space<hbm>>
      %dma_start3A_21 = arith.constant 0 : i32
      %dma_start3A_22 = tpu.memref_slice %arg3[%add3A, %dma_start3A_21] : memref<32x8192xf32, #tpu.memory_space<hbm>> -> memref<1x8192xf32, #tpu.memory_space<hbm>>
      %dma_start3A_23 = tpu.memref_squeeze %dma_start3A_22 : memref<1x8192xf32, #tpu.memory_space<hbm>> -> memref<8192xf32, #tpu.memory_space<hbm>>
      tpu.enqueue_dma source(%arg5 : memref<8192xf32, #tpu.memory_space<vmem>>) target(%dma_start3A_23 : memref<8192xf32, #tpu.memory_space<hbm>>) target_semaphore(%run_scoped3A : memref<!tpu.dma_semaphore, #tpu.memory_space<semaphore_mem>>)
      %dma_wait3A = arith.constant 0 : i32
      %dma_wait3A_24 = tpu.memref_slice %arg3[%add3A, %dma_wait3A] : memref<32x8192xf32, #tpu.memory_space<hbm>> -> memref<1x8192xf32, #tpu.memory_space<hbm>>
      %dma_wait3A_25 = tpu.memref_squeeze %dma_wait3A_24 : memref<1x8192xf32, #tpu.memory_space<hbm>> -> memref<8192xf32, #tpu.memory_space<hbm>>
      %dma_wait3A_26 = arith.constant 0 : i32
      %dma_wait3A_27 = tpu.memref_slice %arg3[%add3A, %dma_wait3A_26] : memref<32x8192xf32, #tpu.memory_space<hbm>> -> memref<1x8192xf32, #tpu.memory_space<hbm>>
      %dma_wait3A_28 = tpu.memref_squeeze %dma_wait3A_27 : memref<1x8192xf32, #tpu.memory_space<hbm>> -> memref<8192xf32, #tpu.memory_space<hbm>>
      tpu.wait_dma2 semaphore(%run_scoped3A : memref<!tpu.dma_semaphore, #tpu.memory_space<semaphore_mem>>) src(%arg5 : memref<8192xf32, #tpu.memory_space<vmem>>) dst(%dma_wait3A_28 : memref<8192xf32, #tpu.memory_space<hbm>>)
      tpu.yield
    }) : () -> ()
    return
  }
}

#map = affine_map<(d0, d1) -> (0, 0)>
module attributes {stable_mosaic.version = 14 : i64} {
  func.func @k(%arg0: i32, %arg1: i32, %arg2: memref<4096x32xf32, #tpu.memory_space<hbm>>, %arg3: memref<4096x32xf32, #tpu.memory_space<hbm>>, %arg4: memref<128x128xi32, #tpu.memory_space<hbm>>, %arg5: memref<128x128xi32, #tpu.memory_space<hbm>>, %arg6: memref<128x128xi32, #tpu.memory_space<hbm>>, %arg7: memref<16384x32xf32, #tpu.memory_space<hbm>>, %arg8: memref<16384x32xf32, #tpu.memory_space<hbm>>, %arg9: memref<4x128xi32, #tpu.memory_space<vmem>>, %arg10: memref<4x128xi32, #tpu.memory_space<vmem>>, %arg11: memref<4x128xi32, #tpu.memory_space<vmem>>, %arg12: memref<128x32xf32, #tpu.memory_space<vmem>>, %arg13: memref<128x32xf32, #tpu.memory_space<vmem>>, %arg14: memref<128x32xf32, #tpu.memory_space<vmem>>, %arg15: memref<!tpu.dma_semaphore, #tpu.memory_space<semaphore_mem>>) attributes {dimension_semantics = [#tpu.dimension_semantics<core_parallel>, #tpu.dimension_semantics<subcore_parallel>], iteration_bounds = array<i64: 2, 16>, scalar_prefetch = 0 : i64, scratch_operands = 7 : i64, tpu.core_type = #tpu.core_type<sc_vector_subcore>, window_params = [{transform_indices = #map}, {transform_indices = #map}, {transform_indices = #map}, {transform_indices = #map}, {transform_indices = #map}, {transform_indices = #map}, {transform_indices = #map}]} {
    %mul3A = arith.constant 16 : i32
    %mul3A_0 = arith.muli %arg0, %mul3A : i32
    %add3A = arith.addi %mul3A_0, %arg1 : i32
    %mul3A_1 = arith.constant 4 : i32
    %mul3A_2 = arith.muli %add3A, %mul3A_1 : i32
    "tpu.region"() ({
      %run_scoped3A = tpu.sem_alloc : memref<!tpu.dma_semaphore, #tpu.memory_space<semaphore_mem>>
      %dma_start3A = arith.constant 0 : i32
      %dma_start3A_13 = tpu.memref_slice %arg4[%mul3A_2, %dma_start3A] : memref<128x128xi32, #tpu.memory_space<hbm>> -> memref<4x128xi32, #tpu.memory_space<hbm>>
      %dma_start3A_14 = arith.constant 0 : i32
      %dma_start3A_15 = tpu.memref_slice %arg4[%mul3A_2, %dma_start3A_14] : memref<128x128xi32, #tpu.memory_space<hbm>> -> memref<4x128xi32, #tpu.memory_space<hbm>>
      tpu.enqueue_dma source(%dma_start3A_15 : memref<4x128xi32, #tpu.memory_space<hbm>>) target(%arg9 : memref<4x128xi32, #tpu.memory_space<vmem>>) target_semaphore(%run_scoped3A : memref<!tpu.dma_semaphore, #tpu.memory_space<semaphore_mem>>)
      %dma_wait3A = arith.constant 0 : i32
      %dma_wait3A_16 = tpu.memref_slice %arg4[%mul3A_2, %dma_wait3A] : memref<128x128xi32, #tpu.memory_space<hbm>> -> memref<4x128xi32, #tpu.memory_space<hbm>>
      %dma_wait3A_17 = arith.constant 0 : i32
      %dma_wait3A_18 = tpu.memref_slice %arg4[%mul3A_2, %dma_wait3A_17] : memref<128x128xi32, #tpu.memory_space<hbm>> -> memref<4x128xi32, #tpu.memory_space<hbm>>
      tpu.wait_dma2 semaphore(%run_scoped3A : memref<!tpu.dma_semaphore, #tpu.memory_space<semaphore_mem>>) src(%dma_wait3A_18 : memref<4x128xi32, #tpu.memory_space<hbm>>) dst(%arg9 : memref<4x128xi32, #tpu.memory_space<vmem>>)
      tpu.yield
    }) : () -> ()
    %mul3A_3 = arith.constant 4 : i32
    %mul3A_4 = arith.muli %add3A, %mul3A_3 : i32
    "tpu.region"() ({
      %run_scoped3A = tpu.sem_alloc : memref<!tpu.dma_semaphore, #tpu.memory_space<semaphore_mem>>
      %dma_start3A = arith.constant 0 : i32
      %dma_start3A_13 = tpu.memref_slice %arg5[%mul3A_4, %dma_start3A] : memref<128x128xi32, #tpu.memory_space<hbm>> -> memref<4x128xi32, #tpu.memory_space<hbm>>
      %dma_start3A_14 = arith.constant 0 : i32
      %dma_start3A_15 = tpu.memref_slice %arg5[%mul3A_4, %dma_start3A_14] : memref<128x128xi32, #tpu.memory_space<hbm>> -> memref<4x128xi32, #tpu.memory_space<hbm>>
      tpu.enqueue_dma source(%dma_start3A_15 : memref<4x128xi32, #tpu.memory_space<hbm>>) target(%arg10 : memref<4x128xi32, #tpu.memory_space<vmem>>) target_semaphore(%run_scoped3A : memref<!tpu.dma_semaphore, #tpu.memory_space<semaphore_mem>>)
      %dma_wait3A = arith.constant 0 : i32
      %dma_wait3A_16 = tpu.memref_slice %arg5[%mul3A_4, %dma_wait3A] : memref<128x128xi32, #tpu.memory_space<hbm>> -> memref<4x128xi32, #tpu.memory_space<hbm>>
      %dma_wait3A_17 = arith.constant 0 : i32
      %dma_wait3A_18 = tpu.memref_slice %arg5[%mul3A_4, %dma_wait3A_17] : memref<128x128xi32, #tpu.memory_space<hbm>> -> memref<4x128xi32, #tpu.memory_space<hbm>>
      tpu.wait_dma2 semaphore(%run_scoped3A : memref<!tpu.dma_semaphore, #tpu.memory_space<semaphore_mem>>) src(%dma_wait3A_18 : memref<4x128xi32, #tpu.memory_space<hbm>>) dst(%arg10 : memref<4x128xi32, #tpu.memory_space<vmem>>)
      tpu.yield
    }) : () -> ()
    %mul3A_5 = arith.constant 4 : i32
    %mul3A_6 = arith.muli %add3A, %mul3A_5 : i32
    "tpu.region"() ({
      %run_scoped3A = tpu.sem_alloc : memref<!tpu.dma_semaphore, #tpu.memory_space<semaphore_mem>>
      %dma_start3A = arith.constant 0 : i32
      %dma_start3A_13 = tpu.memref_slice %arg6[%mul3A_6, %dma_start3A] : memref<128x128xi32, #tpu.memory_space<hbm>> -> memref<4x128xi32, #tpu.memory_space<hbm>>
      %dma_start3A_14 = arith.constant 0 : i32
      %dma_start3A_15 = tpu.memref_slice %arg6[%mul3A_6, %dma_start3A_14] : memref<128x128xi32, #tpu.memory_space<hbm>> -> memref<4x128xi32, #tpu.memory_space<hbm>>
      tpu.enqueue_dma source(%dma_start3A_15 : memref<4x128xi32, #tpu.memory_space<hbm>>) target(%arg11 : memref<4x128xi32, #tpu.memory_space<vmem>>) target_semaphore(%run_scoped3A : memref<!tpu.dma_semaphore, #tpu.memory_space<semaphore_mem>>)
      %dma_wait3A = arith.constant 0 : i32
      %dma_wait3A_16 = tpu.memref_slice %arg6[%mul3A_6, %dma_wait3A] : memref<128x128xi32, #tpu.memory_space<hbm>> -> memref<4x128xi32, #tpu.memory_space<hbm>>
      %dma_wait3A_17 = arith.constant 0 : i32
      %dma_wait3A_18 = tpu.memref_slice %arg6[%mul3A_6, %dma_wait3A_17] : memref<128x128xi32, #tpu.memory_space<hbm>> -> memref<4x128xi32, #tpu.memory_space<hbm>>
      tpu.wait_dma2 semaphore(%run_scoped3A : memref<!tpu.dma_semaphore, #tpu.memory_space<semaphore_mem>>) src(%dma_wait3A_18 : memref<4x128xi32, #tpu.memory_space<hbm>>) dst(%arg11 : memref<4x128xi32, #tpu.memory_space<vmem>>)
      tpu.yield
    }) : () -> ()
    %scan3A = arith.constant 0 : i32
    %scan3A_7 = arith.constant 0 : i32
    %scan3A_8 = arith.constant 4 : i32
    %scan3A_9 = arith.addi %scan3A_7, %scan3A_8 : i32
    %scan3A_10 = arith.constant 1 : i32
    %scan3A_11 = scf.for %scan3A_13 = %scan3A_7 to %scan3A_9 step %scan3A_10 iter_args(%scan3A_14 = %scan3A) -> (i32)  : i32 {
      %mul3A_15 = arith.constant 4 : i32
      %mul3A_16 = arith.muli %add3A, %mul3A_15 : i32
      %add3A_17 = arith.addi %mul3A_16, %scan3A_13 : i32
      %mul3A_18 = arith.constant 128 : i32
      %mul3A_19 = arith.muli %add3A_17, %mul3A_18 : i32
      %dma_start3A = arith.constant 0 : i32
      %dma_start3A_20 = tpu.memref_slice %arg9[%scan3A_13, %dma_start3A] : memref<4x128xi32, #tpu.memory_space<vmem>> -> memref<1x128xi32, #tpu.memory_space<vmem>>
      %dma_start3A_21 = tpu.memref_squeeze %dma_start3A_20 : memref<1x128xi32, #tpu.memory_space<vmem>> -> memref<128xi32, #tpu.memory_space<vmem>>
      %dma_start3A_22 = arith.constant 0 : i32
      %dma_start3A_23 = arith.constant 0 : i32
      %dma_start3A_24 = tpu.memref_slice %arg2[%dma_start3A_22, %dma_start3A_23] : memref<4096x32xf32, #tpu.memory_space<hbm>> -> memref<4096x32xf32, #tpu.memory_space<hbm>>
      tpu.enqueue_indirect_dma source(%dma_start3A_24 : memref<4096x32xf32, #tpu.memory_space<hbm>>) target(%arg12 : memref<128x32xf32, #tpu.memory_space<vmem>>) offsets(%dma_start3A_21 : memref<128xi32, #tpu.memory_space<vmem>>) semaphore(%arg15 : memref<!tpu.dma_semaphore, #tpu.memory_space<semaphore_mem>>)
      %dma_wait3A = arith.constant 0 : i32
      %dma_wait3A_25 = tpu.memref_slice %arg9[%scan3A_13, %dma_wait3A] : memref<4x128xi32, #tpu.memory_space<vmem>> -> memref<1x128xi32, #tpu.memory_space<vmem>>
      %dma_wait3A_26 = tpu.memref_squeeze %dma_wait3A_25 : memref<1x128xi32, #tpu.memory_space<vmem>> -> memref<128xi32, #tpu.memory_space<vmem>>
      %dma_wait3A_27 = arith.constant 0 : i32
      %dma_wait3A_28 = arith.constant 0 : i32
      %dma_wait3A_29 = tpu.memref_slice %arg2[%dma_wait3A_27, %dma_wait3A_28] : memref<4096x32xf32, #tpu.memory_space<hbm>> -> memref<4096x32xf32, #tpu.memory_space<hbm>>
      tpu.wait_indirect_dma semaphore(%arg15 : memref<!tpu.dma_semaphore, #tpu.memory_space<semaphore_mem>>) src(%dma_wait3A_29 : memref<4096x32xf32, #tpu.memory_space<hbm>>) dst(%arg12 : memref<128x32xf32, #tpu.memory_space<vmem>>)
      %dma_start3A_30 = arith.constant 0 : i32
      %dma_start3A_31 = tpu.memref_slice %arg10[%scan3A_13, %dma_start3A_30] : memref<4x128xi32, #tpu.memory_space<vmem>> -> memref<1x128xi32, #tpu.memory_space<vmem>>
      %dma_start3A_32 = tpu.memref_squeeze %dma_start3A_31 : memref<1x128xi32, #tpu.memory_space<vmem>> -> memref<128xi32, #tpu.memory_space<vmem>>
      %dma_start3A_33 = arith.constant 0 : i32
      %dma_start3A_34 = arith.constant 0 : i32
      %dma_start3A_35 = tpu.memref_slice %arg2[%dma_start3A_33, %dma_start3A_34] : memref<4096x32xf32, #tpu.memory_space<hbm>> -> memref<4096x32xf32, #tpu.memory_space<hbm>>
      tpu.enqueue_indirect_dma source(%dma_start3A_35 : memref<4096x32xf32, #tpu.memory_space<hbm>>) target(%arg13 : memref<128x32xf32, #tpu.memory_space<vmem>>) offsets(%dma_start3A_32 : memref<128xi32, #tpu.memory_space<vmem>>) semaphore(%arg15 : memref<!tpu.dma_semaphore, #tpu.memory_space<semaphore_mem>>)
      %dma_wait3A_36 = arith.constant 0 : i32
      %dma_wait3A_37 = tpu.memref_slice %arg10[%scan3A_13, %dma_wait3A_36] : memref<4x128xi32, #tpu.memory_space<vmem>> -> memref<1x128xi32, #tpu.memory_space<vmem>>
      %dma_wait3A_38 = tpu.memref_squeeze %dma_wait3A_37 : memref<1x128xi32, #tpu.memory_space<vmem>> -> memref<128xi32, #tpu.memory_space<vmem>>
      %dma_wait3A_39 = arith.constant 0 : i32
      %dma_wait3A_40 = arith.constant 0 : i32
      %dma_wait3A_41 = tpu.memref_slice %arg2[%dma_wait3A_39, %dma_wait3A_40] : memref<4096x32xf32, #tpu.memory_space<hbm>> -> memref<4096x32xf32, #tpu.memory_space<hbm>>
      tpu.wait_indirect_dma semaphore(%arg15 : memref<!tpu.dma_semaphore, #tpu.memory_space<semaphore_mem>>) src(%dma_wait3A_41 : memref<4096x32xf32, #tpu.memory_space<hbm>>) dst(%arg13 : memref<128x32xf32, #tpu.memory_space<vmem>>)
      %dma_start3A_42 = arith.constant 0 : i32
      %dma_start3A_43 = tpu.memref_slice %arg11[%scan3A_13, %dma_start3A_42] : memref<4x128xi32, #tpu.memory_space<vmem>> -> memref<1x128xi32, #tpu.memory_space<vmem>>
      %dma_start3A_44 = tpu.memref_squeeze %dma_start3A_43 : memref<1x128xi32, #tpu.memory_space<vmem>> -> memref<128xi32, #tpu.memory_space<vmem>>
      %dma_start3A_45 = arith.constant 0 : i32
      %dma_start3A_46 = arith.constant 0 : i32
      %dma_start3A_47 = tpu.memref_slice %arg3[%dma_start3A_45, %dma_start3A_46] : memref<4096x32xf32, #tpu.memory_space<hbm>> -> memref<4096x32xf32, #tpu.memory_space<hbm>>
      tpu.enqueue_indirect_dma source(%dma_start3A_47 : memref<4096x32xf32, #tpu.memory_space<hbm>>) target(%arg14 : memref<128x32xf32, #tpu.memory_space<vmem>>) offsets(%dma_start3A_44 : memref<128xi32, #tpu.memory_space<vmem>>) semaphore(%arg15 : memref<!tpu.dma_semaphore, #tpu.memory_space<semaphore_mem>>)
      %dma_wait3A_48 = arith.constant 0 : i32
      %dma_wait3A_49 = tpu.memref_slice %arg11[%scan3A_13, %dma_wait3A_48] : memref<4x128xi32, #tpu.memory_space<vmem>> -> memref<1x128xi32, #tpu.memory_space<vmem>>
      %dma_wait3A_50 = tpu.memref_squeeze %dma_wait3A_49 : memref<1x128xi32, #tpu.memory_space<vmem>> -> memref<128xi32, #tpu.memory_space<vmem>>
      %dma_wait3A_51 = arith.constant 0 : i32
      %dma_wait3A_52 = arith.constant 0 : i32
      %dma_wait3A_53 = tpu.memref_slice %arg3[%dma_wait3A_51, %dma_wait3A_52] : memref<4096x32xf32, #tpu.memory_space<hbm>> -> memref<4096x32xf32, #tpu.memory_space<hbm>>
      tpu.wait_indirect_dma semaphore(%arg15 : memref<!tpu.dma_semaphore, #tpu.memory_space<semaphore_mem>>) src(%dma_wait3A_53 : memref<4096x32xf32, #tpu.memory_space<hbm>>) dst(%arg14 : memref<128x32xf32, #tpu.memory_space<vmem>>)
      %scan3A_54 = arith.constant 0 : i32
      %scan3A_55 = arith.constant 0 : i32
      %scan3A_56 = arith.constant 128 : i32
      %scan3A_57 = arith.addi %scan3A_55, %scan3A_56 : i32
      %scan3A_58 = arith.constant 1 : i32
      %scan3A_59 = scf.for %scan3A_62 = %scan3A_55 to %scan3A_57 step %scan3A_58 iter_args(%scan3A_63 = %scan3A_54) -> (i32)  : i32 {
        %get3A = arith.index_cast %scan3A_62 : i32 to index
        %get3A_64 = arith.constant 0 : index
        %get3A_65 = tpu.vector_load %arg12[%get3A, %get3A_64] {strides = array<i32>} : memref<128x32xf32, #tpu.memory_space<vmem>>, vector<1x16xf32>,
        %get3A_66 = vector.shape_cast %get3A_65 : vector<1x16xf32> to vector<16xf32>
        %get3A_67 = arith.index_cast %scan3A_62 : i32 to index
        %get3A_68 = arith.constant 0 : index
        %get3A_69 = tpu.vector_load %arg13[%get3A_67, %get3A_68] {strides = array<i32>} : memref<128x32xf32, #tpu.memory_space<vmem>>, vector<1x16xf32>,
        %get3A_70 = vector.shape_cast %get3A_69 : vector<1x16xf32> to vector<16xf32>
        %add3A_71 = arith.addf %get3A_66, %get3A_70 : vector<16xf32>
        %mul3A_72 = arith.constant 5.000000e-01 : f32
        %mul3A_73 = vector.broadcast %mul3A_72 : f32 to vector<16xf32>
        %mul3A_74 = arith.mulf %add3A_71, %mul3A_73 : vector<16xf32>
        %swap3A = arith.index_cast %scan3A_62 : i32 to index
        %swap3A_75 = arith.constant 0 : index
        %swap3A_76 = tpu.vector_load %arg12[%swap3A, %swap3A_75] {strides = array<i32>} : memref<128x32xf32, #tpu.memory_space<vmem>>, vector<1x16xf32>,
        %swap3A_77 = vector.shape_cast %swap3A_76 : vector<1x16xf32> to vector<16xf32>
        %swap3A_78 = vector.shape_cast %mul3A_74 : vector<16xf32> to vector<1x16xf32>
        tpu.vector_store %arg12[%swap3A, %swap3A_75], %swap3A_78 {strides = array<i32>} : memref<128x32xf32, #tpu.memory_space<vmem>>, vector<1x16xf32>,
        %get3A_79 = arith.index_cast %scan3A_62 : i32 to index
        %get3A_80 = arith.constant 16 : index
        %get3A_81 = tpu.vector_load %arg12[%get3A_79, %get3A_80] {strides = array<i32>} : memref<128x32xf32, #tpu.memory_space<vmem>>, vector<1x16xf32>,
        %get3A_82 = vector.shape_cast %get3A_81 : vector<1x16xf32> to vector<16xf32>
        %get3A_83 = arith.index_cast %scan3A_62 : i32 to index
        %get3A_84 = arith.constant 16 : index
        %get3A_85 = tpu.vector_load %arg13[%get3A_83, %get3A_84] {strides = array<i32>} : memref<128x32xf32, #tpu.memory_space<vmem>>, vector<1x16xf32>,
        %get3A_86 = vector.shape_cast %get3A_85 : vector<1x16xf32> to vector<16xf32>
        %add3A_87 = arith.addf %get3A_82, %get3A_86 : vector<16xf32>
        %mul3A_88 = arith.constant 5.000000e-01 : f32
        %mul3A_89 = vector.broadcast %mul3A_88 : f32 to vector<16xf32>
        %mul3A_90 = arith.mulf %add3A_87, %mul3A_89 : vector<16xf32>
        %swap3A_91 = arith.index_cast %scan3A_62 : i32 to index
        %swap3A_92 = arith.constant 16 : index
        %swap3A_93 = tpu.vector_load %arg12[%swap3A_91, %swap3A_92] {strides = array<i32>} : memref<128x32xf32, #tpu.memory_space<vmem>>, vector<1x16xf32>,
        %swap3A_94 = vector.shape_cast %swap3A_93 : vector<1x16xf32> to vector<16xf32>
        %swap3A_95 = vector.shape_cast %mul3A_90 : vector<16xf32> to vector<1x16xf32>
        tpu.vector_store %arg12[%swap3A_91, %swap3A_92], %swap3A_95 {strides = array<i32>} : memref<128x32xf32, #tpu.memory_space<vmem>>, vector<1x16xf32>,
        %scan3A_96 = arith.constant 0 : i32
        scf.yield %scan3A_96 : i32
      }
      %scan3A_60 = arith.constant 128 : i32
      "tpu.region"() ({
        %run_scoped3A = tpu.sem_alloc : memref<!tpu.dma_semaphore, #tpu.memory_space<semaphore_mem>>
        %dma_start3A_62 = arith.constant 0 : i32
        %dma_start3A_63 = tpu.memref_slice %arg7[%mul3A_19, %dma_start3A_62] : memref<16384x32xf32, #tpu.memory_space<hbm>> -> memref<128x32xf32, #tpu.memory_space<hbm>>
        %dma_start3A_64 = arith.constant 0 : i32
        %dma_start3A_65 = tpu.memref_slice %arg7[%mul3A_19, %dma_start3A_64] : memref<16384x32xf32, #tpu.memory_space<hbm>> -> memref<128x32xf32, #tpu.memory_space<hbm>>
        tpu.enqueue_dma source(%arg12 : memref<128x32xf32, #tpu.memory_space<vmem>>) target(%dma_start3A_65 : memref<128x32xf32, #tpu.memory_space<hbm>>) target_semaphore(%run_scoped3A : memref<!tpu.dma_semaphore, #tpu.memory_space<semaphore_mem>>)
        %dma_wait3A_66 = arith.constant 0 : i32
        %dma_wait3A_67 = tpu.memref_slice %arg7[%mul3A_19, %dma_wait3A_66] : memref<16384x32xf32, #tpu.memory_space<hbm>> -> memref<128x32xf32, #tpu.memory_space<hbm>>
        %dma_wait3A_68 = arith.constant 0 : i32
        %dma_wait3A_69 = tpu.memref_slice %arg7[%mul3A_19, %dma_wait3A_68] : memref<16384x32xf32, #tpu.memory_space<hbm>> -> memref<128x32xf32, #tpu.memory_space<hbm>>
        tpu.wait_dma2 semaphore(%run_scoped3A : memref<!tpu.dma_semaphore, #tpu.memory_space<semaphore_mem>>) src(%arg12 : memref<128x32xf32, #tpu.memory_space<vmem>>) dst(%dma_wait3A_69 : memref<128x32xf32, #tpu.memory_space<hbm>>)
        tpu.yield
      }) : () -> ()
      "tpu.region"() ({
        %run_scoped3A = tpu.sem_alloc : memref<!tpu.dma_semaphore, #tpu.memory_space<semaphore_mem>>
        %dma_start3A_62 = arith.constant 0 : i32
        %dma_start3A_63 = tpu.memref_slice %arg8[%mul3A_19, %dma_start3A_62] : memref<16384x32xf32, #tpu.memory_space<hbm>> -> memref<128x32xf32, #tpu.memory_space<hbm>>
        %dma_start3A_64 = arith.constant 0 : i32
        %dma_start3A_65 = tpu.memref_slice %arg8[%mul3A_19, %dma_start3A_64] : memref<16384x32xf32, #tpu.memory_space<hbm>> -> memref<128x32xf32, #tpu.memory_space<hbm>>
        tpu.enqueue_dma source(%arg14 : memref<128x32xf32, #tpu.memory_space<vmem>>) target(%dma_start3A_65 : memref<128x32xf32, #tpu.memory_space<hbm>>) target_semaphore(%run_scoped3A : memref<!tpu.dma_semaphore, #tpu.memory_space<semaphore_mem>>)
        %dma_wait3A_66 = arith.constant 0 : i32
        %dma_wait3A_67 = tpu.memref_slice %arg8[%mul3A_19, %dma_wait3A_66] : memref<16384x32xf32, #tpu.memory_space<hbm>> -> memref<128x32xf32, #tpu.memory_space<hbm>>
        %dma_wait3A_68 = arith.constant 0 : i32
        %dma_wait3A_69 = tpu.memref_slice %arg8[%mul3A_19, %dma_wait3A_68] : memref<16384x32xf32, #tpu.memory_space<hbm>> -> memref<128x32xf32, #tpu.memory_space<hbm>>
        tpu.wait_dma2 semaphore(%run_scoped3A : memref<!tpu.dma_semaphore, #tpu.memory_space<semaphore_mem>>) src(%arg14 : memref<128x32xf32, #tpu.memory_space<vmem>>) dst(%dma_wait3A_69 : memref<128x32xf32, #tpu.memory_space<hbm>>)
        tpu.yield
      }) : () -> ()
      %scan3A_61 = arith.constant 0 : i32
      scf.yield %scan3A_61 : i32
    }
    %scan3A_12 = arith.constant 4 : i32
    return
  }
}

module attributes {stable_mosaic.version = 14 : i64} {
  func.func @_mm1_body(%arg0: i32, %arg1: memref<1024x768xf32, #tpu.memory_space<vmem>>, %arg2: memref<768x32xf32, #tpu.memory_space<vmem>>, %arg3: memref<1024x32xf32, #tpu.memory_space<vmem>>) attributes {dimension_semantics = [#tpu.dimension_semantics<arbitrary>], iteration_bounds = array<i64: 8>, scalar_prefetch = 0 : i64, scratch_operands = 0 : i64, tpu.core_type = #tpu.core_type<tc>, window_params = [{transform_indices = @transform_0, window_bounds = array<i64: 1024, 768>}, {pipeline_mode = #tpu.pipeline_mode<synchronous>, transform_indices = @transform_1, window_bounds = array<i64: 768, 32>}, {transform_indices = @transform_2, window_bounds = array<i64: 1024, 32>}]} {
    %get3A = arith.constant 0 : index
    %get3A_0 = arith.constant 0 : index
    %get3A_1 = vector.load %arg1[%get3A, %get3A_0] : memref<1024x768xf32, #tpu.memory_space<vmem>>, vector<1024x768xf32>
    %get3A_2 = arith.constant 0 : index
    %get3A_3 = arith.constant 0 : index
    %get3A_4 = vector.load %arg2[%get3A_2, %get3A_3] : memref<768x32xf32, #tpu.memory_space<vmem>>, vector<768x32xf32>
    %dot_general3A = arith.constant dense<0.000000e+00> : vector<1024x32xf32>
    %dot_general3A_5 = tpu.matmul %get3A_1, %get3A_4, %dot_general3A {dimension_numbers = #tpu.dot_dimension_numbers<[1], [0], [0], [1], [0, 0, 1, 1], [], []>, transpose_lhs_hint = false} : vector<1024x768xf32>, vector<768x32xf32>, vector<1024x32xf32> -> vector<1024x32xf32>
    %swap3A = arith.constant 0 : index
    %swap3A_6 = arith.constant 0 : index
    %swap3A_7 = vector.load %arg3[%swap3A, %swap3A_6] : memref<1024x32xf32, #tpu.memory_space<vmem>>, vector<1024x32xf32>
    tpu.vector_store %arg3[%swap3A, %swap3A_6], %dot_general3A_5 {strides = array<i32>} : memref<1024x32xf32, #tpu.memory_space<vmem>>, vector<1024x32xf32>,
    return
  }
  func.func @transform_0(%arg0: i32) -> (i32, i32) {
    %c0_i32 = arith.constant 0 : i32
    %c0_i32_0 = arith.constant 0 : i32
    return %arg0, %c0_i32 : i32, i32
  }
  func.func @transform_1(%arg0: i32) -> (i32, i32) {
    %c0_i32 = arith.constant 0 : i32
    %c0_i32_0 = arith.constant 0 : i32
    %c0_i32_1 = arith.constant 0 : i32
    return %c0_i32, %c0_i32_0 : i32, i32
  }
  func.func @transform_2(%arg0: i32) -> (i32, i32) {
    %c0_i32 = arith.constant 0 : i32
    %c0_i32_0 = arith.constant 0 : i32
    return %arg0, %c0_i32 : i32, i32
  }
}

module attributes {stable_mosaic.version = 14 : i64} {
  func.func @_prep_body(%arg0: memref<32x8192xf32, #tpu.memory_space<vmem>>, %arg1: memref<8192x32xf32, #tpu.memory_space<vmem>>, %arg2: memref<8192x1xf32, #tpu.memory_space<vmem>>, %arg3: memref<8192x32xf32, #tpu.memory_space<vmem>>) attributes {dimension_semantics = [], scalar_prefetch = 0 : i64, scratch_operands = 0 : i64, tpu.core_type = #tpu.core_type<tc>} {
    %get3A = arith.constant 0 : index
    %get3A_0 = arith.constant 0 : index
    %get3A_1 = vector.load %arg0[%get3A, %get3A_0] : memref<32x8192xf32, #tpu.memory_space<vmem>>, vector<32x8192xf32>
    %reduce_sum3A = arith.constant dense<0.000000e+00> : vector<8192xf32>
    %reduce_sum3A_2 = vector.multi_reduction <add>, %get3A_1, %reduce_sum3A [0] : vector<32x8192xf32> to vector<8192xf32>
    %add3A = arith.constant 1.000000e+00 : f32
    %add3A_3 = vector.broadcast %add3A : f32 to vector<8192xf32>
    %add3A_4 = arith.addf %reduce_sum3A_2, %add3A_3 : vector<8192xf32>
    %sqrt3A = math.sqrt %add3A_4 : vector<8192xf32>
    %div3A = arith.constant 1.000000e+00 : f32
    %div3A_5 = vector.broadcast %div3A : f32 to vector<8192xf32>
    %div3A_6 = arith.divf %div3A_5, %sqrt3A : vector<8192xf32>
    %broadcast_in_dim3A = vector.shape_cast %div3A_6 : vector<8192xf32> to vector<8192x1xf32>
    %swap3A = arith.constant 0 : index
    %swap3A_7 = arith.constant 0 : index
    %swap3A_8 = vector.load %arg2[%swap3A, %swap3A_7] : memref<8192x1xf32, #tpu.memory_space<vmem>>, vector<8192x1xf32>
    tpu.vector_store %arg2[%swap3A, %swap3A_7], %broadcast_in_dim3A {strides = array<i32>} : memref<8192x1xf32, #tpu.memory_space<vmem>>, vector<8192x1xf32>,
    %get3A_9 = arith.constant 0 : index
    %get3A_10 = arith.constant 0 : index
    %get3A_11 = vector.load %arg1[%get3A_9, %get3A_10] : memref<8192x32xf32, #tpu.memory_space<vmem>>, vector<8192x32xf32>
    %broadcast_in_dim3A_12 = vector.shape_cast %div3A_6 : vector<8192xf32> to vector<8192x1xf32>
    %mul3A = vector.broadcast %broadcast_in_dim3A_12 : vector<8192x1xf32> to vector<8192x32xf32>
    %mul3A_13 = arith.mulf %get3A_11, %mul3A : vector<8192x32xf32>
    %swap3A_14 = arith.constant 0 : index
    %swap3A_15 = arith.constant 0 : index
    %swap3A_16 = vector.load %arg3[%swap3A_14, %swap3A_15] : memref<8192x32xf32, #tpu.memory_space<vmem>>, vector<8192x32xf32>
    tpu.vector_store %arg3[%swap3A_14, %swap3A_15], %mul3A_13 {strides = array<i32>} : memref<8192x32xf32, #tpu.memory_space<vmem>>, vector<8192x32xf32>,
    return
  }
}

module attributes {stable_mosaic.version = 14 : i64} {
  func.func @_layer2_body(%arg0: memref<2x8192x32xf32, #tpu.memory_space<vmem>>, %arg1: memref<8192x32xf32, #tpu.memory_space<vmem>>, %arg2: memref<8192x1xf32, #tpu.memory_space<vmem>>, %arg3: memref<1x32xf32, #tpu.memory_space<vmem>>, %arg4: memref<32x32xf32, #tpu.memory_space<vmem>>, %arg5: memref<8192x32xf32, #tpu.memory_space<vmem>>) attributes {dimension_semantics = [], scalar_prefetch = 0 : i64, scratch_operands = 0 : i64, tpu.core_type = #tpu.core_type<tc>} {
    %get3A = arith.constant 0 : index
    %get3A_0 = arith.constant 0 : index
    %get3A_1 = vector.load %arg2[%get3A, %get3A_0] : memref<8192x1xf32, #tpu.memory_space<vmem>>, vector<8192x1xf32>
    %get3A_2 = arith.constant 0 : index
    %get3A_3 = arith.constant 0 : index
    %get3A_4 = arith.constant 0 : index
    %get3A_5 = vector.load %arg0[%get3A_2, %get3A_3, %get3A_4] : memref<2x8192x32xf32, #tpu.memory_space<vmem>>, vector<1x8192x32xf32>
    %get3A_6 = vector.shape_cast %get3A_5 : vector<1x8192x32xf32> to vector<8192x32xf32>
    %get3A_7 = arith.constant 1 : index
    %get3A_8 = arith.constant 0 : index
    %get3A_9 = arith.constant 0 : index
    %get3A_10 = vector.load %arg0[%get3A_7, %get3A_8, %get3A_9] : memref<2x8192x32xf32, #tpu.memory_space<vmem>>, vector<1x8192x32xf32>
    %get3A_11 = vector.shape_cast %get3A_10 : vector<1x8192x32xf32> to vector<8192x32xf32>
    %add3A = arith.addf %get3A_6, %get3A_11 : vector<8192x32xf32>
    %get3A_12 = arith.constant 0 : index
    %get3A_13 = arith.constant 0 : index
    %get3A_14 = vector.load %arg1[%get3A_12, %get3A_13] : memref<8192x32xf32, #tpu.memory_space<vmem>>, vector<8192x32xf32>
    %add3A_15 = arith.addf %add3A, %get3A_14 : vector<8192x32xf32>
    %mul3A = vector.broadcast %get3A_1 : vector<8192x1xf32> to vector<8192x32xf32>
    %mul3A_16 = arith.mulf %mul3A, %add3A_15 : vector<8192x32xf32>
    %get3A_17 = arith.constant 0 : index
    %get3A_18 = arith.constant 0 : index
    %get3A_19 = vector.load %arg3[%get3A_17, %get3A_18] : memref<1x32xf32, #tpu.memory_space<vmem>>, vector<1x32xf32>
    %add3A_20 = vector.broadcast %get3A_19 : vector<1x32xf32> to vector<8192x32xf32>
    %add3A_21 = arith.addf %mul3A_16, %add3A_20 : vector<8192x32xf32>
    %max3A = arith.constant 0.000000e+00 : f32
    %max3A_22 = vector.broadcast %max3A : f32 to vector<8192x32xf32>
    %max3A_23 = arith.maximumf %add3A_21, %max3A_22 : vector<8192x32xf32>
    %get3A_24 = arith.constant 0 : index
    %get3A_25 = arith.constant 0 : index
    %get3A_26 = vector.load %arg4[%get3A_24, %get3A_25] : memref<32x32xf32, #tpu.memory_space<vmem>>, vector<32x32xf32>
    %dot_general3A = arith.constant dense<0.000000e+00> : vector<8192x32xf32>
    %dot_general3A_27 = tpu.matmul %max3A_23, %get3A_26, %dot_general3A {dimension_numbers = #tpu.dot_dimension_numbers<[1], [0], [0], [1], [0, 0, 1, 1], [], []>, transpose_lhs_hint = false} : vector<8192x32xf32>, vector<32x32xf32>, vector<8192x32xf32> -> vector<8192x32xf32>
    %mul3A_28 = vector.broadcast %get3A_1 : vector<8192x1xf32> to vector<8192x32xf32>
    %mul3A_29 = arith.mulf %dot_general3A_27, %mul3A_28 : vector<8192x32xf32>
    %swap3A = arith.constant 0 : index
    %swap3A_30 = arith.constant 0 : index
    %swap3A_31 = vector.load %arg5[%swap3A, %swap3A_30] : memref<8192x32xf32, #tpu.memory_space<vmem>>, vector<8192x32xf32>
    tpu.vector_store %arg5[%swap3A, %swap3A_30], %mul3A_29 {strides = array<i32>} : memref<8192x32xf32, #tpu.memory_space<vmem>>, vector<8192x32xf32>,
    return
  }
}

module attributes {stable_mosaic.version = 14 : i64} {
  func.func @_codebooks_body(%arg0: memref<2x8192x32xf32, #tpu.memory_space<vmem>>, %arg1: memref<8192x32xf32, #tpu.memory_space<vmem>>, %arg2: memref<8192x1xf32, #tpu.memory_space<vmem>>, %arg3: memref<1x32xf32, #tpu.memory_space<vmem>>, %arg4: memref<4096x32xf32, #tpu.memory_space<vmem>>, %arg5: memref<4096x32xf32, #tpu.memory_space<vmem>>, %arg6: memref<64x8192xf32, #tpu.memory_space<vmem>>, %arg7: memref<1x8192xf32, #tpu.memory_space<vmem>>) attributes {dimension_semantics = [], scalar_prefetch = 0 : i64, scratch_operands = 0 : i64, tpu.core_type = #tpu.core_type<tc>} {
    %get3A = arith.constant 0 : index
    %get3A_0 = arith.constant 0 : index
    %get3A_1 = vector.load %arg2[%get3A, %get3A_0] : memref<8192x1xf32, #tpu.memory_space<vmem>>, vector<8192x1xf32>
    %get3A_2 = arith.constant 0 : index
    %get3A_3 = arith.constant 0 : index
    %get3A_4 = arith.constant 0 : index
    %get3A_5 = vector.load %arg0[%get3A_2, %get3A_3, %get3A_4] : memref<2x8192x32xf32, #tpu.memory_space<vmem>>, vector<1x8192x32xf32>
    %get3A_6 = vector.shape_cast %get3A_5 : vector<1x8192x32xf32> to vector<8192x32xf32>
    %get3A_7 = arith.constant 1 : index
    %get3A_8 = arith.constant 0 : index
    %get3A_9 = arith.constant 0 : index
    %get3A_10 = vector.load %arg0[%get3A_7, %get3A_8, %get3A_9] : memref<2x8192x32xf32, #tpu.memory_space<vmem>>, vector<1x8192x32xf32>
    %get3A_11 = vector.shape_cast %get3A_10 : vector<1x8192x32xf32> to vector<8192x32xf32>
    %add3A = arith.addf %get3A_6, %get3A_11 : vector<8192x32xf32>
    %get3A_12 = arith.constant 0 : index
    %get3A_13 = arith.constant 0 : index
    %get3A_14 = vector.load %arg1[%get3A_12, %get3A_13] : memref<8192x32xf32, #tpu.memory_space<vmem>>, vector<8192x32xf32>
    %add3A_15 = arith.addf %add3A, %get3A_14 : vector<8192x32xf32>
    %mul3A = vector.broadcast %get3A_1 : vector<8192x1xf32> to vector<8192x32xf32>
    %mul3A_16 = arith.mulf %mul3A, %add3A_15 : vector<8192x32xf32>
    %get3A_17 = arith.constant 0 : index
    %get3A_18 = arith.constant 0 : index
    %get3A_19 = vector.load %arg3[%get3A_17, %get3A_18] : memref<1x32xf32, #tpu.memory_space<vmem>>, vector<1x32xf32>
    %add3A_20 = vector.broadcast %get3A_19 : vector<1x32xf32> to vector<8192x32xf32>
    %add3A_21 = arith.addf %mul3A_16, %add3A_20 : vector<8192x32xf32>
    %slice3A = vector.extract_strided_slice %add3A_21 {offsets = [0, 0], sizes = [4096, 32], strides = [1, 1]} : vector<8192x32xf32> to vector<4096x32xf32>
    %slice3A_22 = vector.extract_strided_slice %add3A_21 {offsets = [4096, 0], sizes = [4096, 32], strides = [1, 1]} : vector<8192x32xf32> to vector<4096x32xf32>
    %swap3A = arith.constant 0 : index
    %swap3A_23 = arith.constant 0 : index
    %swap3A_24 = vector.load %arg4[%swap3A, %swap3A_23] : memref<4096x32xf32, #tpu.memory_space<vmem>>, vector<4096x32xf32>
    tpu.vector_store %arg4[%swap3A, %swap3A_23], %slice3A {strides = array<i32>} : memref<4096x32xf32, #tpu.memory_space<vmem>>, vector<4096x32xf32>,
    %swap3A_25 = arith.constant 0 : index
    %swap3A_26 = arith.constant 0 : index
    %swap3A_27 = vector.load %arg5[%swap3A_25, %swap3A_26] : memref<4096x32xf32, #tpu.memory_space<vmem>>, vector<4096x32xf32>
    tpu.vector_store %arg5[%swap3A_25, %swap3A_26], %slice3A_22 {strides = array<i32>} : memref<4096x32xf32, #tpu.memory_space<vmem>>, vector<4096x32xf32>,
    %broadcast_in_dim3A = arith.constant 0.000000e+00 : f32
    %broadcast_in_dim3A_28 = vector.broadcast %broadcast_in_dim3A : f32 to vector<32x4096xf32>
    %transpose3A = tpu.transpose %slice3A, [1, 0] : vector<4096x32xf32> -> vector<32x4096xf32>
    %concatenate3A = tpu.concatenate %transpose3A, %broadcast_in_dim3A_28 in 1 : vector<32x4096xf32>, vector<32x4096xf32> -> vector<32x8192xf32>
    %transpose3A_29 = tpu.transpose %slice3A_22, [1, 0] : vector<4096x32xf32> -> vector<32x4096xf32>
    %concatenate3A_30 = tpu.concatenate %broadcast_in_dim3A_28, %transpose3A_29 in 1 : vector<32x4096xf32>, vector<32x4096xf32> -> vector<32x8192xf32>
    %concatenate3A_31 = tpu.concatenate %concatenate3A, %concatenate3A_30 in 0 : vector<32x8192xf32>, vector<32x8192xf32> -> vector<64x8192xf32>
    %swap3A_32 = arith.constant 0 : index
    %swap3A_33 = arith.constant 0 : index
    %swap3A_34 = vector.load %arg6[%swap3A_32, %swap3A_33] : memref<64x8192xf32, #tpu.memory_space<vmem>>, vector<64x8192xf32>
    tpu.vector_store %arg6[%swap3A_32, %swap3A_33], %concatenate3A_31 {strides = array<i32>} : memref<64x8192xf32, #tpu.memory_space<vmem>>, vector<64x8192xf32>,
    %integer_pow3A = arith.mulf %slice3A, %slice3A : vector<4096x32xf32>
    %reduce_sum3A = arith.constant dense<0.000000e+00> : vector<4096xf32>
    %reduce_sum3A_35 = vector.multi_reduction <add>, %integer_pow3A, %reduce_sum3A [1] : vector<4096x32xf32> to vector<4096xf32>
    %integer_pow3A_36 = arith.mulf %slice3A_22, %slice3A_22 : vector<4096x32xf32>
    %reduce_sum3A_37 = arith.constant dense<0.000000e+00> : vector<4096xf32>
    %reduce_sum3A_38 = vector.multi_reduction <add>, %integer_pow3A_36, %reduce_sum3A_37 [1] : vector<4096x32xf32> to vector<4096xf32>
    %concatenate3A_39 = tpu.concatenate %reduce_sum3A_35, %reduce_sum3A_38 in 0 : vector<4096xf32>, vector<4096xf32> -> vector<8192xf32>
    %broadcast_in_dim3A_40 = vector.shape_cast %concatenate3A_39 : vector<8192xf32> to vector<1x8192xf32>
    %swap3A_41 = arith.constant 0 : index
    %swap3A_42 = arith.constant 0 : index
    %swap3A_43 = vector.load %arg7[%swap3A_41, %swap3A_42] : memref<1x8192xf32, #tpu.memory_space<vmem>>, vector<1x8192xf32>
    tpu.vector_store %arg7[%swap3A_41, %swap3A_42], %broadcast_in_dim3A_40 {strides = array<i32>} : memref<1x8192xf32, #tpu.memory_space<vmem>>, vector<1x8192xf32>,
    return
  }
}

module attributes {stable_mosaic.version = 14 : i64} {
  func.func @_quant_body(%arg0: i32, %arg1: memref<512x64xf32, #tpu.memory_space<vmem>>, %arg2: memref<64x8192xf32, #tpu.memory_space<vmem>>, %arg3: memref<1x8192xf32, #tpu.memory_space<vmem>>, %arg4: memref<512x1xi32, #tpu.memory_space<vmem>>, %arg5: memref<512x1xi32, #tpu.memory_space<vmem>>, %arg6: memref<512x1xi32, #tpu.memory_space<vmem>>) attributes {dimension_semantics = [#tpu.dimension_semantics<arbitrary>], iteration_bounds = array<i64: 32>, scalar_prefetch = 0 : i64, scratch_operands = 0 : i64, tpu.core_type = #tpu.core_type<tc>, window_params = [{transform_indices = @transform_0, window_bounds = array<i64: 512, 64>}, {pipeline_mode = #tpu.pipeline_mode<synchronous>, transform_indices = @transform_1, window_bounds = array<i64: 64, 8192>}, {pipeline_mode = #tpu.pipeline_mode<synchronous>, transform_indices = @transform_2, window_bounds = array<i64: 1, 8192>}, {transform_indices = @transform_3, window_bounds = array<i64: 512, 1>}, {transform_indices = @transform_4, window_bounds = array<i64: 512, 1>}, {transform_indices = @transform_5, window_bounds = array<i64: 512, 1>}]} {
    %iota3A = tpu.iota {dimensions = array<i32: 1>} : vector<1x4096xi32>
    %convert_element_type3A = arith.sitofp %iota3A : vector<1x4096xi32> to vector<1x4096xf32>
    %get3A = arith.constant 0 : index
    %get3A_0 = arith.constant 0 : index
    %get3A_1 = vector.load %arg1[%get3A, %get3A_0] : memref<512x64xf32, #tpu.memory_space<vmem>>, vector<512x64xf32>
    %slice3A = vector.extract_strided_slice %get3A_1 {offsets = [0, 0], sizes = [512, 32], strides = [1, 1]} : vector<512x64xf32> to vector<512x32xf32>
    %slice3A_2 = vector.extract_strided_slice %get3A_1 {offsets = [0, 32], sizes = [512, 32], strides = [1, 1]} : vector<512x64xf32> to vector<512x32xf32>
    %get3A_3 = arith.constant 0 : index
    %get3A_4 = arith.constant 0 : index
    %get3A_5 = vector.load %arg2[%get3A_3, %get3A_4] : memref<64x8192xf32, #tpu.memory_space<vmem>>, vector<64x8192xf32>
    %dot_general3A = arith.constant dense<0.000000e+00> : vector<512x8192xf32>
    %dot_general3A_6 = tpu.matmul %get3A_1, %get3A_5, %dot_general3A {dimension_numbers = #tpu.dot_dimension_numbers<[1], [0], [0], [1], [0, 0, 1, 1], [], []>, transpose_lhs_hint = false} : vector<512x64xf32>, vector<64x8192xf32>, vector<512x8192xf32> -> vector<512x8192xf32>
    %get3A_7 = arith.constant 0 : index
    %get3A_8 = arith.constant 0 : index
    %get3A_9 = vector.load %arg3[%get3A_7, %get3A_8] : memref<1x8192xf32, #tpu.memory_space<vmem>>, vector<1x8192xf32>
    %integer_pow3A = arith.mulf %slice3A, %slice3A : vector<512x32xf32>
    %reduce_sum3A = arith.constant dense<0.000000e+00> : vector<512xf32>
    %reduce_sum3A_10 = vector.multi_reduction <add>, %integer_pow3A, %reduce_sum3A [1] : vector<512x32xf32> to vector<512xf32>
    %broadcast_in_dim3A = vector.shape_cast %reduce_sum3A_10 : vector<512xf32> to vector<512x1xf32>
    %slice3A_11 = vector.extract_strided_slice %get3A_9 {offsets = [0, 0], sizes = [1, 4096], strides = [1, 1]} : vector<1x8192xf32> to vector<1x4096xf32>
    %add3A = vector.broadcast %broadcast_in_dim3A : vector<512x1xf32> to vector<512x4096xf32>
    %add3A_12 = vector.broadcast %slice3A_11 : vector<1x4096xf32> to vector<512x4096xf32>
    %add3A_13 = arith.addf %add3A, %add3A_12 : vector<512x4096xf32>
    %slice3A_14 = vector.extract_strided_slice %dot_general3A_6 {offsets = [0, 0], sizes = [512, 4096], strides = [1, 1]} : vector<512x8192xf32> to vector<512x4096xf32>
    %mul3A = arith.constant 2.000000e+00 : f32
    %mul3A_15 = vector.broadcast %mul3A : f32 to vector<512x4096xf32>
    %mul3A_16 = arith.mulf %mul3A_15, %slice3A_14 : vector<512x4096xf32>
    %sub3A = arith.subf %add3A_13, %mul3A_16 : vector<512x4096xf32>
    %reduce_min3A = arith.constant dense<0x7F800000> : vector<512xf32>
    %reduce_min3A_17 = vector.multi_reduction <minimumf>, %sub3A, %reduce_min3A [1] : vector<512x4096xf32> to vector<512xf32>
    %broadcast_in_dim3A_18 = vector.shape_cast %reduce_min3A_17 : vector<512xf32> to vector<512x1xf32>
    %eq3A = vector.broadcast %broadcast_in_dim3A_18 : vector<512x1xf32> to vector<512x4096xf32>
    %eq3A_19 = arith.cmpf oeq, %sub3A, %eq3A : vector<512x4096xf32>
    %jit3A = arith.constant 1.000000e+09 : f32
    %broadcast_in_dim3A_20 = vector.shape_cast %convert_element_type3A : vector<1x4096xf32> to vector<1x4096xf32>
    %broadcast_in_dim3A_21 = vector.broadcast %broadcast_in_dim3A_20 : vector<1x4096xf32> to vector<512x4096xf32>
    %broadcast_in_dim3A_22 = vector.broadcast %jit3A : f32 to vector<512x4096xf32>
    %select_n3A = arith.select %eq3A_19, %broadcast_in_dim3A_21, %broadcast_in_dim3A_22 : vector<512x4096xi1>, vector<512x4096xf32>
    %reduce_min3A_23 = arith.constant dense<0x7F800000> : vector<512xf32>
    %reduce_min3A_24 = vector.multi_reduction <minimumf>, %select_n3A, %reduce_min3A_23 [1] : vector<512x4096xf32> to vector<512xf32>
    %broadcast_in_dim3A_25 = vector.shape_cast %reduce_min3A_24 : vector<512xf32> to vector<512x1xf32>
    %eq3A_26 = vector.broadcast %convert_element_type3A : vector<1x4096xf32> to vector<512x4096xf32>
    %eq3A_27 = vector.broadcast %broadcast_in_dim3A_25 : vector<512x1xf32> to vector<512x4096xf32>
    %eq3A_28 = arith.cmpf oeq, %eq3A_26, %eq3A_27 : vector<512x4096xf32>
    %jit3A_29 = arith.constant 0x7F800000 : f32
    %broadcast_in_dim3A_30 = vector.broadcast %jit3A_29 : f32 to vector<512x4096xf32>
    %select_n3A_31 = arith.select %eq3A_28, %broadcast_in_dim3A_30, %sub3A : vector<512x4096xi1>, vector<512x4096xf32>
    %reduce_min3A_32 = arith.constant dense<0x7F800000> : vector<512xf32>
    %reduce_min3A_33 = vector.multi_reduction <minimumf>, %select_n3A_31, %reduce_min3A_32 [1] : vector<512x4096xf32> to vector<512xf32>
    %broadcast_in_dim3A_34 = vector.shape_cast %reduce_min3A_33 : vector<512xf32> to vector<512x1xf32>
    %eq3A_35 = vector.broadcast %broadcast_in_dim3A_34 : vector<512x1xf32> to vector<512x4096xf32>
    %eq3A_36 = arith.cmpf oeq, %select_n3A_31, %eq3A_35 : vector<512x4096xf32>
    %jit3A_37 = arith.constant 1.000000e+09 : f32
    %broadcast_in_dim3A_38 = vector.shape_cast %convert_element_type3A : vector<1x4096xf32> to vector<1x4096xf32>
    %broadcast_in_dim3A_39 = vector.broadcast %broadcast_in_dim3A_38 : vector<1x4096xf32> to vector<512x4096xf32>
    %broadcast_in_dim3A_40 = vector.broadcast %jit3A_37 : f32 to vector<512x4096xf32>
    %select_n3A_41 = arith.select %eq3A_36, %broadcast_in_dim3A_39, %broadcast_in_dim3A_40 : vector<512x4096xi1>, vector<512x4096xf32>
    %reduce_min3A_42 = arith.constant dense<0x7F800000> : vector<512xf32>
    %reduce_min3A_43 = vector.multi_reduction <minimumf>, %select_n3A_41, %reduce_min3A_42 [1] : vector<512x4096xf32> to vector<512xf32>
    %broadcast_in_dim3A_44 = vector.shape_cast %reduce_min3A_24 : vector<512xf32> to vector<512x1xf32>
    %convert_element_type3A_45 = arith.fptosi %broadcast_in_dim3A_44 : vector<512x1xf32> to vector<512x1xi32>
    %swap3A = arith.constant 0 : index
    %swap3A_46 = arith.constant 0 : index
    %swap3A_47 = vector.load %arg4[%swap3A, %swap3A_46] : memref<512x1xi32, #tpu.memory_space<vmem>>, vector<512x1xi32>
    tpu.vector_store %arg4[%swap3A, %swap3A_46], %convert_element_type3A_45 {strides = array<i32>} : memref<512x1xi32, #tpu.memory_space<vmem>>, vector<512x1xi32>,
    %broadcast_in_dim3A_48 = vector.shape_cast %reduce_min3A_43 : vector<512xf32> to vector<512x1xf32>
    %convert_element_type3A_49 = arith.fptosi %broadcast_in_dim3A_48 : vector<512x1xf32> to vector<512x1xi32>
    %swap3A_50 = arith.constant 0 : index
    %swap3A_51 = arith.constant 0 : index
    %swap3A_52 = vector.load %arg5[%swap3A_50, %swap3A_51] : memref<512x1xi32, #tpu.memory_space<vmem>>, vector<512x1xi32>
    tpu.vector_store %arg5[%swap3A_50, %swap3A_51], %convert_element_type3A_49 {strides = array<i32>} : memref<512x1xi32, #tpu.memory_space<vmem>>, vector<512x1xi32>,
    %integer_pow3A_53 = arith.mulf %slice3A_2, %slice3A_2 : vector<512x32xf32>
    %reduce_sum3A_54 = arith.constant dense<0.000000e+00> : vector<512xf32>
    %reduce_sum3A_55 = vector.multi_reduction <add>, %integer_pow3A_53, %reduce_sum3A_54 [1] : vector<512x32xf32> to vector<512xf32>
    %broadcast_in_dim3A_56 = vector.shape_cast %reduce_sum3A_55 : vector<512xf32> to vector<512x1xf32>
    %slice3A_57 = vector.extract_strided_slice %get3A_9 {offsets = [0, 4096], sizes = [1, 4096], strides = [1, 1]} : vector<1x8192xf32> to vector<1x4096xf32>
    %add3A_58 = vector.broadcast %broadcast_in_dim3A_56 : vector<512x1xf32> to vector<512x4096xf32>
    %add3A_59 = vector.broadcast %slice3A_57 : vector<1x4096xf32> to vector<512x4096xf32>
    %add3A_60 = arith.addf %add3A_58, %add3A_59 : vector<512x4096xf32>
    %slice3A_61 = vector.extract_strided_slice %dot_general3A_6 {offsets = [0, 4096], sizes = [512, 4096], strides = [1, 1]} : vector<512x8192xf32> to vector<512x4096xf32>
    %mul3A_62 = arith.constant 2.000000e+00 : f32
    %mul3A_63 = vector.broadcast %mul3A_62 : f32 to vector<512x4096xf32>
    %mul3A_64 = arith.mulf %mul3A_63, %slice3A_61 : vector<512x4096xf32>
    %sub3A_65 = arith.subf %add3A_60, %mul3A_64 : vector<512x4096xf32>
    %reduce_min3A_66 = arith.constant dense<0x7F800000> : vector<512xf32>
    %reduce_min3A_67 = vector.multi_reduction <minimumf>, %sub3A_65, %reduce_min3A_66 [1] : vector<512x4096xf32> to vector<512xf32>
    %broadcast_in_dim3A_68 = vector.shape_cast %reduce_min3A_67 : vector<512xf32> to vector<512x1xf32>
    %eq3A_69 = vector.broadcast %broadcast_in_dim3A_68 : vector<512x1xf32> to vector<512x4096xf32>
    %eq3A_70 = arith.cmpf oeq, %sub3A_65, %eq3A_69 : vector<512x4096xf32>
    %jit3A_71 = arith.constant 1.000000e+09 : f32
    %broadcast_in_dim3A_72 = vector.shape_cast %convert_element_type3A : vector<1x4096xf32> to vector<1x4096xf32>
    %broadcast_in_dim3A_73 = vector.broadcast %broadcast_in_dim3A_72 : vector<1x4096xf32> to vector<512x4096xf32>
    %broadcast_in_dim3A_74 = vector.broadcast %jit3A_71 : f32 to vector<512x4096xf32>
    %select_n3A_75 = arith.select %eq3A_70, %broadcast_in_dim3A_73, %broadcast_in_dim3A_74 : vector<512x4096xi1>, vector<512x4096xf32>
    %reduce_min3A_76 = arith.constant dense<0x7F800000> : vector<512xf32>
    %reduce_min3A_77 = vector.multi_reduction <minimumf>, %select_n3A_75, %reduce_min3A_76 [1] : vector<512x4096xf32> to vector<512xf32>
    %broadcast_in_dim3A_78 = vector.shape_cast %reduce_min3A_77 : vector<512xf32> to vector<512x1xf32>
    %convert_element_type3A_79 = arith.fptosi %broadcast_in_dim3A_78 : vector<512x1xf32> to vector<512x1xi32>
    %swap3A_80 = arith.constant 0 : index
    %swap3A_81 = arith.constant 0 : index
    %swap3A_82 = vector.load %arg6[%swap3A_80, %swap3A_81] : memref<512x1xi32, #tpu.memory_space<vmem>>, vector<512x1xi32>
    tpu.vector_store %arg6[%swap3A_80, %swap3A_81], %convert_element_type3A_79 {strides = array<i32>} : memref<512x1xi32, #tpu.memory_space<vmem>>, vector<512x1xi32>,
    return
  }
  func.func @transform_0(%arg0: i32) -> (i32, i32) {
    %c0_i32 = arith.constant 0 : i32
    %c0_i32_0 = arith.constant 0 : i32
    return %arg0, %c0_i32 : i32, i32
  }
  func.func @transform_1(%arg0: i32) -> (i32, i32) {
    %c0_i32 = arith.constant 0 : i32
    %c0_i32_0 = arith.constant 0 : i32
    %c0_i32_1 = arith.constant 0 : i32
    return %c0_i32, %c0_i32_0 : i32, i32
  }
  func.func @transform_2(%arg0: i32) -> (i32, i32) {
    %c0_i32 = arith.constant 0 : i32
    %c0_i32_0 = arith.constant 0 : i32
    %c0_i32_1 = arith.constant 0 : i32
    return %c0_i32, %c0_i32_0 : i32, i32
  }
  func.func @transform_3(%arg0: i32) -> (i32, i32) {
    %c0_i32 = arith.constant 0 : i32
    %c0_i32_0 = arith.constant 0 : i32
    return %arg0, %c0_i32 : i32, i32
  }
  func.func @transform_4(%arg0: i32) -> (i32, i32) {
    %c0_i32 = arith.constant 0 : i32
    %c0_i32_0 = arith.constant 0 : i32
    return %arg0, %c0_i32 : i32, i32
  }
  func.func @transform_5(%arg0: i32) -> (i32, i32) {
    %c0_i32 = arith.constant 0 : i32
    %c0_i32_0 = arith.constant 0 : i32
    return %arg0, %c0_i32 : i32, i32
  }
}

module attributes {stable_mosaic.version = 14 : i64} {
  func.func @_finish_body(%arg0: i32, %arg1: memref<2048x64xf32, #tpu.memory_space<vmem>>, %arg2: memref<2048x32xf32, #tpu.memory_space<vmem>>, %arg3: memref<2048x32xf32, #tpu.memory_space<vmem>>, %arg4: memref<2048x32xf32, #tpu.memory_space<vmem>>, %arg5: memref<2048x32xf32, #tpu.memory_space<vmem>>, %arg6: memref<1x1xf32, #tpu.memory_space<vmem>>) attributes {dimension_semantics = [#tpu.dimension_semantics<arbitrary>], iteration_bounds = array<i64: 8>, scalar_prefetch = 0 : i64, scratch_operands = 0 : i64, tpu.core_type = #tpu.core_type<tc>, window_params = [{transform_indices = @transform_0, window_bounds = array<i64: 2048, 64>}, {transform_indices = @transform_1, window_bounds = array<i64: 2048, 32>}, {transform_indices = @transform_2, window_bounds = array<i64: 2048, 32>}, {transform_indices = @transform_3, window_bounds = array<i64: 2048, 32>}, {transform_indices = @transform_4, window_bounds = array<i64: 2048, 32>}, {pipeline_mode = #tpu.pipeline_mode<synchronous>, transform_indices = @transform_5, window_bounds = array<i64: 1, 1>}]} {
    %get3A = arith.constant 0 : index
    %get3A_0 = arith.constant 0 : index
    %get3A_1 = vector.load %arg1[%get3A, %get3A_0] : memref<2048x64xf32, #tpu.memory_space<vmem>>, vector<2048x32xf32>
    %get3A_2 = arith.constant 0 : index
    %get3A_3 = arith.constant 32 : index
    %get3A_4 = vector.load %arg1[%get3A_2, %get3A_3] : memref<2048x64xf32, #tpu.memory_space<vmem>>, vector<2048x32xf32>
    %get3A_5 = arith.constant 0 : index
    %get3A_6 = arith.constant 0 : index
    %get3A_7 = vector.load %arg2[%get3A_5, %get3A_6] : memref<2048x32xf32, #tpu.memory_space<vmem>>, vector<2048x32xf32>
    %get3A_8 = arith.constant 0 : index
    %get3A_9 = arith.constant 0 : index
    %get3A_10 = vector.load %arg3[%get3A_8, %get3A_9] : memref<2048x32xf32, #tpu.memory_space<vmem>>, vector<2048x32xf32>
    %sub3A = arith.subf %get3A_7, %get3A_1 : vector<2048x32xf32>
    %add3A = arith.addf %get3A_1, %sub3A : vector<2048x32xf32>
    %swap3A = arith.constant 0 : index
    %swap3A_11 = arith.constant 0 : index
    %swap3A_12 = vector.load %arg4[%swap3A, %swap3A_11] : memref<2048x32xf32, #tpu.memory_space<vmem>>, vector<2048x32xf32>
    tpu.vector_store %arg4[%swap3A, %swap3A_11], %add3A {strides = array<i32>} : memref<2048x32xf32, #tpu.memory_space<vmem>>, vector<2048x32xf32>,
    %sub3A_13 = arith.subf %get3A_10, %get3A_4 : vector<2048x32xf32>
    %add3A_14 = arith.addf %get3A_4, %sub3A_13 : vector<2048x32xf32>
    %swap3A_15 = arith.constant 0 : index
    %swap3A_16 = arith.constant 0 : index
    %swap3A_17 = vector.load %arg5[%swap3A_15, %swap3A_16] : memref<2048x32xf32, #tpu.memory_space<vmem>>, vector<2048x32xf32>
    tpu.vector_store %arg5[%swap3A_15, %swap3A_16], %add3A_14 {strides = array<i32>} : memref<2048x32xf32, #tpu.memory_space<vmem>>, vector<2048x32xf32>,
    %sub3A_18 = arith.subf %get3A_7, %get3A_1 : vector<2048x32xf32>
    %integer_pow3A = arith.mulf %sub3A_18, %sub3A_18 : vector<2048x32xf32>
    %reduce_sum3A = vector.shape_cast %integer_pow3A : vector<2048x32xf32> to vector<1x2048x32xf32>
    %reduce_sum3A_19 = arith.constant dense<0.000000e+00> : vector<1xf32>
    %reduce_sum3A_20 = vector.multi_reduction <add>, %reduce_sum3A, %reduce_sum3A_19 [1, 2] : vector<1x2048x32xf32> to vector<1xf32>
    %reduce_sum3A_21 = vector.shape_cast %reduce_sum3A_20 : vector<1xf32> to vector<1x1x1xf32>
    %reduce_sum3A_22 = vector.extract %reduce_sum3A_21[0, 0, 0] : f32 from vector<1x1x1xf32>
    %sub3A_23 = arith.subf %get3A_10, %get3A_4 : vector<2048x32xf32>
    %integer_pow3A_24 = arith.mulf %sub3A_23, %sub3A_23 : vector<2048x32xf32>
    %reduce_sum3A_25 = vector.shape_cast %integer_pow3A_24 : vector<2048x32xf32> to vector<1x2048x32xf32>
    %reduce_sum3A_26 = arith.constant dense<0.000000e+00> : vector<1xf32>
    %reduce_sum3A_27 = vector.multi_reduction <add>, %reduce_sum3A_25, %reduce_sum3A_26 [1, 2] : vector<1x2048x32xf32> to vector<1xf32>
    %reduce_sum3A_28 = vector.shape_cast %reduce_sum3A_27 : vector<1xf32> to vector<1x1x1xf32>
    %reduce_sum3A_29 = vector.extract %reduce_sum3A_28[0, 0, 0] : f32 from vector<1x1x1xf32>
    %add3A_30 = arith.addf %reduce_sum3A_22, %reduce_sum3A_29 : f32
    %mul3A = arith.constant 2.38418579E-6 : f32
    %mul3A_31 = arith.mulf %add3A_30, %mul3A : f32
    %eq3A = arith.constant 0 : i32
    %eq3A_32 = arith.cmpi eq, %arg0, %eq3A : i32
    %broadcast_in_dim3A = arith.constant 0.000000e+00 : f32
    %broadcast_in_dim3A_33 = vector.broadcast %broadcast_in_dim3A : f32 to vector<1x1xf32>
    %get3A_34 = arith.constant 0 : index
    %get3A_35 = arith.constant 0 : index
    %get3A_36 = vector.load %arg6[%get3A_34, %get3A_35] : memref<1x1xf32, #tpu.memory_space<vmem>>, vector<1x1xf32>
    %select_n3A = arith.select %eq3A_32, %broadcast_in_dim3A_33, %get3A_36 : vector<1x1xf32>
    %add3A_37 = vector.broadcast %mul3A_31 : f32 to vector<1x1xf32>
    %add3A_38 = arith.addf %select_n3A, %add3A_37 : vector<1x1xf32>
    %swap3A_39 = arith.constant 0 : index
    %swap3A_40 = arith.constant 0 : index
    %swap3A_41 = vector.load %arg6[%swap3A_39, %swap3A_40] : memref<1x1xf32, #tpu.memory_space<vmem>>, vector<1x1xf32>
    tpu.vector_store %arg6[%swap3A_39, %swap3A_40], %add3A_38 {strides = array<i32>} : memref<1x1xf32, #tpu.memory_space<vmem>>, vector<1x1xf32>,
    return
  }
  func.func @transform_0(%arg0: i32) -> (i32, i32) {
    %c0_i32 = arith.constant 0 : i32
    %c0_i32_0 = arith.constant 0 : i32
    return %arg0, %c0_i32 : i32, i32
  }
  func.func @transform_1(%arg0: i32) -> (i32, i32) {
    %c0_i32 = arith.constant 0 : i32
    %c0_i32_0 = arith.constant 0 : i32
    return %arg0, %c0_i32 : i32, i32
  }
  func.func @transform_2(%arg0: i32) -> (i32, i32) {
    %c0_i32 = arith.constant 0 : i32
    %c0_i32_0 = arith.constant 0 : i32
    return %arg0, %c0_i32 : i32, i32
  }
  func.func @transform_3(%arg0: i32) -> (i32, i32) {
    %c0_i32 = arith.constant 0 : i32
    %c0_i32_0 = arith.constant 0 : i32
    return %arg0, %c0_i32 : i32, i32
  }
  func.func @transform_4(%arg0: i32) -> (i32, i32) {
    %c0_i32 = arith.constant 0 : i32
    %c0_i32_0 = arith.constant 0 : i32
    return %arg0, %c0_i32 : i32, i32
  }
  func.func @transform_5(%arg0: i32) -> (i32, i32) {
    %c0_i32 = arith.constant 0 : i32
    %c0_i32_0 = arith.constant 0 : i32
    %c0_i32_1 = arith.constant 0 : i32
    return %c0_i32, %c0_i32_0 : i32, i32
  }
}

</mosaic_0001>

<sc_bundles>
// kernel: kernel.12.cloned.1.call-start
scs
__scs_entry_jumppad:
0x0: {  	(pc) =	sbr.rel $0x88, $3  }
0x1: {  	(tag) =	ssettag $0x0;
	lr =	simm.s32 $0x1  }
0x2: {  	[smem:$0x3F9A] =	sst lr;
	_ =	strace $0xD0000000  }
0x3: {  	_ = 	snop  }
0x4: {  	_ = 	snop  }
0x5: {  	_ = 	snop  }
0x6: {  	_ = 	snop  }
0x7: {  	_ = 	snop  }
__scs_overlays_trampoline_lowered:
0x8: {  	[smem:$0x3FA9] =	sst s0  }
0x9: {  	[smem:$0x3FAA] =	sst s1  }
0xa: {  	[smem:$0x3FAB] =	sst s2  }
0xb: {  	[smem:$0x3FAC] =	sst s3  }
0xc: {  	[smem:$0x3FAD] =	sst s4  }
0xd: {  	[smem:$0x3FAE] =	sst s5  }
0xe: {  	[smem:$0x3FAF] =	sst s6  }
0xf: {  	[smem:$0x3FB0] =	sst s7  }
0x10: {  	[smem:$0x3FB1] =	sst s8  }
0x11: {  	[smem:$0x3FB2] =	sst s9;
	s0 =	simm.s32 @!p0 $0x0  }
0x12: {  	s1 =	sld [smem:$0x3F98];
	s0 =	simm.s32 @p0 $0x1  }
0x13: {  	[smem:$0x3FB3] =	sst s0;
	s0 =	simm.s32 @!p1 $0x0  }
0x14: {  	s2 =	sld [smem:$0x3F97];
	s0 =	simm.s32 @p1 $0x1  }
0x15: {  	[smem:$0x3FB4] =	sst s0;
	s0 =	simm.s32 @!p2 $0x0  }
0x16: {  	s3 =	sld [smem:$0x3FDB];
	s0 =	simm.s32 @p2 $0x1  }
0x17: {  	s4 =	simm.s32 $0x1BF5;
	[smem:$0x3FB6] =	sst s0  }
0x18: {  	s0 =	sld [smem:$0x3F99];
	_ =	swait.ge [sflag:s4], $0x0  }
0x19: {  	s7 =	sld [smem:$0x3F9A]  }
0x1a: {  	s8 =	sadd.s32 $0xFFFFE003, lr  }
0x1b: {  	s9 =	sadd.s32 $0xFFFFFEF7, lr;
	s5 =	simm.s32 $0xFFFFFFFF;
	p2 =	slt.u32 s8, $0xFFFFF086  }
0x1c: {  	p1 =	slt.u32 s9, $0xF7A;
	s5 =	simm.s32 @!p2 $0x0  }
0x1d: {  	s5 =	simm.s32 @p1 $0x1;
	p0 =	seq.s32 s7, s2  }
0x1e: {  	s7 =	smul.u32 @!p0 $0xF7A, s2;
	p2 =	seq.s32 @!p0 s5, $0x0  }
0x1f: {  	s9 =	smul.u32 $0xF7A, s1;
	s8 =	simm.s32 @!p0 $0x1BF5;
	p2 =	por !p2, p0  }
0x20: {  	[sflag:s8] =	ssyncset.s32 @!p0 $0xFFFFF086;
	s6 =	sadd.s32 @!p0 s3, s7;
	s7 =	simm.s32 @!p0 $0x108  }
0x21: {  	s3 =	sadd.s32 s3, s9;
	s6 =	sadd.s32 @!p0 $0x88, s6;
	s7 =	simm.s32 @p2 $0x1082  }
0x22: {  	[simem:s7], [sflag:s8] =	dma.local @!p0 [hbm:s6], $0xF7A  }
0x23: {  	s9 =	sor.u32 $0xD0000000, s2;
	s6 =	simm.s32 $0x108;
	_ =	swait.ge @!p0 [sflag:s8], $0x0  }
0x24: {  	s3 =	sadd.s32 $0x88, s3;
	s6 =	simm.s32 @!p1 $0x1082;
	[sflag:s4] =	ssyncset.s32 $0xFFFFF086  }
0x25: {  	[simem:s6], [sflag:s4] =	dma.local [hbm:s3], $0xF7A  }
0x26: {  	[smem:$0x3F9A] =	sst s1;
	(tag) =	ssettag s2;
	_ =	strace s9  }
0x27: {  	s1 =	sld [smem:$0x3FAA]  }
0x28: {  	s2 =	sld [smem:$0x3FAB]  }
0x29: {  	s4 =	sld [smem:$0x3FAD]  }
0x2a: {  	p0 =	seq.s32 s5, $0x0;
	s5 =	sld [smem:$0x3FAE]  }
0x2b: {  	s6 =	sld [smem:$0x3FAF]  }
0x2c: {  	s7 =	sld [smem:$0x3FB0]  }
0x2d: {  	s3 =	simm.s32 $0x108;
	s8 =	sld [smem:$0x3FB1]  }
0x2e: {  	s3 =	simm.s32 @!p0 $0x1082;
	s9 =	sld [smem:$0x3FB2]  }
0x2f: {  	lr =	sadd.s32 s0, s3;
	s0 =	sld [smem:$0x3FA9]  }
0x30: {  	s3 =	sld [smem:$0x3FAC]  }
0x31: {  	[smem:$0x3FB5] =	sst s10  }
0x32: {  	s10 =	sld [smem:$0x3FB3];
	_ =	sdelay $0x3  }
0x33: {  	p0 =	seq.s32 s10, $0x1;
	s10 =	sld [smem:$0x3FB5];
	_ =	sdelay $0x3  }
0x34: {  	[smem:$0x3FB5] =	sst s10  }
0x35: {  	s10 =	sld [smem:$0x3FB4];
	_ =	sdelay $0x3  }
0x36: {  	p1 =	seq.s32 s10, $0x1;
	s10 =	sld [smem:$0x3FB5];
	_ =	sdelay $0x3  }
0x37: {  	[smem:$0x3FB5] =	sst s10  }
0x38: {  	s10 =	sld [smem:$0x3FB6]  }
0x39: {  	_ = 	snop;
	(pc) =	sbr.ind lr, $3  }
0x3a: {  	_ = 	snop  }
0x3b: {  	_ = 	snop  }
0x3c: {  	p2 =	seq.s32 s10, $0x1;
	s10 =	sld [smem:$0x3FB5]  }
0x3d: {  	_ =	shalt  }
0x3e: {  	_ =	shalt  }
0x3f: {  	_ =	shalt  }
0x40: {  	_ =	shalt  }
0x41: {  	_ =	shalt  }
0x42: {  	_ =	shalt  }
0x43: {  	_ =	shalt  }
0x44: {  	_ =	shalt  }
0x45: {  	_ =	shalt  }
0x46: {  	_ =	shalt  }
0x47: {  	_ =	shalt  }
0x48: {  	_ =	shalt  }
0x49: {  	_ =	shalt  }
0x4a: {  	_ =	shalt  }
0x4b: {  	_ =	shalt  }
0x4c: {  	_ =	shalt  }
0x4d: {  	_ =	shalt  }
0x4e: {  	_ =	shalt  }
0x4f: {  	_ =	shalt  }
0x50: {  	_ =	shalt  }
0x51: {  	_ =	shalt  }
0x52: {  	_ =	shalt  }
0x53: {  	_ =	shalt  }
0x54: {  	_ =	shalt  }
0x55: {  	_ =	shalt  }
0x56: {  	_ =	shalt  }
0x57: {  	_ =	shalt  }
0x58: {  	_ =	shalt  }
0x59: {  	_ =	shalt  }
0x5a: {  	_ =	shalt  }
0x5b: {  	_ =	shalt  }
0x5c: {  	_ =	shalt  }
0x5d: {  	_ =	shalt  }
0x5e: {  	_ =	shalt  }
0x5f: {  	_ =	shalt  }
0x60: {  	_ =	shalt  }
0x61: {  	_ =	shalt  }
0x62: {  	_ =	shalt  }
0x63: {  	_ =	shalt  }
0x64: {  	_ =	shalt  }
0x65: {  	_ =	shalt  }
0x66: {  	_ =	shalt  }
0x67: {  	_ =	shalt  }
0x68: {  	_ =	shalt  }
0x69: {  	_ =	shalt  }
0x6a: {  	_ =	shalt  }
0x6b: {  	_ =	shalt  }
0x6c: {  	_ =	shalt  }
0x6d: {  	_ =	shalt  }
0x6e: {  	_ =	shalt  }
0x6f: {  	_ =	shalt  }
0x70: {  	_ =	shalt  }
0x71: {  	_ =	shalt  }
0x72: {  	_ =	shalt  }
0x73: {  	_ =	shalt  }
0x74: {  	_ =	shalt  }
0x75: {  	_ =	shalt  }
0x76: {  	_ =	shalt  }
0x77: {  	_ =	shalt  }
0x78: {  	_ =	shalt  }
0x79: {  	_ =	shalt  }
0x7a: {  	_ =	shalt  }
0x7b: {  	_ =	shalt  }
0x7c: {  	_ =	shalt  }
0x7d: {  	_ =	shalt  }
0x7e: {  	_ =	shalt  }
0x7f: {  	_ =	shalt  }
0x80: {  	_ =	shalt  }
0x81: {  	_ =	shalt  }
0x82: {  	_ =	shalt  }
0x83: {  	_ =	shalt  }
0x84: {  	_ =	shalt  }
0x85: {  	_ =	shalt  }
0x86: {  	_ =	shalt  }
0x87: {  	_ =	shalt  }
.Lfunc_end0:
.L_simem_size_0:
called_computation_lowered:
.L_overlay_start_0:
0x88: {  	s2 =	sld [smem:$0x3FD9]  }
0x89: {  	s3 =	sld [smem:$0x3FFE];
	_ =	sdelay $0x1  }
0x8a: {  	s1 =	srdreg.scid  }
0x8b: {  	s0 =	sand.u32 $0x1, s1  }
0x8c: {  	s14 =	sshll.u32 s0, $0xA;
	s2 =	sadd.s32 s3, s2  }
0x8d: {  	s2 =	sadd.s32 s2, s14  }
0x8e: {  	[smem:$0x3FC1] =	sst s2  }
0x8f: {  	_ = 	snop  }
0x90: {  	s2 =	sld [smem:$0x3FD0];
	_ =	sdelay $0x2  }
0x91: {  	s15 =	simm.s32 $0xA;
	s4 =	simm.s32 $0x10  }
0x92: {  	[smem:s4], [sflag:s15] =	dma.local [hbm:s2], $0x1  }
0x93: {  	_ =	swait.eq [sflag:s15], $0x1  }
0x94: {  	[sflag:s15] =	ssyncset.done $0x0  }
0x95: {  	[sflag:s15] =	ssyncadd.s32 $0xFFFFFFFF  }
0x96: {  	s16 =	sld [smem:$0x10];
	(tm) =	ssettm $0x1  }
0x97: {  	s17 =	sld [smem:$0x3FFB];
	_ =	sdelay $0x3  }
0x98: {  	_ =	strace s17  }
0x99: {  	s3 =	sld [smem:$0x3FFC];
	_ =	sdelay $0x3  }
0x9a: {  	_ =	strace s3  }
0x9b: {  	s3 =	sld [smem:$0x3FFD];
	_ =	sdelay $0x3  }
0x9c: {  	_ =	strace s3  }
0x9d: {  	_ =	strace $0x8FFFFFFF  }
0x9e: {  	s18 =	sld [smem:$0x3FDB];
	_ =	sdelay $0x1  }
0x9f: {  	s19 =	simm.s32 $_scs_section_size  }
0xa0: {  	s5 =	simm.s32 $_size__tile_overlayer_lowered;
	s6 =	simm.s32 $_tile_overlayer_lowered  }
0xa1: {  	s22 =	simm.s32 $0x1BFF;
	s21 =	sshll.u32 s6, $0x1;
	s3 =	sadd.s32 s19, s18  }
0xa2: {  	s7 =	simm.s32 $0x0;
	s20 =	sshll.u32 s5, $0x1;
	s5 =	sadd.s32 s21, s3  }
0xa3: {  	[timem:s7], [sflag:s22] =	dma.local [hbm:s5], s20  }
0xa4: {  	_ =	swait.ge [sflag:s22], s20  }
0xa5: {  	s4 =	ssub.s32 $0x0, s20;
	[sflag:s22] =	ssyncset.done $0x0  }
0xa6: {  	[sflag:s22] =	ssyncadd.s32 s4;
	_ =	sdelay $0x1  }
0xa7: {  	s23 =	simm.s32 $0x1B8B  }
0xa8: {  	_ =	swait.ge [sflag:s23], $0x1  }
0xa9: {  	[sflag:s23] =	ssyncset.done $0x0  }
0xaa: {  	s25 =	simm.s32 $0x1B8E;
	s24 =	sld [smem:$0x3FFE];
	[sflag:s23] =	ssyncadd.s32 $0xFFFFFFFF  }
0xab: {  	s26 =	simm.s32 $execute0_lowered;
	[smem:$0x3FD2] =	sst s25  }
0xac: {  	s5 =	sshll.u32 s26, $0x1;
	_ =	strace $0x80000046;
	[dreg:$0x1] =	wrdreg $0xFFFFFFFF  }
0xad: {  	s28 =	simm.s32 $_size_execute0_lowered;
	s3 =	sadd.s32 s3, s5;
	[dreg:$0x0] =	wrdreg $0x0  }
0xae: {  	s5 =	sshll.u32 s28, $0x1;
	[dreg:$0x2] =	wrdreg s3  }
0xaf: {  	[dreg:$0x3] =	wrdreg s5  }
0xb0: {  	[dreg:$0x4] =	wrdreg $0xC0  }
0xb1: {  	_ =	task [dreg:s7], $0x5FFFF  }
0xb2: {  	[dreg:$0x1] =	wrdreg $0xFFFFFFFF  }
0xb3: {  	[dreg:$0x0] =	wrdreg $0x60  }
0xb4: {  	[dreg:$0x2] =	wrdreg s24  }
0xb5: {  	[dreg:$0x3] =	wrdreg s16  }
0xb6: {  	[dreg:$0x4] =	wrdreg $0x9  }
0xb7: {  	_ =	task.clear_ibuf [dreg:s7], $0x5FFFF;
	_ =	strace $0x90000046  }
0xb8: {  	s29 =	simm.s32 $0x9;
	_ =	strace $0x80000048  }
0xb9: {  	_ =	swait.ge [sflag:s29], $0x1  }
0xba: {  	[sflag:s29] =	ssyncadd.s32 $0xFFFFFFFF  }
0xbb: {  	_ =	strace $0x90000048  }
0xbc: {  	_ =	sfence  }
0xbd: {  	s30 =	sld [smem:$0x0];
	_ =	sdelay $0x2  }
0xbe: {  	s31 =	sshll.u32 s1, $0xD;
	s1 =	sshrl.u32 s1, $0x2  }
0xbf: {  	s3 =	sand.u32 $0x4000, s31;
	s1 =	sadd.s32 s1, s30  }
0xc0: {  	s0 =	sor.u32 s3, s0;
	s1 =	sshll.u32 s1, $0x11  }
0xc1: {  	s0 =	sor.u32 s1, s0  }
0xc2: {  	s0 =	sadd.s32 $0x8F2B, s0  }
0xc3: {  	[sflag:s0] =	ssyncadd.remote.s32 $0x1  }
0xc4: {  	_ =	sfence.sel $0xFFFF  }
0xc5: {  	[dreg:$0x0] =	wrdreg $0xFFFFFFFF;
	(pc) =	sbr.abs _section_cstart, $3  }
0xc6: {  	[dreg:$0x1] =	wrdreg $0xFFFFFFFF  }
0xc7: {  	_ =	task.clear_ibuf [dreg:s7], $0x2FFFF;
	_ =	strace $0x9FFFFFFF  }
0xc8: {  	(tm) =	ssettm $0x7FFFFFFF  }
0xc9: {  	_ =	shalt  }
tec
execute0_lowered:
.L_overlay_start_1:
0x0: {  	(tag) =	ssettag $0x1  }
0x1: {  	s3 =	rddreg [dreg:$0x0]  }
0x2: {  	s4 =	rddreg [dreg:$0x1];
	s1 =	srdreg.scid  }
0x3: {  	s0 =	rddreg [dreg:$0x2];
	s5 =	sand.u32 $0x1, s1  }
0x4: {  	s2 =	simm.s32 $0x0;
	s1 =	stileid.u32;
	s6 =	sshll.u32 s5, $0x4  }
0x5: {  	[smem:$0x7FF] =	sst s2;
	s5 =	ssub.s32 $0x2, s5;
	s6 =	sor.u32 s1, s6  }
0x6: {  	_ =	strace $0x80000047;
	s8 =	sshrl.u32 s5, $0x1;
	s7 =	sshll.u32 s6, $0x9  }
0x7: {  	s5 =	ssub.s32 s5, s8;
	s6 =	sshll.u32 s6, $0xA;
	s8 =	simm.s32 $0x0  }
0x8: {  	s3 =	sadd.s32 s7, s3;
	s4 =	sadd.s32 s4, s6;
	s5 =	smax.u32 s5, $0x1  }
0x9: {  	v0 =	vimm.f32 $0.0e+00;
	v1 =	vimm.f32 $1.000000000e+00;
	s6 =	simm.s32 $0x1;
	s7 =	simm.s32 $0x1000;
	s3 =	sadd.s32 $0x5800, s3  }
.LBB2_1:
0xa: {  	s9 =	simm.s32 $0x40;
	s10 =	simm.s32 $0x0  }
.LBB2_2:
0xb: {  	p0 =	sne.s32 s9, $0x7FC0;
	[tilespmem:s10+$0x1000] =	vst v0;
	s10 =	smov.u32 s9;
	s9 =	sadd.s32 $0x40, s9  }
.Ltmp0:
0xc: {  	(pc) =	sbr.rel @p0 .LBB2_2-.Ltmp0, $2  }
0xd: {  	_ =	sdelay $0x2  }
0xe: {  	s10 =	sshra.s32 s10, $0x2  }
0xf: {  	[tilespmem:s10+$0x1000] =	vst v0;
	s9 =	simm.s32 $0x0  }
0x10: {  	[tilespmem:s9], [sflag:$0x1] =	stream.linear.gather [hbm4b:s3+s9], $0x1000, $0x38;
	[tilespmem:$0x3000] =	vst v63  }
0x11: {  	_ =	swait.ge [sflag:s6], $0x1000  }
0x12: {  	[sflag:s6] =	ssyncset.done $0x0  }
0x13: {  	[sflag:s6] =	ssyncadd.s32 $0xFFFFF000  }
.LBB2_4:
0x14: {  	s10 =	sshra.s32 s9, $0x2  }
0x15: {  	v2 =	vld [tilespmem:s10+$0x0];
	_ =	sdelay $0x7  }
0x16: {  	[tilespmem:v2+s7+$0x0] =	vst.idx.add.f32.msk $0xffff, v1  }
0x17: {  	v2 =	vld [tilespmem:s10+$0x10];
	_ =	sdelay $0x7  }
0x18: {  	[tilespmem:v2+s7+$0x0] =	vst.idx.add.f32.msk $0xffff, v1  }
0x19: {  	v2 =	vld [tilespmem:s10+$0x20];
	_ =	sdelay $0x7  }
0x1a: {  	[tilespmem:v2+s7+$0x0] =	vst.idx.add.f32.msk $0xffff, v1  }
0x1b: {  	v2 =	vld [tilespmem:s10+$0x30];
	_ =	sdelay $0x7  }
0x1c: {  	[tilespmem:v2+s7+$0x0] =	vst.idx.add.f32.msk $0xffff, v1  }
0x1d: {  	v2 =	vld [tilespmem:s10+$0x40];
	_ =	sdelay $0x7  }
0x1e: {  	[tilespmem:v2+s7+$0x0] =	vst.idx.add.f32.msk $0xffff, v1  }
0x1f: {  	v2 =	vld [tilespmem:s10+$0x50];
	_ =	sdelay $0x7  }
0x20: {  	[tilespmem:v2+s7+$0x0] =	vst.idx.add.f32.msk $0xffff, v1  }
0x21: {  	v2 =	vld [tilespmem:s10+$0x60];
	_ =	sdelay $0x7  }
0x22: {  	[tilespmem:v2+s7+$0x0] =	vst.idx.add.f32.msk $0xffff, v1  }
0x23: {  	v2 =	vld [tilespmem:s10+$0x70];
	_ =	sdelay $0x2  }
0x24: {  	p0 =	sne.s32 s9, $0x3E00  }
.Ltmp1:
0x25: {  	_ = 	snop;
	(pc) =	sbr.rel @p0 .LBB2_4-.Ltmp1, $2  }
0x26: {  	_ =	sdelay $0x2  }
0x27: {  	s9 =	sadd.s32 $0x200, s9;
	[tilespmem:v2+s7+$0x0] =	vst.idx.add.f32.msk $0xffff, v1  }
0x28: {  	s8 =	sadd.s32 $0x1, s8  }
0x29: {  	p0 =	sne.s32 s8, s5  }
.Ltmp2:
0x2a: {  	_ = 	snop;
	(pc) =	sbr.rel @p0 .LBB2_1-.Ltmp2, $4  }
0x2b: {  	[hbm4b:s4+s2] =	stream.linear.scatter [tilespmem:s7], [sflag:$0x1], $0x2000, $0x38;
	[tilespmem:$0x3000] =	vst v63  }
0x2c: {  	_ =	swait.ge [sflag:s6], $0x2000  }
0x2d: {  	[sflag:s6] =	ssyncset.done $0x0  }
0x2e: {  	[sflag:s6] =	ssyncadd.s32 $0xFFFFE000  }
0x2f: {  	_ =	sfence.sel $0x180000  }
0x30: {  	[bflag:$0x0] =	sbarrier.arrive $0xFFFF  }
0x31: {  	p0 =	sne.s32 s1, $0x0;
	_ =	strace $0x90000047  }
0x32: {  	s0 =	sadd.s32 @!p0 $0x100000, s0;
	[bflag:$0x2] =	sbarrier.arrive $0xFFFF  }
0x33: {  	[sflag:s0] =	ssyncadd.tile.s32 @!p0 $0x1;
	_ =	shalt  }
.Lfunc_end2:
_tile_overlayer_lowered:
.L_overlay_start_2:
0x34: {  	(tag) =	ssettag $0x2  }
0x35: {  	s0 =	rddreg [dreg:$0x0];
	s2 =	stileid.u32  }
0x36: {  	s1 =	rddreg [dreg:$0x1];
	p0 =	sne.s32 s2, $0x0  }
0x37: {  	s3 =	rddreg [dreg:$0x2];
	[bflag:$0x3] =	sbarrier.arrive $0xFFFF;
	s2 =	simm.s32 @!p0 $0x1C01  }
0x38: {  	[timem:s3], [sflag:s2] =	dma.local @!p0 [hbm:s0], s1  }
0x39: {  	s0 =	simm.s32 @!p0 $0x1  }
0x3a: {  	_ =	swait.ge @!p0 [sflag:s0], s1  }
0x3b: {  	s1 =	ssub.s32 @!p0 $0x0, s1;
	[sflag:s0] =	ssyncset.done @!p0 $0x0  }
0x3c: {  	[sflag:s0] =	ssyncadd.s32 @!p0 s1  }
0x3d: {  	[bflag:$0x3] =	sbarrier.arrive $0xFFFF  }
0x3e: {  	_ =	shalt  }

// kernel: kernel.15.cloned.1.call-start
scs
__scs_entry_jumppad:
0x0: {  	(pc) =	sbr.rel $0x88, $3  }
0x1: {  	(tag) =	ssettag $0x0;
	lr =	simm.s32 $0x1  }
0x2: {  	[smem:$0x3F9A] =	sst lr;
	_ =	strace $0xD0000000  }
0x3: {  	_ = 	snop  }
0x4: {  	_ = 	snop  }
0x5: {  	_ = 	snop  }
0x6: {  	_ = 	snop  }
0x7: {  	_ = 	snop  }
__scs_overlays_trampoline_lowered:
0x8: {  	[smem:$0x3FA9] =	sst s0  }
0x9: {  	[smem:$0x3FAA] =	sst s1  }
0xa: {  	[smem:$0x3FAB] =	sst s2  }
0xb: {  	[smem:$0x3FAC] =	sst s3  }
0xc: {  	[smem:$0x3FAD] =	sst s4  }
0xd: {  	[smem:$0x3FAE] =	sst s5  }
0xe: {  	[smem:$0x3FAF] =	sst s6  }
0xf: {  	[smem:$0x3FB0] =	sst s7  }
0x10: {  	[smem:$0x3FB1] =	sst s8  }
0x11: {  	[smem:$0x3FB2] =	sst s9;
	s0 =	simm.s32 @!p0 $0x0  }
0x12: {  	s1 =	sld [smem:$0x3F98];
	s0 =	simm.s32 @p0 $0x1  }
0x13: {  	[smem:$0x3FB3] =	sst s0;
	s0 =	simm.s32 @!p1 $0x0  }
0x14: {  	s2 =	sld [smem:$0x3F97];
	s0 =	simm.s32 @p1 $0x1  }
0x15: {  	[smem:$0x3FB4] =	sst s0;
	s0 =	simm.s32 @!p2 $0x0  }
0x16: {  	s3 =	sld [smem:$0x3FDB];
	s0 =	simm.s32 @p2 $0x1  }
0x17: {  	s4 =	simm.s32 $0x1BF5;
	[smem:$0x3FB6] =	sst s0  }
0x18: {  	s0 =	sld [smem:$0x3F99];
	_ =	swait.ge [sflag:s4], $0x0  }
0x19: {  	s7 =	sld [smem:$0x3F9A]  }
0x1a: {  	s8 =	sadd.s32 $0xFFFFE003, lr  }
0x1b: {  	s9 =	sadd.s32 $0xFFFFFEF7, lr;
	s5 =	simm.s32 $0xFFFFFFFF;
	p2 =	slt.u32 s8, $0xFFFFF086  }
0x1c: {  	p1 =	slt.u32 s9, $0xF7A;
	s5 =	simm.s32 @!p2 $0x0  }
0x1d: {  	s5 =	simm.s32 @p1 $0x1;
	p0 =	seq.s32 s7, s2  }
0x1e: {  	s7 =	smul.u32 @!p0 $0xF7A, s2;
	p2 =	seq.s32 @!p0 s5, $0x0  }
0x1f: {  	s9 =	smul.u32 $0xF7A, s1;
	s8 =	simm.s32 @!p0 $0x1BF5;
	p2 =	por !p2, p0  }
0x20: {  	[sflag:s8] =	ssyncset.s32 @!p0 $0xFFFFF086;
	s6 =	sadd.s32 @!p0 s3, s7;
	s7 =	simm.s32 @!p0 $0x108  }
0x21: {  	s3 =	sadd.s32 s3, s9;
	s6 =	sadd.s32 @!p0 $0x88, s6;
	s7 =	simm.s32 @p2 $0x1082  }
0x22: {  	[simem:s7], [sflag:s8] =	dma.local @!p0 [hbm:s6], $0xF7A  }
0x23: {  	s9 =	sor.u32 $0xD0000000, s2;
	s6 =	simm.s32 $0x108;
	_ =	swait.ge @!p0 [sflag:s8], $0x0  }
0x24: {  	s3 =	sadd.s32 $0x88, s3;
	s6 =	simm.s32 @!p1 $0x1082;
	[sflag:s4] =	ssyncset.s32 $0xFFFFF086  }
0x25: {  	[simem:s6], [sflag:s4] =	dma.local [hbm:s3], $0xF7A  }
0x26: {  	[smem:$0x3F9A] =	sst s1;
	(tag) =	ssettag s2;
	_ =	strace s9  }
0x27: {  	s1 =	sld [smem:$0x3FAA]  }
0x28: {  	s2 =	sld [smem:$0x3FAB]  }
0x29: {  	s4 =	sld [smem:$0x3FAD]  }
0x2a: {  	p0 =	seq.s32 s5, $0x0;
	s5 =	sld [smem:$0x3FAE]  }
0x2b: {  	s6 =	sld [smem:$0x3FAF]  }
0x2c: {  	s7 =	sld [smem:$0x3FB0]  }
0x2d: {  	s3 =	simm.s32 $0x108;
	s8 =	sld [smem:$0x3FB1]  }
0x2e: {  	s3 =	simm.s32 @!p0 $0x1082;
	s9 =	sld [smem:$0x3FB2]  }
0x2f: {  	lr =	sadd.s32 s0, s3;
	s0 =	sld [smem:$0x3FA9]  }
0x30: {  	s3 =	sld [smem:$0x3FAC]  }
0x31: {  	[smem:$0x3FB5] =	sst s10  }
0x32: {  	s10 =	sld [smem:$0x3FB3];
	_ =	sdelay $0x3  }
0x33: {  	p0 =	seq.s32 s10, $0x1;
	s10 =	sld [smem:$0x3FB5];
	_ =	sdelay $0x3  }
0x34: {  	[smem:$0x3FB5] =	sst s10  }
0x35: {  	s10 =	sld [smem:$0x3FB4];
	_ =	sdelay $0x3  }
0x36: {  	p1 =	seq.s32 s10, $0x1;
	s10 =	sld [smem:$0x3FB5];
	_ =	sdelay $0x3  }
0x37: {  	[smem:$0x3FB5] =	sst s10  }
0x38: {  	s10 =	sld [smem:$0x3FB6]  }
0x39: {  	_ = 	snop;
	(pc) =	sbr.ind lr, $3  }
0x3a: {  	_ = 	snop  }
0x3b: {  	_ = 	snop  }
0x3c: {  	p2 =	seq.s32 s10, $0x1;
	s10 =	sld [smem:$0x3FB5]  }
0x3d: {  	_ =	shalt  }
0x3e: {  	_ =	shalt  }
0x3f: {  	_ =	shalt  }
0x40: {  	_ =	shalt  }
0x41: {  	_ =	shalt  }
0x42: {  	_ =	shalt  }
0x43: {  	_ =	shalt  }
0x44: {  	_ =	shalt  }
0x45: {  	_ =	shalt  }
0x46: {  	_ =	shalt  }
0x47: {  	_ =	shalt  }
0x48: {  	_ =	shalt  }
0x49: {  	_ =	shalt  }
0x4a: {  	_ =	shalt  }
0x4b: {  	_ =	shalt  }
0x4c: {  	_ =	shalt  }
0x4d: {  	_ =	shalt  }
0x4e: {  	_ =	shalt  }
0x4f: {  	_ =	shalt  }
0x50: {  	_ =	shalt  }
0x51: {  	_ =	shalt  }
0x52: {  	_ =	shalt  }
0x53: {  	_ =	shalt  }
0x54: {  	_ =	shalt  }
0x55: {  	_ =	shalt  }
0x56: {  	_ =	shalt  }
0x57: {  	_ =	shalt  }
0x58: {  	_ =	shalt  }
0x59: {  	_ =	shalt  }
0x5a: {  	_ =	shalt  }
0x5b: {  	_ =	shalt  }
0x5c: {  	_ =	shalt  }
0x5d: {  	_ =	shalt  }
0x5e: {  	_ =	shalt  }
0x5f: {  	_ =	shalt  }
0x60: {  	_ =	shalt  }
0x61: {  	_ =	shalt  }
0x62: {  	_ =	shalt  }
0x63: {  	_ =	shalt  }
0x64: {  	_ =	shalt  }
0x65: {  	_ =	shalt  }
0x66: {  	_ =	shalt  }
0x67: {  	_ =	shalt  }
0x68: {  	_ =	shalt  }
0x69: {  	_ =	shalt  }
0x6a: {  	_ =	shalt  }
0x6b: {  	_ =	shalt  }
0x6c: {  	_ =	shalt  }
0x6d: {  	_ =	shalt  }
0x6e: {  	_ =	shalt  }
0x6f: {  	_ =	shalt  }
0x70: {  	_ =	shalt  }
0x71: {  	_ =	shalt  }
0x72: {  	_ =	shalt  }
0x73: {  	_ =	shalt  }
0x74: {  	_ =	shalt  }
0x75: {  	_ =	shalt  }
0x76: {  	_ =	shalt  }
0x77: {  	_ =	shalt  }
0x78: {  	_ =	shalt  }
0x79: {  	_ =	shalt  }
0x7a: {  	_ =	shalt  }
0x7b: {  	_ =	shalt  }
0x7c: {  	_ =	shalt  }
0x7d: {  	_ =	shalt  }
0x7e: {  	_ =	shalt  }
0x7f: {  	_ =	shalt  }
0x80: {  	_ =	shalt  }
0x81: {  	_ =	shalt  }
0x82: {  	_ =	shalt  }
0x83: {  	_ =	shalt  }
0x84: {  	_ =	shalt  }
0x85: {  	_ =	shalt  }
0x86: {  	_ =	shalt  }
0x87: {  	_ =	shalt  }
.Lfunc_end0:
.L_simem_size_0:
called_computation.1_lowered:
.L_overlay_start_0:
0x88: {  	s2 =	sld [smem:$0x3FD9]  }
0x89: {  	s3 =	sld [smem:$0x3FFE];
	_ =	sdelay $0x1  }
0x8a: {  	s1 =	srdreg.scid  }
0x8b: {  	s0 =	sand.u32 $0x1, s1  }
0x8c: {  	s14 =	sshll.u32 s0, $0xA;
	s2 =	sadd.s32 s3, s2  }
0x8d: {  	s2 =	sadd.s32 s2, s14  }
0x8e: {  	[smem:$0x3FC1] =	sst s2  }
0x8f: {  	_ = 	snop  }
0x90: {  	s2 =	sld [smem:$0x3FD0];
	_ =	sdelay $0x2  }
0x91: {  	s15 =	simm.s32 $0xA;
	s4 =	simm.s32 $0x10  }
0x92: {  	[smem:s4], [sflag:s15] =	dma.local [hbm:s2], $0x1  }
0x93: {  	_ =	swait.eq [sflag:s15], $0x1  }
0x94: {  	[sflag:s15] =	ssyncset.done $0x0  }
0x95: {  	[sflag:s15] =	ssyncadd.s32 $0xFFFFFFFF  }
0x96: {  	s16 =	sld [smem:$0x10];
	(tm) =	ssettm $0x1  }
0x97: {  	s17 =	sld [smem:$0x3FFB];
	_ =	sdelay $0x3  }
0x98: {  	_ =	strace s17  }
0x99: {  	s3 =	sld [smem:$0x3FFC];
	_ =	sdelay $0x3  }
0x9a: {  	_ =	strace s3  }
0x9b: {  	s3 =	sld [smem:$0x3FFD];
	_ =	sdelay $0x3  }
0x9c: {  	_ =	strace s3  }
0x9d: {  	_ =	strace $0x8FFFFFFF  }
0x9e: {  	s18 =	sld [smem:$0x3FDB];
	_ =	sdelay $0x1  }
0x9f: {  	s19 =	simm.s32 $_scs_section_size  }
0xa0: {  	s5 =	simm.s32 $_size__tile_overlayer_lowered;
	s6 =	simm.s32 $_tile_overlayer_lowered  }
0xa1: {  	s22 =	simm.s32 $0x1BFF;
	s21 =	sshll.u32 s6, $0x1;
	s3 =	sadd.s32 s19, s18  }
0xa2: {  	s7 =	simm.s32 $0x0;
	s20 =	sshll.u32 s5, $0x1;
	s5 =	sadd.s32 s21, s3  }
0xa3: {  	[timem:s7], [sflag:s22] =	dma.local [hbm:s5], s20  }
0xa4: {  	_ =	swait.ge [sflag:s22], s20  }
0xa5: {  	s4 =	ssub.s32 $0x0, s20;
	[sflag:s22] =	ssyncset.done $0x0  }
0xa6: {  	[sflag:s22] =	ssyncadd.s32 s4;
	_ =	sdelay $0x1  }
0xa7: {  	s23 =	simm.s32 $0x1B8B  }
0xa8: {  	_ =	swait.ge [sflag:s23], $0x1  }
0xa9: {  	[sflag:s23] =	ssyncset.done $0x0  }
0xaa: {  	s25 =	simm.s32 $0x1B8E;
	s24 =	sld [smem:$0x3FFE];
	[sflag:s23] =	ssyncadd.s32 $0xFFFFFFFF  }
0xab: {  	s26 =	simm.s32 $execute0_lowered;
	[smem:$0x3FD2] =	sst s25  }
0xac: {  	s5 =	sshll.u32 s26, $0x1;
	_ =	strace $0x80000049;
	[dreg:$0x1] =	wrdreg $0xFFFFFFFF  }
0xad: {  	s28 =	simm.s32 $_size_execute0_lowered;
	s3 =	sadd.s32 s3, s5;
	[dreg:$0x0] =	wrdreg $0x0  }
0xae: {  	s5 =	sshll.u32 s28, $0x1;
	[dreg:$0x2] =	wrdreg s3  }
0xaf: {  	[dreg:$0x3] =	wrdreg s5  }
0xb0: {  	[dreg:$0x4] =	wrdreg $0xC0  }
0xb1: {  	_ =	task [dreg:s7], $0x5FFFF  }
0xb2: {  	[dreg:$0x1] =	wrdreg $0xFFFFFFFF  }
0xb3: {  	[dreg:$0x0] =	wrdreg $0x60  }
0xb4: {  	[dreg:$0x2] =	wrdreg s24  }
0xb5: {  	[dreg:$0x3] =	wrdreg s16  }
0xb6: {  	[dreg:$0x4] =	wrdreg $0x70000  }
0xb7: {  	[dreg:$0x5] =	wrdreg $0x9  }
0xb8: {  	_ =	task.clear_ibuf [dreg:s7], $0x6FFFF;
	_ =	strace $0x90000049  }
0xb9: {  	s29 =	simm.s32 $0x9;
	_ =	strace $0x8000004B  }
0xba: {  	_ =	swait.ge [sflag:s29], $0x1  }
0xbb: {  	[sflag:s29] =	ssyncadd.s32 $0xFFFFFFFF  }
0xbc: {  	_ =	strace $0x9000004B  }
0xbd: {  	_ =	sfence  }
0xbe: {  	s30 =	sld [smem:$0x0];
	_ =	sdelay $0x2  }
0xbf: {  	s31 =	sshll.u32 s1, $0xD;
	s1 =	sshrl.u32 s1, $0x2  }
0xc0: {  	s3 =	sand.u32 $0x4000, s31;
	s1 =	sadd.s32 s1, s30  }
0xc1: {  	s0 =	sor.u32 s3, s0;
	s1 =	sshll.u32 s1, $0x11  }
0xc2: {  	s0 =	sor.u32 s1, s0  }
0xc3: {  	s0 =	sadd.s32 $0x8F2B, s0  }
0xc4: {  	[sflag:s0] =	ssyncadd.remote.s32 $0x1  }
0xc5: {  	_ =	sfence.sel $0xFFFF  }
0xc6: {  	[dreg:$0x0] =	wrdreg $0xFFFFFFFF;
	(pc) =	sbr.abs _section_cstart, $3  }
0xc7: {  	[dreg:$0x1] =	wrdreg $0xFFFFFFFF  }
0xc8: {  	_ =	task.clear_ibuf [dreg:s7], $0x2FFFF;
	_ =	strace $0x9FFFFFFF  }
0xc9: {  	(tm) =	ssettm $0x7FFFFFFF  }
tec
execute0_lowered:
.L_overlay_start_1:
0x0: {  	(tag) =	ssettag $0x1  }
0x1: {  	s0 =	rddreg [dreg:$0x0]  }
0x2: {  	s2 =	rddreg [dreg:$0x1]  }
0x3: {  	s1 =	rddreg [dreg:$0x2];
	s3 =	simm.s32 $0x0  }
0x4: {  	s4 =	srdreg.scid;
	s8 =	stileid.u32;
	s13 =	simm.s32 $0x6000  }
0x5: {  	s14 =	simm.s32 $0x9;
	s16 =	simm.s32 $0x80;
	s17 =	simm.s32 $0x2000  }
0x6: {  	s18 =	simm.s32 $0x3000;
	s20 =	simm.s32 $0x4000;
	s22 =	simm.s32 $0x5000  }
0x7: {  	s23 =	simm.s32 $0x1;
	s28 =	simm.s32 $0x5;
	s29 =	simm.s32 $0x6  }
0x8: {  	s30 =	simm.s32 $0x7;
	s31 =	simm.s32 $0x8;
	s15 =	simm.s32 $0x1F00  }
0x9: {  	s19 =	simm.s32 $0x1F80;
	[smem:$0x7FF] =	sst s3;
	s7 =	sand.u32 $0x1, s4  }
0xa: {  	s4 =	sadd.s32 $0x9800, s0;
	s6 =	sshll.u32 s8, $0x9;
	s9 =	sshll.u32 s8, $0xE  }
0xb: {  	_ =	strace $0x8000004A;
	s5 =	sshll.u32 s7, $0xD;
	s24 =	ssub.s32 $0x2, s7  }
0xc: {  	s10 =	sshll.u32 s7, $0x12;
	s5 =	sor.u32 s6, s5;
	s25 =	sshrl.u32 s24, $0x1  }
0xd: {  	s11 =	sor.u32 s9, s10;
	s0 =	sadd.s32 s5, s0;
	s5 =	sadd.s32 s9, s1  }
0xe: {  	s12 =	ssub.s32 s24, s25;
	s26 =	sshrl.u32 s11, $0x3;
	s24 =	simm.s32 $0x2  }
0xf: {  	s25 =	simm.s32 $0x3;
	s6 =	sadd.s32 $0x1000, s5;
	s7 =	sadd.s32 $0x2000, s5  }
0x10: {  	s8 =	sadd.s32 $0x3000, s5;
	s9 =	sadd.s32 $0x1800, s0;
	s10 =	sadd.s32 $0x5800, s0  }
0x11: {  	v0 =	vimm.f32 $0.0e+00;
	s11 =	sadd.s32 s2, s26;
	s12 =	smax.u32 s12, $0x1;
	s26 =	simm.s32 $0x4  }
.LBB2_1:
0x12: {  	s0 =	simm.s32 $0x80;
	s21 =	simm.s32 $0x0  }
.LBB2_2:
0x13: {  	p0 =	sne.s32 s0, $0x3F80;
	[tilespmem:s21+$0x6000] =	vst v0;
	s2 =	smov.u32 s0;
	s0 =	sadd.s32 $0x80, s0  }
.Ltmp0:
0x14: {  	[tilespmem:s21+$0x6010] =	vst v0;
	(pc) =	sbr.rel @p0 .LBB2_2-.Ltmp0, $2  }
0x15: {  	_ =	sdelay $0x2  }
0x16: {  	s21 =	sshra.s32 s2, $0x2  }
0x17: {  	[tilespmem:s21+$0x6000] =	vst v0  }
0x18: {  	[tilespmem:s21+$0x6010] =	vst v0  }
0x19: {  	[spmem:s5] =	stream.linear.scatter [tilespmem:s13], [sflag:$0x9], $0x1000, $0x38;
	[tilespmem:$0xB000] =	vst v63  }
0x1a: {  	_ =	swait.ge [sflag:s14], $0x1000  }
0x1b: {  	[sflag:s14] =	ssyncset.done $0x0  }
0x1c: {  	[sflag:s14] =	ssyncadd.s32 $0xFFFFF000  }
0x1d: {  	[spmem:s6] =	stream.linear.scatter [tilespmem:s13], [sflag:$0x9], $0x1000, $0x38;
	[tilespmem:$0xB000] =	vst v63  }
0x1e: {  	_ =	swait.ge [sflag:s14], $0x1000  }
0x1f: {  	[sflag:s14] =	ssyncset.done $0x0  }
0x20: {  	[sflag:s14] =	ssyncadd.s32 $0xFFFFF000  }
0x21: {  	[spmem:s7] =	stream.linear.scatter [tilespmem:s13], [sflag:$0x9], $0x1000, $0x38;
	[tilespmem:$0xB000] =	vst v63  }
0x22: {  	_ =	swait.ge [sflag:s14], $0x1000  }
0x23: {  	[sflag:s14] =	ssyncset.done $0x0  }
0x24: {  	[sflag:s14] =	ssyncadd.s32 $0xFFFFF000  }
0x25: {  	[spmem:s8] =	stream.linear.scatter [tilespmem:s13], [sflag:$0x9], $0x1000, $0x38;
	[tilespmem:$0xB000] =	vst v63  }
0x26: {  	_ =	swait.ge [sflag:s14], $0x1000  }
0x27: {  	[sflag:s14] =	ssyncset.done $0x0  }
0x28: {  	s0 =	simm.s32 $0x0;
	[sflag:s14] =	ssyncadd.s32 $0xFFFFF000  }
0x29: {  	[tilespmem:s0], [sflag:$0x9] =	stream.linear.gather [hbm4b:s9+s0], $0x1000, $0x38;
	[tilespmem:$0xB000] =	vst v63  }
0x2a: {  	_ =	swait.ge [sflag:s14], $0x1000  }
0x2b: {  	[sflag:s14] =	ssyncset.done $0x0  }
0x2c: {  	s2 =	simm.s32 $0x1000;
	[sflag:s14] =	ssyncadd.s32 $0xFFFFF000  }
0x2d: {  	[tilespmem:s2], [sflag:$0x9] =	stream.linear.gather [hbm4b:s10+s0], $0x1000, $0x38;
	[tilespmem:$0xB000] =	vst v63  }
0x2e: {  	_ =	swait.ge [sflag:s14], $0x1000  }
0x2f: {  	[sflag:s14] =	ssyncset.done $0x0  }
0x30: {  	[sflag:s14] =	ssyncadd.s32 $0xFFFFF000  }
0x31: {  	[bflag:$0x0] =	sbarrier.arrive $0xFFFF  }
0x32: {  	[tilespmem:s17], [sflag:$0x1] =	stream.indirect.gather [hbm4b:s4+s16], $0x20, s0, s16, $0xb8;
	[tilespmem:$0xB000] =	vst v63  }
0x33: {  	_ = 	snop  }
0x34: {  	[tilespmem:s18], [sflag:$0x2] =	stream.indirect.gather [hbm4b:s4+s16], $0x20, s16, s16, $0xb8;
	[tilespmem:$0xB000] =	vst v63  }
0x35: {  	s21 =	simm.s32 $0x100  }
0x36: {  	[tilespmem:s20], [sflag:$0x3] =	stream.indirect.gather [hbm4b:s4+s16], $0x20, s21, s16, $0xb8;
	[tilespmem:$0xB000] =	vst v63  }
0x37: {  	s2 =	simm.s32 $0x180  }
0x38: {  	[tilespmem:s22], [sflag:$0x4] =	stream.indirect.gather [hbm4b:s4+s16], $0x20, s2, s16, $0xb8;
	[tilespmem:$0xB000] =	vst v63  }
0x39: {  	_ =	swait.ge [sflag:s23], $0x1000  }
0x3a: {  	[sflag:s23] =	ssyncset.done $0x0  }
0x3b: {  	s21 =	simm.s32 $0x1000;
	[sflag:s23] =	ssyncadd.s32 $0xFFFFF000  }
0x3c: {  	[spmem:s1] =	stream.indirect.scatter.add.f32 [tilespmem:s17], [sflag:$0x5], $0x20, s21, s16, $0xb8;
	[tilespmem:$0xB000] =	vst v63  }
0x3d: {  	_ =	swait.ge [sflag:s24], $0x1000  }
0x3e: {  	[sflag:s24] =	ssyncset.done $0x0  }
0x3f: {  	s2 =	simm.s32 $0x1080;
	[sflag:s24] =	ssyncadd.s32 $0xFFFFF000  }
0x40: {  	[spmem:s1] =	stream.indirect.scatter.add.f32 [tilespmem:s18], [sflag:$0x6], $0x20, s2, s16, $0xb8;
	[tilespmem:$0xB000] =	vst v63  }
0x41: {  	_ =	swait.ge [sflag:s25], $0x1000  }
0x42: {  	[sflag:s25] =	ssyncset.done $0x0  }
0x43: {  	s21 =	simm.s32 $0x1100;
	[sflag:s25] =	ssyncadd.s32 $0xFFFFF000  }
0x44: {  	[spmem:s1] =	stream.indirect.scatter.add.f32 [tilespmem:s20], [sflag:$0x7], $0x20, s21, s16, $0xb8;
	[tilespmem:$0xB000] =	vst v63  }
0x45: {  	_ =	swait.ge [sflag:s26], $0x1000  }
0x46: {  	[sflag:s26] =	ssyncset.done $0x0  }
0x47: {  	s2 =	simm.s32 $0x1180;
	[sflag:s26] =	ssyncadd.s32 $0xFFFFF000  }
0x48: {  	[spmem:s1] =	stream.indirect.scatter.add.f32 [tilespmem:s22], [sflag:$0x8], $0x20, s2, s16, $0xb8;
	[tilespmem:$0xB000] =	vst v63  }
0x49: {  	_ =	swait.ge [sflag:s28], $0x1000  }
0x4a: {  	[sflag:s28] =	ssyncset.done $0x0  }
0x4b: {  	s21 =	simm.s32 $0x200;
	[sflag:s28] =	ssyncadd.s32 $0xFFFFF000  }
0x4c: {  	[tilespmem:s17], [sflag:$0x1] =	stream.indirect.gather [hbm4b:s4+s16], $0x20, s21, s16, $0xb8;
	[tilespmem:$0xB000] =	vst v63  }
0x4d: {  	_ =	swait.ge [sflag:s29], $0x1000  }
0x4e: {  	[sflag:s29] =	ssyncset.done $0x0  }
0x4f: {  	s2 =	simm.s32 $0x280;
	[sflag:s29] =	ssyncadd.s32 $0xFFFFF000  }
0x50: {  	[tilespmem:s18], [sflag:$0x2] =	stream.indirect.gather [hbm4b:s4+s16], $0x20, s2, s16, $0xb8;
	[tilespmem:$0xB000] =	vst v63  }
0x51: {  	_ =	swait.ge [sflag:s30], $0x1000  }
0x52: {  	[sflag:s30] =	ssyncset.done $0x0  }
0x53: {  	s21 =	simm.s32 $0x300;
	[sflag:s30] =	ssyncadd.s32 $0xFFFFF000  }
0x54: {  	[tilespmem:s20], [sflag:$0x3] =	stream.indirect.gather [hbm4b:s4+s16], $0x20, s21, s16, $0xb8;
	[tilespmem:$0xB000] =	vst v63  }
0x55: {  	_ =	swait.ge [sflag:s31], $0x1000  }
0x56: {  	[sflag:s31] =	ssyncset.done $0x0  }
0x57: {  	s0 =	simm.s32 $0x380;
	s21 =	simm.s32 $0x800;
	[sflag:s31] =	ssyncadd.s32 $0xFFFFF000  }
.LBB2_4:
0x58: {  	[tilespmem:s22], [sflag:$0x4] =	stream.indirect.gather [hbm4b:s4+s16], $0x20, s0, s16, $0xb8;
	[tilespmem:$0xB000] =	vst v63  }
0x59: {  	s0 =	smov.u32 s21  }
0x5a: {  	p0 =	sne.s32 s21, $0x3000;
	s21 =	sadd.s32 $0x800, s21;
	_ =	swait.ge [sflag:s23], $0x1000  }
0x5b: {  	s0 =	sshra.s32 s0, $0x2;
	[sflag:s23] =	ssyncset.done $0x0  }
0x5c: {  	s2 =	sadd.s32 $0x1000, s0;
	[sflag:s23] =	ssyncadd.s32 $0xFFFFF000  }
0x5d: {  	[spmem:s1] =	stream.indirect.scatter.add.f32 [tilespmem:s17], [sflag:$0x5], $0x20, s2, s16, $0xb8;
	[tilespmem:$0xB000] =	vst v63  }
0x5e: {  	_ =	swait.ge [sflag:s24], $0x1000  }
0x5f: {  	[sflag:s24] =	ssyncset.done $0x0  }
0x60: {  	s2 =	sadd.s32 $0x1080, s0;
	[sflag:s24] =	ssyncadd.s32 $0xFFFFF000  }
0x61: {  	[spmem:s1] =	stream.indirect.scatter.add.f32 [tilespmem:s18], [sflag:$0x6], $0x20, s2, s16, $0xb8;
	[tilespmem:$0xB000] =	vst v63  }
0x62: {  	_ =	swait.ge [sflag:s25], $0x1000  }
0x63: {  	[sflag:s25] =	ssyncset.done $0x0  }
0x64: {  	s2 =	sadd.s32 $0x1100, s0;
	[sflag:s25] =	ssyncadd.s32 $0xFFFFF000  }
0x65: {  	[spmem:s1] =	stream.indirect.scatter.add.f32 [tilespmem:s20], [sflag:$0x7], $0x20, s2, s16, $0xb8;
	[tilespmem:$0xB000] =	vst v63  }
0x66: {  	_ =	swait.ge [sflag:s26], $0x1000  }
0x67: {  	[sflag:s26] =	ssyncset.done $0x0  }
0x68: {  	s2 =	sadd.s32 $0x1180, s0;
	[sflag:s26] =	ssyncadd.s32 $0xFFFFF000  }
0x69: {  	[spmem:s1] =	stream.indirect.scatter.add.f32 [tilespmem:s22], [sflag:$0x8], $0x20, s2, s16, $0xb8;
	[tilespmem:$0xB000] =	vst v63  }
0x6a: {  	_ =	swait.ge [sflag:s28], $0x1000  }
0x6b: {  	[sflag:s28] =	ssyncset.done $0x0  }
0x6c: {  	s2 =	sadd.s32 $0x200, s0;
	[sflag:s28] =	ssyncadd.s32 $0xFFFFF000  }
0x6d: {  	[tilespmem:s17], [sflag:$0x1] =	stream.indirect.gather [hbm4b:s4+s16], $0x20, s2, s16, $0xb8;
	[tilespmem:$0xB000] =	vst v63  }
0x6e: {  	_ =	swait.ge [sflag:s29], $0x1000  }
0x6f: {  	[sflag:s29] =	ssyncset.done $0x0  }
0x70: {  	s2 =	sadd.s32 $0x280, s0;
	[sflag:s29] =	ssyncadd.s32 $0xFFFFF000  }
0x71: {  	[tilespmem:s18], [sflag:$0x2] =	stream.indirect.gather [hbm4b:s4+s16], $0x20, s2, s16, $0xb8;
	[tilespmem:$0xB000] =	vst v63  }
0x72: {  	_ =	swait.ge [sflag:s30], $0x1000  }
0x73: {  	[sflag:s30] =	ssyncset.done $0x0  }
.Ltmp1:
0x74: {  	s2 =	sadd.s32 $0x300, s0;
	[sflag:s30] =	ssyncadd.s32 $0xFFFFF000;
	(pc) =	sbr.rel @p0 .LBB2_4-.Ltmp1, $4  }
0x75: {  	[tilespmem:s20], [sflag:$0x3] =	stream.indirect.gather [hbm4b:s4+s16], $0x20, s2, s16, $0xb8;
	[tilespmem:$0xB000] =	vst v63  }
0x76: {  	_ =	swait.ge [sflag:s31], $0x1000  }
0x77: {  	[sflag:s31] =	ssyncset.done $0x0  }
0x78: {  	s0 =	sadd.s32 $0x380, s0;
	[sflag:s31] =	ssyncadd.s32 $0xFFFFF000  }
0x79: {  	[tilespmem:s22], [sflag:$0x4] =	stream.indirect.gather [hbm4b:s4+s16], $0x20, s0, s16, $0xb8;
	[tilespmem:$0xB000] =	vst v63  }
0x7a: {  	_ =	swait.ge [sflag:s23], $0x1000  }
0x7b: {  	[sflag:s23] =	ssyncset.done $0x0  }
0x7c: {  	s21 =	simm.s32 $0x1E00;
	[sflag:s23] =	ssyncadd.s32 $0xFFFFF000  }
0x7d: {  	[spmem:s1] =	stream.indirect.scatter.add.f32 [tilespmem:s17], [sflag:$0x5], $0x20, s21, s16, $0xb8;
	[tilespmem:$0xB000] =	vst v63  }
0x7e: {  	_ =	swait.ge [sflag:s24], $0x1000  }
0x7f: {  	[sflag:s24] =	ssyncset.done $0x0  }
0x80: {  	s2 =	simm.s32 $0x1E80;
	[sflag:s24] =	ssyncadd.s32 $0xFFFFF000  }
0x81: {  	[spmem:s1] =	stream.indirect.scatter.add.f32 [tilespmem:s18], [sflag:$0x6], $0x20, s2, s16, $0xb8;
	[tilespmem:$0xB000] =	vst v63  }
0x82: {  	_ =	swait.ge [sflag:s25], $0x1000  }
0x83: {  	[sflag:s25] =	ssyncset.done $0x0  }
0x84: {  	[sflag:s25] =	ssyncadd.s32 $0xFFFFF000  }
0x85: {  	[spmem:s1] =	stream.indirect.scatter.add.f32 [tilespmem:s20], [sflag:$0x7], $0x20, s15, s16, $0xb8;
	[tilespmem:$0xB000] =	vst v63  }
0x86: {  	_ =	swait.ge [sflag:s26], $0x1000  }
0x87: {  	[sflag:s26] =	ssyncset.done $0x0  }
0x88: {  	[sflag:s26] =	ssyncadd.s32 $0xFFFFF000  }
0x89: {  	[spmem:s1] =	stream.indirect.scatter.add.f32 [tilespmem:s22], [sflag:$0x8], $0x20, s19, s16, $0xb8;
	[tilespmem:$0xB000] =	vst v63  }
0x8a: {  	_ =	swait.ge [sflag:s28], $0x1000  }
0x8b: {  	[sflag:s28] =	ssyncset.done $0x0  }
0x8c: {  	[sflag:s28] =	ssyncadd.s32 $0xFFFFF000  }
0x8d: {  	_ =	swait.ge [sflag:s29], $0x1000  }
0x8e: {  	[sflag:s29] =	ssyncset.done $0x0  }
0x8f: {  	[sflag:s29] =	ssyncadd.s32 $0xFFFFF000  }
0x90: {  	_ =	swait.ge [sflag:s30], $0x1000  }
0x91: {  	[sflag:s30] =	ssyncset.done $0x0  }
0x92: {  	[sflag:s30] =	ssyncadd.s32 $0xFFFFF000  }
0x93: {  	s21 =	stileid.u32;
	_ =	swait.ge [sflag:s31], $0x1000  }
0x94: {  	s3 =	sadd.s32 $0x1, s3;
	s0 =	sshll.u32 s21, $0x6;
	[sflag:s31] =	ssyncset.done $0x0  }
0x95: {  	p0 =	sne.s32 s3, s12;
	s0 =	sor.u32 $0x1C09, s0;
	[sflag:s31] =	ssyncadd.s32 $0xFFFFF000  }
.Ltmp2:
0x96: {  	s2 =	sshrl.u32 s5, $0x3;
	[bflag:$0x0] =	sbarrier.arrive $0xFFFF;
	(pc) =	sbr.rel @p0 .LBB2_1-.Ltmp2, $4  }
0x97: {  	[hbm:s11], [sflag:s0] =	dma.local [spmem:s2], $0x800  }
0x98: {  	_ =	swait.ge [sflag:s14], $0x800  }
0x99: {  	[sflag:s14] =	ssyncset.done $0x0  }
0x9a: {  	[sflag:s14] =	ssyncadd.s32 $0xFFFFF800  }
0x9b: {  	_ =	sfence.sel $0x180000  }
0x9c: {  	[bflag:$0x0] =	sbarrier.arrive $0xFFFF  }
0x9d: {  	_ =	strace $0x9000004A  }
0x9e: {  	s0 =	stileid.u32;
	[bflag:$0x2] =	sbarrier.arrive $0xFFFF  }
0x9f: {  	p0 =	sne.s32 s0, $0x0;
	s0 =	rddreg [dreg:$0x3]  }
0xa0: {  	s0 =	sadd.s32 @!p0 $0x100000, s0  }
0xa1: {  	[sflag:s0] =	ssyncadd.tile.s32 @!p0 $0x1;
	_ =	shalt  }
.Lfunc_end2:
_tile_overlayer_lowered:
.L_overlay_start_2:
0xa2: {  	(tag) =	ssettag $0x2  }
0xa3: {  	s0 =	rddreg [dreg:$0x0];
	s2 =	stileid.u32  }
0xa4: {  	s1 =	rddreg [dreg:$0x1];
	p0 =	sne.s32 s2, $0x0  }
0xa5: {  	s3 =	rddreg [dreg:$0x2];
	[bflag:$0x3] =	sbarrier.arrive $0xFFFF;
	s2 =	simm.s32 @!p0 $0x1C09  }
0xa6: {  	[timem:s3], [sflag:s2] =	dma.local @!p0 [hbm:s0], s1  }
0xa7: {  	s0 =	simm.s32 @!p0 $0x9  }
0xa8: {  	_ =	swait.ge @!p0 [sflag:s0], s1  }
0xa9: {  	s1 =	ssub.s32 @!p0 $0x0, s1;
	[sflag:s0] =	ssyncset.done @!p0 $0x0  }
0xaa: {  	[sflag:s0] =	ssyncadd.s32 @!p0 s1  }
0xab: {  	[bflag:$0x3] =	sbarrier.arrive $0xFFFF  }
0xac: {  	_ =	shalt  }

// kernel: kernel.18.cloned.1.call-start
scs
__scs_entry_jumppad:
0x0: {  	(pc) =	sbr.rel $0x88, $3  }
0x1: {  	(tag) =	ssettag $0x0;
	lr =	simm.s32 $0x1  }
0x2: {  	[smem:$0x3F9A] =	sst lr;
	_ =	strace $0xD0000000  }
0x3: {  	_ = 	snop  }
0x4: {  	_ = 	snop  }
0x5: {  	_ = 	snop  }
0x6: {  	_ = 	snop  }
0x7: {  	_ = 	snop  }
__scs_overlays_trampoline_lowered:
0x8: {  	[smem:$0x3FA9] =	sst s0  }
0x9: {  	[smem:$0x3FAA] =	sst s1  }
0xa: {  	[smem:$0x3FAB] =	sst s2  }
0xb: {  	[smem:$0x3FAC] =	sst s3  }
0xc: {  	[smem:$0x3FAD] =	sst s4  }
0xd: {  	[smem:$0x3FAE] =	sst s5  }
0xe: {  	[smem:$0x3FAF] =	sst s6  }
0xf: {  	[smem:$0x3FB0] =	sst s7  }
0x10: {  	[smem:$0x3FB1] =	sst s8  }
0x11: {  	[smem:$0x3FB2] =	sst s9;
	s0 =	simm.s32 @!p0 $0x0  }
0x12: {  	s1 =	sld [smem:$0x3F98];
	s0 =	simm.s32 @p0 $0x1  }
0x13: {  	[smem:$0x3FB3] =	sst s0;
	s0 =	simm.s32 @!p1 $0x0  }
0x14: {  	s2 =	sld [smem:$0x3F97];
	s0 =	simm.s32 @p1 $0x1  }
0x15: {  	[smem:$0x3FB4] =	sst s0;
	s0 =	simm.s32 @!p2 $0x0  }
0x16: {  	s3 =	sld [smem:$0x3FDB];
	s0 =	simm.s32 @p2 $0x1  }
0x17: {  	s4 =	simm.s32 $0x1BF5;
	[smem:$0x3FB6] =	sst s0  }
0x18: {  	s0 =	sld [smem:$0x3F99];
	_ =	swait.ge [sflag:s4], $0x0  }
0x19: {  	s7 =	sld [smem:$0x3F9A]  }
0x1a: {  	s8 =	sadd.s32 $0xFFFFE003, lr  }
0x1b: {  	s9 =	sadd.s32 $0xFFFFFEF7, lr;
	s5 =	simm.s32 $0xFFFFFFFF;
	p2 =	slt.u32 s8, $0xFFFFF086  }
0x1c: {  	p1 =	slt.u32 s9, $0xF7A;
	s5 =	simm.s32 @!p2 $0x0  }
0x1d: {  	s5 =	simm.s32 @p1 $0x1;
	p0 =	seq.s32 s7, s2  }
0x1e: {  	s7 =	smul.u32 @!p0 $0xF7A, s2;
	p2 =	seq.s32 @!p0 s5, $0x0  }
0x1f: {  	s9 =	smul.u32 $0xF7A, s1;
	s8 =	simm.s32 @!p0 $0x1BF5;
	p2 =	por !p2, p0  }
0x20: {  	[sflag:s8] =	ssyncset.s32 @!p0 $0xFFFFF086;
	s6 =	sadd.s32 @!p0 s3, s7;
	s7 =	simm.s32 @!p0 $0x108  }
0x21: {  	s3 =	sadd.s32 s3, s9;
	s6 =	sadd.s32 @!p0 $0x88, s6;
	s7 =	simm.s32 @p2 $0x1082  }
0x22: {  	[simem:s7], [sflag:s8] =	dma.local @!p0 [hbm:s6], $0xF7A  }
0x23: {  	s9 =	sor.u32 $0xD0000000, s2;
	s6 =	simm.s32 $0x108;
	_ =	swait.ge @!p0 [sflag:s8], $0x0  }
0x24: {  	s3 =	sadd.s32 $0x88, s3;
	s6 =	simm.s32 @!p1 $0x1082;
	[sflag:s4] =	ssyncset.s32 $0xFFFFF086  }
0x25: {  	[simem:s6], [sflag:s4] =	dma.local [hbm:s3], $0xF7A  }
0x26: {  	[smem:$0x3F9A] =	sst s1;
	(tag) =	ssettag s2;
	_ =	strace s9  }
0x27: {  	s1 =	sld [smem:$0x3FAA]  }
0x28: {  	s2 =	sld [smem:$0x3FAB]  }
0x29: {  	s4 =	sld [smem:$0x3FAD]  }
0x2a: {  	p0 =	seq.s32 s5, $0x0;
	s5 =	sld [smem:$0x3FAE]  }
0x2b: {  	s6 =	sld [smem:$0x3FAF]  }
0x2c: {  	s7 =	sld [smem:$0x3FB0]  }
0x2d: {  	s3 =	simm.s32 $0x108;
	s8 =	sld [smem:$0x3FB1]  }
0x2e: {  	s3 =	simm.s32 @!p0 $0x1082;
	s9 =	sld [smem:$0x3FB2]  }
0x2f: {  	lr =	sadd.s32 s0, s3;
	s0 =	sld [smem:$0x3FA9]  }
0x30: {  	s3 =	sld [smem:$0x3FAC]  }
0x31: {  	[smem:$0x3FB5] =	sst s10  }
0x32: {  	s10 =	sld [smem:$0x3FB3];
	_ =	sdelay $0x3  }
0x33: {  	p0 =	seq.s32 s10, $0x1;
	s10 =	sld [smem:$0x3FB5];
	_ =	sdelay $0x3  }
0x34: {  	[smem:$0x3FB5] =	sst s10  }
0x35: {  	s10 =	sld [smem:$0x3FB4];
	_ =	sdelay $0x3  }
0x36: {  	p1 =	seq.s32 s10, $0x1;
	s10 =	sld [smem:$0x3FB5];
	_ =	sdelay $0x3  }
0x37: {  	[smem:$0x3FB5] =	sst s10  }
0x38: {  	s10 =	sld [smem:$0x3FB6]  }
0x39: {  	_ = 	snop;
	(pc) =	sbr.ind lr, $3  }
0x3a: {  	_ = 	snop  }
0x3b: {  	_ = 	snop  }
0x3c: {  	p2 =	seq.s32 s10, $0x1;
	s10 =	sld [smem:$0x3FB5]  }
0x3d: {  	_ =	shalt  }
0x3e: {  	_ =	shalt  }
0x3f: {  	_ =	shalt  }
0x40: {  	_ =	shalt  }
0x41: {  	_ =	shalt  }
0x42: {  	_ =	shalt  }
0x43: {  	_ =	shalt  }
0x44: {  	_ =	shalt  }
0x45: {  	_ =	shalt  }
0x46: {  	_ =	shalt  }
0x47: {  	_ =	shalt  }
0x48: {  	_ =	shalt  }
0x49: {  	_ =	shalt  }
0x4a: {  	_ =	shalt  }
0x4b: {  	_ =	shalt  }
0x4c: {  	_ =	shalt  }
0x4d: {  	_ =	shalt  }
0x4e: {  	_ =	shalt  }
0x4f: {  	_ =	shalt  }
0x50: {  	_ =	shalt  }
0x51: {  	_ =	shalt  }
0x52: {  	_ =	shalt  }
0x53: {  	_ =	shalt  }
0x54: {  	_ =	shalt  }
0x55: {  	_ =	shalt  }
0x56: {  	_ =	shalt  }
0x57: {  	_ =	shalt  }
0x58: {  	_ =	shalt  }
0x59: {  	_ =	shalt  }
0x5a: {  	_ =	shalt  }
0x5b: {  	_ =	shalt  }
0x5c: {  	_ =	shalt  }
0x5d: {  	_ =	shalt  }
0x5e: {  	_ =	shalt  }
0x5f: {  	_ =	shalt  }
0x60: {  	_ =	shalt  }
0x61: {  	_ =	shalt  }
0x62: {  	_ =	shalt  }
0x63: {  	_ =	shalt  }
0x64: {  	_ =	shalt  }
0x65: {  	_ =	shalt  }
0x66: {  	_ =	shalt  }
0x67: {  	_ =	shalt  }
0x68: {  	_ =	shalt  }
0x69: {  	_ =	shalt  }
0x6a: {  	_ =	shalt  }
0x6b: {  	_ =	shalt  }
0x6c: {  	_ =	shalt  }
0x6d: {  	_ =	shalt  }
0x6e: {  	_ =	shalt  }
0x6f: {  	_ =	shalt  }
0x70: {  	_ =	shalt  }
0x71: {  	_ =	shalt  }
0x72: {  	_ =	shalt  }
0x73: {  	_ =	shalt  }
0x74: {  	_ =	shalt  }
0x75: {  	_ =	shalt  }
0x76: {  	_ =	shalt  }
0x77: {  	_ =	shalt  }
0x78: {  	_ =	shalt  }
0x79: {  	_ =	shalt  }
0x7a: {  	_ =	shalt  }
0x7b: {  	_ =	shalt  }
0x7c: {  	_ =	shalt  }
0x7d: {  	_ =	shalt  }
0x7e: {  	_ =	shalt  }
0x7f: {  	_ =	shalt  }
0x80: {  	_ =	shalt  }
0x81: {  	_ =	shalt  }
0x82: {  	_ =	shalt  }
0x83: {  	_ =	shalt  }
0x84: {  	_ =	shalt  }
0x85: {  	_ =	shalt  }
0x86: {  	_ =	shalt  }
0x87: {  	_ =	shalt  }
.Lfunc_end0:
.L_simem_size_0:
called_computation.2_lowered:
.L_overlay_start_0:
0x88: {  	s2 =	sld [smem:$0x3FD9]  }
0x89: {  	s3 =	sld [smem:$0x3FFE];
	_ =	sdelay $0x1  }
0x8a: {  	s1 =	srdreg.scid  }
0x8b: {  	s0 =	sand.u32 $0x1, s1  }
0x8c: {  	s14 =	sshll.u32 s0, $0xA;
	s2 =	sadd.s32 s3, s2  }
0x8d: {  	s2 =	sadd.s32 s2, s14  }
0x8e: {  	[smem:$0x3FC1] =	sst s2  }
0x8f: {  	_ = 	snop  }
0x90: {  	s2 =	sld [smem:$0x3FD0];
	_ =	sdelay $0x2  }
0x91: {  	s15 =	simm.s32 $0xA;
	s4 =	simm.s32 $0x10  }
0x92: {  	[smem:s4], [sflag:s15] =	dma.local [hbm:s2], $0x1  }
0x93: {  	_ =	swait.eq [sflag:s15], $0x1  }
0x94: {  	[sflag:s15] =	ssyncset.done $0x0  }
0x95: {  	[sflag:s15] =	ssyncadd.s32 $0xFFFFFFFF  }
0x96: {  	s16 =	sld [smem:$0x10];
	(tm) =	ssettm $0x1  }
0x97: {  	s17 =	sld [smem:$0x3FFB];
	_ =	sdelay $0x3  }
0x98: {  	_ =	strace s17  }
0x99: {  	s3 =	sld [smem:$0x3FFC];
	_ =	sdelay $0x3  }
0x9a: {  	_ =	strace s3  }
0x9b: {  	s3 =	sld [smem:$0x3FFD];
	_ =	sdelay $0x3  }
0x9c: {  	_ =	strace s3  }
0x9d: {  	_ =	strace $0x8FFFFFFF  }
0x9e: {  	s18 =	sld [smem:$0x3FDB];
	_ =	sdelay $0x1  }
0x9f: {  	s19 =	simm.s32 $_scs_section_size  }
0xa0: {  	s5 =	simm.s32 $_size__tile_overlayer_lowered;
	s6 =	simm.s32 $_tile_overlayer_lowered  }
0xa1: {  	s22 =	simm.s32 $0x1BFF;
	s21 =	sshll.u32 s6, $0x1;
	s3 =	sadd.s32 s19, s18  }
0xa2: {  	s7 =	simm.s32 $0x0;
	s20 =	sshll.u32 s5, $0x1;
	s5 =	sadd.s32 s21, s3  }
0xa3: {  	[timem:s7], [sflag:s22] =	dma.local [hbm:s5], s20  }
0xa4: {  	_ =	swait.ge [sflag:s22], s20  }
0xa5: {  	s4 =	ssub.s32 $0x0, s20;
	[sflag:s22] =	ssyncset.done $0x0  }
0xa6: {  	[sflag:s22] =	ssyncadd.s32 s4;
	_ =	sdelay $0x1  }
0xa7: {  	s23 =	simm.s32 $0x1B8B  }
0xa8: {  	_ =	swait.ge [sflag:s23], $0x1  }
0xa9: {  	[sflag:s23] =	ssyncset.done $0x0  }
0xaa: {  	s25 =	simm.s32 $0x1B8E;
	s24 =	sld [smem:$0x3FFE];
	[sflag:s23] =	ssyncadd.s32 $0xFFFFFFFF  }
0xab: {  	s26 =	simm.s32 $execute0_lowered;
	[smem:$0x3FD2] =	sst s25  }
0xac: {  	s5 =	sshll.u32 s26, $0x1;
	_ =	strace $0x8000004C;
	[dreg:$0x1] =	wrdreg $0xFFFFFFFF  }
0xad: {  	s28 =	simm.s32 $_size_execute0_lowered;
	s3 =	sadd.s32 s3, s5;
	[dreg:$0x0] =	wrdreg $0x0  }
0xae: {  	s5 =	sshll.u32 s28, $0x1;
	[dreg:$0x2] =	wrdreg s3  }
0xaf: {  	[dreg:$0x3] =	wrdreg s5  }
0xb0: {  	[dreg:$0x4] =	wrdreg $0xC0  }
0xb1: {  	_ =	task [dreg:s7], $0x5FFFF  }
0xb2: {  	[dreg:$0x1] =	wrdreg $0xFFFFFFFF  }
0xb3: {  	[dreg:$0x0] =	wrdreg $0x60  }
0xb4: {  	[dreg:$0x2] =	wrdreg s16  }
0xb5: {  	[dreg:$0x3] =	wrdreg s24  }
0xb6: {  	[dreg:$0x4] =	wrdreg $0x70000  }
0xb7: {  	[dreg:$0x5] =	wrdreg $0x9  }
0xb8: {  	_ =	task.clear_ibuf [dreg:s7], $0x6FFFF;
	_ =	strace $0x9000004C  }
0xb9: {  	s29 =	simm.s32 $0x9;
	_ =	strace $0x8000004E  }
0xba: {  	_ =	swait.ge [sflag:s29], $0x1  }
0xbb: {  	[sflag:s29] =	ssyncadd.s32 $0xFFFFFFFF  }
0xbc: {  	_ =	strace $0x9000004E  }
0xbd: {  	_ =	sfence  }
0xbe: {  	s30 =	sld [smem:$0x0];
	_ =	sdelay $0x2  }
0xbf: {  	s31 =	sshll.u32 s1, $0xD;
	s1 =	sshrl.u32 s1, $0x2  }
0xc0: {  	s3 =	sand.u32 $0x4000, s31;
	s1 =	sadd.s32 s1, s30  }
0xc1: {  	s0 =	sor.u32 s3, s0;
	s1 =	sshll.u32 s1, $0x11  }
0xc2: {  	s0 =	sor.u32 s1, s0  }
0xc3: {  	s0 =	sadd.s32 $0x8F2B, s0  }
0xc4: {  	[sflag:s0] =	ssyncadd.remote.s32 $0x1  }
0xc5: {  	_ =	sfence.sel $0xFFFF  }
0xc6: {  	[dreg:$0x0] =	wrdreg $0xFFFFFFFF;
	(pc) =	sbr.abs _section_cstart, $3  }
0xc7: {  	[dreg:$0x1] =	wrdreg $0xFFFFFFFF  }
0xc8: {  	_ =	task.clear_ibuf [dreg:s7], $0x2FFFF;
	_ =	strace $0x9FFFFFFF  }
0xc9: {  	(tm) =	ssettm $0x7FFFFFFF  }
tec
execute0_lowered:
.L_overlay_start_1:
0x0: {  	(tag) =	ssettag $0x1  }
0x1: {  	s1 =	rddreg [dreg:$0x0]  }
0x2: {  	s0 =	rddreg [dreg:$0x1]  }
0x3: {  	s2 =	rddreg [dreg:$0x2];
	s3 =	srdreg.scid  }
0x4: {  	s4 =	simm.s32 $0x0;
	s7 =	stileid.u32;
	s13 =	simm.s32 $0x6000  }
0x5: {  	s14 =	simm.s32 $0x9;
	s16 =	simm.s32 $0x80;
	s17 =	simm.s32 $0x2000  }
0x6: {  	s18 =	simm.s32 $0x3000;
	s20 =	simm.s32 $0x4000;
	s22 =	simm.s32 $0x5000  }
0x7: {  	s23 =	simm.s32 $0x1;
	s28 =	simm.s32 $0x5;
	s29 =	simm.s32 $0x6  }
0x8: {  	s30 =	simm.s32 $0x7;
	s31 =	simm.s32 $0x8;
	s15 =	simm.s32 $0x1F00  }
0x9: {  	s19 =	simm.s32 $0x1F80;
	s3 =	sand.u32 $0x1, s3;
	[smem:$0x7FF] =	sst s4  }
0xa: {  	s6 =	sshll.u32 s7, $0x9;
	s7 =	sshll.u32 s7, $0xE;
	s5 =	sshll.u32 s3, $0xD  }
0xb: {  	s8 =	sshll.u32 s3, $0x12;
	_ =	strace $0x8000004D;
	s3 =	ssub.s32 $0x2, s3  }
0xc: {  	s5 =	sor.u32 s6, s5;
	s24 =	sor.u32 s7, s8;
	s26 =	sshrl.u32 s3, $0x1  }
0xd: {  	s10 =	sadd.s32 s5, s0;
	s25 =	sshrl.u32 s24, $0x3;
	s5 =	sadd.s32 s7, s2  }
0xe: {  	s3 =	ssub.s32 s3, s26;
	s24 =	simm.s32 $0x2;
	s26 =	simm.s32 $0x4  }
0xf: {  	s0 =	sadd.s32 s25, s0;
	s6 =	sadd.s32 $0x1000, s5;
	s7 =	sadd.s32 $0x2000, s5  }
0x10: {  	s8 =	sadd.s32 $0x3000, s5;
	s9 =	sadd.s32 $0x1800, s10;
	s10 =	sadd.s32 $0x5800, s10  }
0x11: {  	v0 =	vimm.f32 $0.0e+00;
	s12 =	smax.u32 s3, $0x1;
	s25 =	simm.s32 $0x3;
	s11 =	sadd.s32 $0x9800, s0  }
.LBB2_1:
0x12: {  	s0 =	simm.s32 $0x80;
	s21 =	simm.s32 $0x0  }
.LBB2_2:
0x13: {  	p0 =	sne.s32 s0, $0x3F80;
	[tilespmem:s21+$0x6000] =	vst v0;
	s3 =	smov.u32 s0;
	s0 =	sadd.s32 $0x80, s0  }
.Ltmp0:
0x14: {  	[tilespmem:s21+$0x6010] =	vst v0;
	(pc) =	sbr.rel @p0 .LBB2_2-.Ltmp0, $2  }
0x15: {  	_ =	sdelay $0x2  }
0x16: {  	s21 =	sshra.s32 s3, $0x2  }
0x17: {  	[tilespmem:s21+$0x6000] =	vst v0  }
0x18: {  	[tilespmem:s21+$0x6010] =	vst v0  }
0x19: {  	[spmem:s5] =	stream.linear.scatter [tilespmem:s13], [sflag:$0x9], $0x1000, $0x38;
	[tilespmem:$0xB000] =	vst v63  }
0x1a: {  	_ =	swait.ge [sflag:s14], $0x1000  }
0x1b: {  	[sflag:s14] =	ssyncset.done $0x0  }
0x1c: {  	[sflag:s14] =	ssyncadd.s32 $0xFFFFF000  }
0x1d: {  	[spmem:s6] =	stream.linear.scatter [tilespmem:s13], [sflag:$0x9], $0x1000, $0x38;
	[tilespmem:$0xB000] =	vst v63  }
0x1e: {  	_ =	swait.ge [sflag:s14], $0x1000  }
0x1f: {  	[sflag:s14] =	ssyncset.done $0x0  }
0x20: {  	[sflag:s14] =	ssyncadd.s32 $0xFFFFF000  }
0x21: {  	[spmem:s7] =	stream.linear.scatter [tilespmem:s13], [sflag:$0x9], $0x1000, $0x38;
	[tilespmem:$0xB000] =	vst v63  }
0x22: {  	_ =	swait.ge [sflag:s14], $0x1000  }
0x23: {  	[sflag:s14] =	ssyncset.done $0x0  }
0x24: {  	[sflag:s14] =	ssyncadd.s32 $0xFFFFF000  }
0x25: {  	[spmem:s8] =	stream.linear.scatter [tilespmem:s13], [sflag:$0x9], $0x1000, $0x38;
	[tilespmem:$0xB000] =	vst v63  }
0x26: {  	_ =	swait.ge [sflag:s14], $0x1000  }
0x27: {  	[sflag:s14] =	ssyncset.done $0x0  }
0x28: {  	s0 =	simm.s32 $0x0;
	[sflag:s14] =	ssyncadd.s32 $0xFFFFF000  }
0x29: {  	[tilespmem:s0], [sflag:$0x9] =	stream.linear.gather [hbm4b:s9+s0], $0x1000, $0x38;
	[tilespmem:$0xB000] =	vst v63  }
0x2a: {  	_ =	swait.ge [sflag:s14], $0x1000  }
0x2b: {  	[sflag:s14] =	ssyncset.done $0x0  }
0x2c: {  	s3 =	simm.s32 $0x1000;
	[sflag:s14] =	ssyncadd.s32 $0xFFFFF000  }
0x2d: {  	[tilespmem:s3], [sflag:$0x9] =	stream.linear.gather [hbm4b:s10+s0], $0x1000, $0x38;
	[tilespmem:$0xB000] =	vst v63  }
0x2e: {  	_ =	swait.ge [sflag:s14], $0x1000  }
0x2f: {  	[sflag:s14] =	ssyncset.done $0x0  }
0x30: {  	[sflag:s14] =	ssyncadd.s32 $0xFFFFF000  }
0x31: {  	[bflag:$0x0] =	sbarrier.arrive $0xFFFF  }
0x32: {  	[tilespmem:s17], [sflag:$0x1] =	stream.indirect.gather [hbm4b:s1+s16], $0x20, s0, s16, $0xb8;
	[tilespmem:$0xB000] =	vst v63  }
0x33: {  	_ = 	snop  }
0x34: {  	[tilespmem:s18], [sflag:$0x2] =	stream.indirect.gather [hbm4b:s1+s16], $0x20, s16, s16, $0xb8;
	[tilespmem:$0xB000] =	vst v63  }
0x35: {  	s21 =	simm.s32 $0x100  }
0x36: {  	[tilespmem:s20], [sflag:$0x3] =	stream.indirect.gather [hbm4b:s1+s16], $0x20, s21, s16, $0xb8;
	[tilespmem:$0xB000] =	vst v63  }
0x37: {  	s3 =	simm.s32 $0x180  }
0x38: {  	[tilespmem:s22], [sflag:$0x4] =	stream.indirect.gather [hbm4b:s1+s16], $0x20, s3, s16, $0xb8;
	[tilespmem:$0xB000] =	vst v63  }
0x39: {  	_ =	swait.ge [sflag:s23], $0x1000  }
0x3a: {  	[sflag:s23] =	ssyncset.done $0x0  }
0x3b: {  	s21 =	simm.s32 $0x1000;
	[sflag:s23] =	ssyncadd.s32 $0xFFFFF000  }
0x3c: {  	[spmem:s2] =	stream.indirect.scatter.add.f32 [tilespmem:s17], [sflag:$0x5], $0x20, s21, s16, $0xb8;
	[tilespmem:$0xB000] =	vst v63  }
0x3d: {  	_ =	swait.ge [sflag:s24], $0x1000  }
0x3e: {  	[sflag:s24] =	ssyncset.done $0x0  }
0x3f: {  	s3 =	simm.s32 $0x1080;
	[sflag:s24] =	ssyncadd.s32 $0xFFFFF000  }
0x40: {  	[spmem:s2] =	stream.indirect.scatter.add.f32 [tilespmem:s18], [sflag:$0x6], $0x20, s3, s16, $0xb8;
	[tilespmem:$0xB000] =	vst v63  }
0x41: {  	_ =	swait.ge [sflag:s25], $0x1000  }
0x42: {  	[sflag:s25] =	ssyncset.done $0x0  }
0x43: {  	s21 =	simm.s32 $0x1100;
	[sflag:s25] =	ssyncadd.s32 $0xFFFFF000  }
0x44: {  	[spmem:s2] =	stream.indirect.scatter.add.f32 [tilespmem:s20], [sflag:$0x7], $0x20, s21, s16, $0xb8;
	[tilespmem:$0xB000] =	vst v63  }
0x45: {  	_ =	swait.ge [sflag:s26], $0x1000  }
0x46: {  	[sflag:s26] =	ssyncset.done $0x0  }
0x47: {  	s3 =	simm.s32 $0x1180;
	[sflag:s26] =	ssyncadd.s32 $0xFFFFF000  }
0x48: {  	[spmem:s2] =	stream.indirect.scatter.add.f32 [tilespmem:s22], [sflag:$0x8], $0x20, s3, s16, $0xb8;
	[tilespmem:$0xB000] =	vst v63  }
0x49: {  	_ =	swait.ge [sflag:s28], $0x1000  }
0x4a: {  	[sflag:s28] =	ssyncset.done $0x0  }
0x4b: {  	s21 =	simm.s32 $0x200;
	[sflag:s28] =	ssyncadd.s32 $0xFFFFF000  }
0x4c: {  	[tilespmem:s17], [sflag:$0x1] =	stream.indirect.gather [hbm4b:s1+s16], $0x20, s21, s16, $0xb8;
	[tilespmem:$0xB000] =	vst v63  }
0x4d: {  	_ =	swait.ge [sflag:s29], $0x1000  }
0x4e: {  	[sflag:s29] =	ssyncset.done $0x0  }
0x4f: {  	s3 =	simm.s32 $0x280;
	[sflag:s29] =	ssyncadd.s32 $0xFFFFF000  }
0x50: {  	[tilespmem:s18], [sflag:$0x2] =	stream.indirect.gather [hbm4b:s1+s16], $0x20, s3, s16, $0xb8;
	[tilespmem:$0xB000] =	vst v63  }
0x51: {  	_ =	swait.ge [sflag:s30], $0x1000  }
0x52: {  	[sflag:s30] =	ssyncset.done $0x0  }
0x53: {  	s21 =	simm.s32 $0x300;
	[sflag:s30] =	ssyncadd.s32 $0xFFFFF000  }
0x54: {  	[tilespmem:s20], [sflag:$0x3] =	stream.indirect.gather [hbm4b:s1+s16], $0x20, s21, s16, $0xb8;
	[tilespmem:$0xB000] =	vst v63  }
0x55: {  	_ =	swait.ge [sflag:s31], $0x1000  }
0x56: {  	[sflag:s31] =	ssyncset.done $0x0  }
0x57: {  	s0 =	simm.s32 $0x380;
	s21 =	simm.s32 $0x800;
	[sflag:s31] =	ssyncadd.s32 $0xFFFFF000  }
.LBB2_4:
0x58: {  	[tilespmem:s22], [sflag:$0x4] =	stream.indirect.gather [hbm4b:s1+s16], $0x20, s0, s16, $0xb8;
	[tilespmem:$0xB000] =	vst v63  }
0x59: {  	s0 =	smov.u32 s21  }
0x5a: {  	p0 =	sne.s32 s21, $0x3000;
	s21 =	sadd.s32 $0x800, s21;
	_ =	swait.ge [sflag:s23], $0x1000  }
0x5b: {  	s0 =	sshra.s32 s0, $0x2;
	[sflag:s23] =	ssyncset.done $0x0  }
0x5c: {  	s3 =	sadd.s32 $0x1000, s0;
	[sflag:s23] =	ssyncadd.s32 $0xFFFFF000  }
0x5d: {  	[spmem:s2] =	stream.indirect.scatter.add.f32 [tilespmem:s17], [sflag:$0x5], $0x20, s3, s16, $0xb8;
	[tilespmem:$0xB000] =	vst v63  }
0x5e: {  	_ =	swait.ge [sflag:s24], $0x1000  }
0x5f: {  	[sflag:s24] =	ssyncset.done $0x0  }
0x60: {  	s3 =	sadd.s32 $0x1080, s0;
	[sflag:s24] =	ssyncadd.s32 $0xFFFFF000  }
0x61: {  	[spmem:s2] =	stream.indirect.scatter.add.f32 [tilespmem:s18], [sflag:$0x6], $0x20, s3, s16, $0xb8;
	[tilespmem:$0xB000] =	vst v63  }
0x62: {  	_ =	swait.ge [sflag:s25], $0x1000  }
0x63: {  	[sflag:s25] =	ssyncset.done $0x0  }
0x64: {  	s3 =	sadd.s32 $0x1100, s0;
	[sflag:s25] =	ssyncadd.s32 $0xFFFFF000  }
0x65: {  	[spmem:s2] =	stream.indirect.scatter.add.f32 [tilespmem:s20], [sflag:$0x7], $0x20, s3, s16, $0xb8;
	[tilespmem:$0xB000] =	vst v63  }
0x66: {  	_ =	swait.ge [sflag:s26], $0x1000  }
0x67: {  	[sflag:s26] =	ssyncset.done $0x0  }
0x68: {  	s3 =	sadd.s32 $0x1180, s0;
	[sflag:s26] =	ssyncadd.s32 $0xFFFFF000  }
0x69: {  	[spmem:s2] =	stream.indirect.scatter.add.f32 [tilespmem:s22], [sflag:$0x8], $0x20, s3, s16, $0xb8;
	[tilespmem:$0xB000] =	vst v63  }
0x6a: {  	_ =	swait.ge [sflag:s28], $0x1000  }
0x6b: {  	[sflag:s28] =	ssyncset.done $0x0  }
0x6c: {  	s3 =	sadd.s32 $0x200, s0;
	[sflag:s28] =	ssyncadd.s32 $0xFFFFF000  }
0x6d: {  	[tilespmem:s17], [sflag:$0x1] =	stream.indirect.gather [hbm4b:s1+s16], $0x20, s3, s16, $0xb8;
	[tilespmem:$0xB000] =	vst v63  }
0x6e: {  	_ =	swait.ge [sflag:s29], $0x1000  }
0x6f: {  	[sflag:s29] =	ssyncset.done $0x0  }
0x70: {  	s3 =	sadd.s32 $0x280, s0;
	[sflag:s29] =	ssyncadd.s32 $0xFFFFF000  }
0x71: {  	[tilespmem:s18], [sflag:$0x2] =	stream.indirect.gather [hbm4b:s1+s16], $0x20, s3, s16, $0xb8;
	[tilespmem:$0xB000] =	vst v63  }
0x72: {  	_ =	swait.ge [sflag:s30], $0x1000  }
0x73: {  	[sflag:s30] =	ssyncset.done $0x0  }
.Ltmp1:
0x74: {  	s3 =	sadd.s32 $0x300, s0;
	[sflag:s30] =	ssyncadd.s32 $0xFFFFF000;
	(pc) =	sbr.rel @p0 .LBB2_4-.Ltmp1, $4  }
0x75: {  	[tilespmem:s20], [sflag:$0x3] =	stream.indirect.gather [hbm4b:s1+s16], $0x20, s3, s16, $0xb8;
	[tilespmem:$0xB000] =	vst v63  }
0x76: {  	_ =	swait.ge [sflag:s31], $0x1000  }
0x77: {  	[sflag:s31] =	ssyncset.done $0x0  }
0x78: {  	s0 =	sadd.s32 $0x380, s0;
	[sflag:s31] =	ssyncadd.s32 $0xFFFFF000  }
0x79: {  	[tilespmem:s22], [sflag:$0x4] =	stream.indirect.gather [hbm4b:s1+s16], $0x20, s0, s16, $0xb8;
	[tilespmem:$0xB000] =	vst v63  }
0x7a: {  	_ =	swait.ge [sflag:s23], $0x1000  }
0x7b: {  	[sflag:s23] =	ssyncset.done $0x0  }
0x7c: {  	s21 =	simm.s32 $0x1E00;
	[sflag:s23] =	ssyncadd.s32 $0xFFFFF000  }
0x7d: {  	[spmem:s2] =	stream.indirect.scatter.add.f32 [tilespmem:s17], [sflag:$0x5], $0x20, s21, s16, $0xb8;
	[tilespmem:$0xB000] =	vst v63  }
0x7e: {  	_ =	swait.ge [sflag:s24], $0x1000  }
0x7f: {  	[sflag:s24] =	ssyncset.done $0x0  }
0x80: {  	s3 =	simm.s32 $0x1E80;
	[sflag:s24] =	ssyncadd.s32 $0xFFFFF000  }
0x81: {  	[spmem:s2] =	stream.indirect.scatter.add.f32 [tilespmem:s18], [sflag:$0x6], $0x20, s3, s16, $0xb8;
	[tilespmem:$0xB000] =	vst v63  }
0x82: {  	_ =	swait.ge [sflag:s25], $0x1000  }
0x83: {  	[sflag:s25] =	ssyncset.done $0x0  }
0x84: {  	[sflag:s25] =	ssyncadd.s32 $0xFFFFF000  }
0x85: {  	[spmem:s2] =	stream.indirect.scatter.add.f32 [tilespmem:s20], [sflag:$0x7], $0x20, s15, s16, $0xb8;
	[tilespmem:$0xB000] =	vst v63  }
0x86: {  	_ =	swait.ge [sflag:s26], $0x1000  }
0x87: {  	[sflag:s26] =	ssyncset.done $0x0  }
0x88: {  	[sflag:s26] =	ssyncadd.s32 $0xFFFFF000  }
0x89: {  	[spmem:s2] =	stream.indirect.scatter.add.f32 [tilespmem:s22], [sflag:$0x8], $0x20, s19, s16, $0xb8;
	[tilespmem:$0xB000] =	vst v63  }
0x8a: {  	_ =	swait.ge [sflag:s28], $0x1000  }
0x8b: {  	[sflag:s28] =	ssyncset.done $0x0  }
0x8c: {  	[sflag:s28] =	ssyncadd.s32 $0xFFFFF000  }
0x8d: {  	_ =	swait.ge [sflag:s29], $0x1000  }
0x8e: {  	[sflag:s29] =	ssyncset.done $0x0  }
0x8f: {  	[sflag:s29] =	ssyncadd.s32 $0xFFFFF000  }
0x90: {  	_ =	swait.ge [sflag:s30], $0x1000  }
0x91: {  	[sflag:s30] =	ssyncset.done $0x0  }
0x92: {  	[sflag:s30] =	ssyncadd.s32 $0xFFFFF000  }
0x93: {  	s21 =	stileid.u32;
	_ =	swait.ge [sflag:s31], $0x1000  }
0x94: {  	s4 =	sadd.s32 $0x1, s4;
	s0 =	sshll.u32 s21, $0x6;
	[sflag:s31] =	ssyncset.done $0x0  }
0x95: {  	p0 =	sne.s32 s4, s12;
	s0 =	sor.u32 $0x1C09, s0;
	[sflag:s31] =	ssyncadd.s32 $0xFFFFF000  }
.Ltmp2:
0x96: {  	s3 =	sshrl.u32 s5, $0x3;
	[bflag:$0x0] =	sbarrier.arrive $0xFFFF;
	(pc) =	sbr.rel @p0 .LBB2_1-.Ltmp2, $4  }
0x97: {  	[hbm:s11], [sflag:s0] =	dma.local [spmem:s3], $0x800  }
0x98: {  	_ =	swait.ge [sflag:s14], $0x800  }
0x99: {  	[sflag:s14] =	ssyncset.done $0x0  }
0x9a: {  	[sflag:s14] =	ssyncadd.s32 $0xFFFFF800  }
0x9b: {  	_ =	sfence.sel $0x180000  }
0x9c: {  	[bflag:$0x0] =	sbarrier.arrive $0xFFFF  }
0x9d: {  	_ =	strace $0x9000004D  }
0x9e: {  	s0 =	stileid.u32;
	[bflag:$0x2] =	sbarrier.arrive $0xFFFF  }
0x9f: {  	p0 =	sne.s32 s0, $0x0;
	s0 =	rddreg [dreg:$0x3]  }
0xa0: {  	s0 =	sadd.s32 @!p0 $0x100000, s0  }
0xa1: {  	[sflag:s0] =	ssyncadd.tile.s32 @!p0 $0x1;
	_ =	shalt  }
.Lfunc_end2:
_tile_overlayer_lowered:
.L_overlay_start_2:
0xa2: {  	(tag) =	ssettag $0x2  }
0xa3: {  	s0 =	rddreg [dreg:$0x0];
	s2 =	stileid.u32  }
0xa4: {  	s1 =	rddreg [dreg:$0x1];
	p0 =	sne.s32 s2, $0x0  }
0xa5: {  	s3 =	rddreg [dreg:$0x2];
	[bflag:$0x3] =	sbarrier.arrive $0xFFFF;
	s2 =	simm.s32 @!p0 $0x1C09  }
0xa6: {  	[timem:s3], [sflag:s2] =	dma.local @!p0 [hbm:s0], s1  }
0xa7: {  	s0 =	simm.s32 @!p0 $0x9  }
0xa8: {  	_ =	swait.ge @!p0 [sflag:s0], s1  }
0xa9: {  	s1 =	ssub.s32 @!p0 $0x0, s1;
	[sflag:s0] =	ssyncset.done @!p0 $0x0  }
0xaa: {  	[sflag:s0] =	ssyncadd.s32 @!p0 s1  }
0xab: {  	[bflag:$0x3] =	sbarrier.arrive $0xFFFF  }
0xac: {  	_ =	shalt  }

// kernel: kernel.21.cloned.1.call-start
scs
__scs_entry_jumppad:
0x0: {  	(pc) =	sbr.rel $0x88, $3  }
0x1: {  	(tag) =	ssettag $0x0;
	lr =	simm.s32 $0x1  }
0x2: {  	[smem:$0x3F9A] =	sst lr;
	_ =	strace $0xD0000000  }
0x3: {  	_ = 	snop  }
0x4: {  	_ = 	snop  }
0x5: {  	_ = 	snop  }
0x6: {  	_ = 	snop  }
0x7: {  	_ = 	snop  }
__scs_overlays_trampoline_lowered:
0x8: {  	[smem:$0x3FA9] =	sst s0  }
0x9: {  	[smem:$0x3FAA] =	sst s1  }
0xa: {  	[smem:$0x3FAB] =	sst s2  }
0xb: {  	[smem:$0x3FAC] =	sst s3  }
0xc: {  	[smem:$0x3FAD] =	sst s4  }
0xd: {  	[smem:$0x3FAE] =	sst s5  }
0xe: {  	[smem:$0x3FAF] =	sst s6  }
0xf: {  	[smem:$0x3FB0] =	sst s7  }
0x10: {  	[smem:$0x3FB1] =	sst s8  }
0x11: {  	[smem:$0x3FB2] =	sst s9;
	s0 =	simm.s32 @!p0 $0x0  }
0x12: {  	s1 =	sld [smem:$0x3F98];
	s0 =	simm.s32 @p0 $0x1  }
0x13: {  	[smem:$0x3FB3] =	sst s0;
	s0 =	simm.s32 @!p1 $0x0  }
0x14: {  	s2 =	sld [smem:$0x3F97];
	s0 =	simm.s32 @p1 $0x1  }
0x15: {  	[smem:$0x3FB4] =	sst s0;
	s0 =	simm.s32 @!p2 $0x0  }
0x16: {  	s3 =	sld [smem:$0x3FDB];
	s0 =	simm.s32 @p2 $0x1  }
0x17: {  	s4 =	simm.s32 $0x1BF5;
	[smem:$0x3FB6] =	sst s0  }
0x18: {  	s0 =	sld [smem:$0x3F99];
	_ =	swait.ge [sflag:s4], $0x0  }
0x19: {  	s7 =	sld [smem:$0x3F9A]  }
0x1a: {  	s8 =	sadd.s32 $0xFFFFE003, lr  }
0x1b: {  	s9 =	sadd.s32 $0xFFFFFEF7, lr;
	s5 =	simm.s32 $0xFFFFFFFF;
	p2 =	slt.u32 s8, $0xFFFFF086  }
0x1c: {  	p1 =	slt.u32 s9, $0xF7A;
	s5 =	simm.s32 @!p2 $0x0  }
0x1d: {  	s5 =	simm.s32 @p1 $0x1;
	p0 =	seq.s32 s7, s2  }
0x1e: {  	s7 =	smul.u32 @!p0 $0xF7A, s2;
	p2 =	seq.s32 @!p0 s5, $0x0  }
0x1f: {  	s9 =	smul.u32 $0xF7A, s1;
	s8 =	simm.s32 @!p0 $0x1BF5;
	p2 =	por !p2, p0  }
0x20: {  	[sflag:s8] =	ssyncset.s32 @!p0 $0xFFFFF086;
	s6 =	sadd.s32 @!p0 s3, s7;
	s7 =	simm.s32 @!p0 $0x108  }
0x21: {  	s3 =	sadd.s32 s3, s9;
	s6 =	sadd.s32 @!p0 $0x88, s6;
	s7 =	simm.s32 @p2 $0x1082  }
0x22: {  	[simem:s7], [sflag:s8] =	dma.local @!p0 [hbm:s6], $0xF7A  }
0x23: {  	s9 =	sor.u32 $0xD0000000, s2;
	s6 =	simm.s32 $0x108;
	_ =	swait.ge @!p0 [sflag:s8], $0x0  }
0x24: {  	s3 =	sadd.s32 $0x88, s3;
	s6 =	simm.s32 @!p1 $0x1082;
	[sflag:s4] =	ssyncset.s32 $0xFFFFF086  }
0x25: {  	[simem:s6], [sflag:s4] =	dma.local [hbm:s3], $0xF7A  }
0x26: {  	[smem:$0x3F9A] =	sst s1;
	(tag) =	ssettag s2;
	_ =	strace s9  }
0x27: {  	s1 =	sld [smem:$0x3FAA]  }
0x28: {  	s2 =	sld [smem:$0x3FAB]  }
0x29: {  	s4 =	sld [smem:$0x3FAD]  }
0x2a: {  	p0 =	seq.s32 s5, $0x0;
	s5 =	sld [smem:$0x3FAE]  }
0x2b: {  	s6 =	sld [smem:$0x3FAF]  }
0x2c: {  	s7 =	sld [smem:$0x3FB0]  }
0x2d: {  	s3 =	simm.s32 $0x108;
	s8 =	sld [smem:$0x3FB1]  }
0x2e: {  	s3 =	simm.s32 @!p0 $0x1082;
	s9 =	sld [smem:$0x3FB2]  }
0x2f: {  	lr =	sadd.s32 s0, s3;
	s0 =	sld [smem:$0x3FA9]  }
0x30: {  	s3 =	sld [smem:$0x3FAC]  }
0x31: {  	[smem:$0x3FB5] =	sst s10  }
0x32: {  	s10 =	sld [smem:$0x3FB3];
	_ =	sdelay $0x3  }
0x33: {  	p0 =	seq.s32 s10, $0x1;
	s10 =	sld [smem:$0x3FB5];
	_ =	sdelay $0x3  }
0x34: {  	[smem:$0x3FB5] =	sst s10  }
0x35: {  	s10 =	sld [smem:$0x3FB4];
	_ =	sdelay $0x3  }
0x36: {  	p1 =	seq.s32 s10, $0x1;
	s10 =	sld [smem:$0x3FB5];
	_ =	sdelay $0x3  }
0x37: {  	[smem:$0x3FB5] =	sst s10  }
0x38: {  	s10 =	sld [smem:$0x3FB6]  }
0x39: {  	_ = 	snop;
	(pc) =	sbr.ind lr, $3  }
0x3a: {  	_ = 	snop  }
0x3b: {  	_ = 	snop  }
0x3c: {  	p2 =	seq.s32 s10, $0x1;
	s10 =	sld [smem:$0x3FB5]  }
0x3d: {  	_ =	shalt  }
0x3e: {  	_ =	shalt  }
0x3f: {  	_ =	shalt  }
0x40: {  	_ =	shalt  }
0x41: {  	_ =	shalt  }
0x42: {  	_ =	shalt  }
0x43: {  	_ =	shalt  }
0x44: {  	_ =	shalt  }
0x45: {  	_ =	shalt  }
0x46: {  	_ =	shalt  }
0x47: {  	_ =	shalt  }
0x48: {  	_ =	shalt  }
0x49: {  	_ =	shalt  }
0x4a: {  	_ =	shalt  }
0x4b: {  	_ =	shalt  }
0x4c: {  	_ =	shalt  }
0x4d: {  	_ =	shalt  }
0x4e: {  	_ =	shalt  }
0x4f: {  	_ =	shalt  }
0x50: {  	_ =	shalt  }
0x51: {  	_ =	shalt  }
0x52: {  	_ =	shalt  }
0x53: {  	_ =	shalt  }
0x54: {  	_ =	shalt  }
0x55: {  	_ =	shalt  }
0x56: {  	_ =	shalt  }
0x57: {  	_ =	shalt  }
0x58: {  	_ =	shalt  }
0x59: {  	_ =	shalt  }
0x5a: {  	_ =	shalt  }
0x5b: {  	_ =	shalt  }
0x5c: {  	_ =	shalt  }
0x5d: {  	_ =	shalt  }
0x5e: {  	_ =	shalt  }
0x5f: {  	_ =	shalt  }
0x60: {  	_ =	shalt  }
0x61: {  	_ =	shalt  }
0x62: {  	_ =	shalt  }
0x63: {  	_ =	shalt  }
0x64: {  	_ =	shalt  }
0x65: {  	_ =	shalt  }
0x66: {  	_ =	shalt  }
0x67: {  	_ =	shalt  }
0x68: {  	_ =	shalt  }
0x69: {  	_ =	shalt  }
0x6a: {  	_ =	shalt  }
0x6b: {  	_ =	shalt  }
0x6c: {  	_ =	shalt  }
0x6d: {  	_ =	shalt  }
0x6e: {  	_ =	shalt  }
0x6f: {  	_ =	shalt  }
0x70: {  	_ =	shalt  }
0x71: {  	_ =	shalt  }
0x72: {  	_ =	shalt  }
0x73: {  	_ =	shalt  }
0x74: {  	_ =	shalt  }
0x75: {  	_ =	shalt  }
0x76: {  	_ =	shalt  }
0x77: {  	_ =	shalt  }
0x78: {  	_ =	shalt  }
0x79: {  	_ =	shalt  }
0x7a: {  	_ =	shalt  }
0x7b: {  	_ =	shalt  }
0x7c: {  	_ =	shalt  }
0x7d: {  	_ =	shalt  }
0x7e: {  	_ =	shalt  }
0x7f: {  	_ =	shalt  }
0x80: {  	_ =	shalt  }
0x81: {  	_ =	shalt  }
0x82: {  	_ =	shalt  }
0x83: {  	_ =	shalt  }
0x84: {  	_ =	shalt  }
0x85: {  	_ =	shalt  }
0x86: {  	_ =	shalt  }
0x87: {  	_ =	shalt  }
.Lfunc_end0:
.L_simem_size_0:
called_computation.3_lowered:
.L_overlay_start_0:
0x88: {  	s2 =	sld [smem:$0x3FD9]  }
0x89: {  	s3 =	sld [smem:$0x3FFE];
	_ =	sdelay $0x1  }
0x8a: {  	s1 =	srdreg.scid  }
0x8b: {  	s0 =	sand.u32 $0x1, s1  }
0x8c: {  	s14 =	sshll.u32 s0, $0xA;
	s2 =	sadd.s32 s3, s2  }
0x8d: {  	s2 =	sadd.s32 s2, s14  }
0x8e: {  	[smem:$0x3FC1] =	sst s2  }
0x8f: {  	_ = 	snop  }
0x90: {  	s2 =	sld [smem:$0x3FD0];
	_ =	sdelay $0x2  }
0x91: {  	s15 =	simm.s32 $0xA;
	s4 =	simm.s32 $0x10  }
0x92: {  	[smem:s4], [sflag:s15] =	dma.local [hbm:s2], $0x1  }
0x93: {  	_ =	swait.eq [sflag:s15], $0x1  }
0x94: {  	[sflag:s15] =	ssyncset.done $0x0  }
0x95: {  	[sflag:s15] =	ssyncadd.s32 $0xFFFFFFFF  }
0x96: {  	s16 =	sld [smem:$0x10];
	(tm) =	ssettm $0x1  }
0x97: {  	s17 =	sld [smem:$0x3FFB];
	_ =	sdelay $0x3  }
0x98: {  	_ =	strace s17  }
0x99: {  	s3 =	sld [smem:$0x3FFC];
	_ =	sdelay $0x3  }
0x9a: {  	_ =	strace s3  }
0x9b: {  	s3 =	sld [smem:$0x3FFD];
	_ =	sdelay $0x3  }
0x9c: {  	_ =	strace s3  }
0x9d: {  	_ =	strace $0x8FFFFFFF  }
0x9e: {  	s18 =	sld [smem:$0x3FDB];
	_ =	sdelay $0x1  }
0x9f: {  	s19 =	simm.s32 $_scs_section_size  }
0xa0: {  	s5 =	simm.s32 $_size__tile_overlayer_lowered;
	s6 =	simm.s32 $_tile_overlayer_lowered  }
0xa1: {  	s22 =	simm.s32 $0x1BFF;
	s21 =	sshll.u32 s6, $0x1;
	s3 =	sadd.s32 s19, s18  }
0xa2: {  	s7 =	simm.s32 $0x0;
	s20 =	sshll.u32 s5, $0x1;
	s5 =	sadd.s32 s21, s3  }
0xa3: {  	[timem:s7], [sflag:s22] =	dma.local [hbm:s5], s20  }
0xa4: {  	_ =	swait.ge [sflag:s22], s20  }
0xa5: {  	s4 =	ssub.s32 $0x0, s20;
	[sflag:s22] =	ssyncset.done $0x0  }
0xa6: {  	[sflag:s22] =	ssyncadd.s32 s4;
	_ =	sdelay $0x1  }
0xa7: {  	s23 =	simm.s32 $0x1B8B  }
0xa8: {  	_ =	swait.ge [sflag:s23], $0x1  }
0xa9: {  	[sflag:s23] =	ssyncset.done $0x0  }
0xaa: {  	s25 =	simm.s32 $0x1B8E;
	s24 =	sld [smem:$0x3FFE];
	[sflag:s23] =	ssyncadd.s32 $0xFFFFFFFF  }
0xab: {  	s26 =	simm.s32 $execute0_lowered;
	[smem:$0x3FD2] =	sst s25  }
0xac: {  	s5 =	sshll.u32 s26, $0x1;
	_ =	strace $0x8000004F;
	[dreg:$0x1] =	wrdreg $0xFFFFFFFF  }
0xad: {  	s28 =	simm.s32 $_size_execute0_lowered;
	s3 =	sadd.s32 s3, s5;
	[dreg:$0x0] =	wrdreg $0x0  }
0xae: {  	s5 =	sshll.u32 s28, $0x1;
	[dreg:$0x2] =	wrdreg s3  }
0xaf: {  	[dreg:$0x3] =	wrdreg s5  }
0xb0: {  	[dreg:$0x4] =	wrdreg $0xC0  }
0xb1: {  	_ =	task [dreg:s7], $0x5FFFF  }
0xb2: {  	[dreg:$0x1] =	wrdreg $0xFFFFFFFF  }
0xb3: {  	[dreg:$0x0] =	wrdreg $0x60  }
0xb4: {  	[dreg:$0x2] =	wrdreg s24  }
0xb5: {  	[dreg:$0x3] =	wrdreg s16  }
0xb6: {  	[dreg:$0x4] =	wrdreg $0x9  }
0xb7: {  	_ =	task.clear_ibuf [dreg:s7], $0x5FFFF;
	_ =	strace $0x9000004F  }
0xb8: {  	s29 =	simm.s32 $0x9;
	_ =	strace $0x80000051  }
0xb9: {  	_ =	swait.ge [sflag:s29], $0x1  }
0xba: {  	[sflag:s29] =	ssyncadd.s32 $0xFFFFFFFF  }
0xbb: {  	_ =	strace $0x90000051  }
0xbc: {  	_ =	sfence  }
0xbd: {  	s30 =	sld [smem:$0x0];
	_ =	sdelay $0x2  }
0xbe: {  	s31 =	sshll.u32 s1, $0xD;
	s1 =	sshrl.u32 s1, $0x2  }
0xbf: {  	s3 =	sand.u32 $0x4000, s31;
	s1 =	sadd.s32 s1, s30  }
0xc0: {  	s0 =	sor.u32 s3, s0;
	s1 =	sshll.u32 s1, $0x11  }
0xc1: {  	s0 =	sor.u32 s1, s0  }
0xc2: {  	s0 =	sadd.s32 $0x8F2B, s0  }
0xc3: {  	[sflag:s0] =	ssyncadd.remote.s32 $0x1  }
0xc4: {  	_ =	sfence.sel $0xFFFF  }
0xc5: {  	[dreg:$0x0] =	wrdreg $0xFFFFFFFF;
	(pc) =	sbr.abs _section_cstart, $3  }
0xc6: {  	[dreg:$0x1] =	wrdreg $0xFFFFFFFF  }
0xc7: {  	_ =	task.clear_ibuf [dreg:s7], $0x2FFFF;
	_ =	strace $0x9FFFFFFF  }
0xc8: {  	(tm) =	ssettm $0x7FFFFFFF  }
0xc9: {  	_ =	shalt  }
tec
execute0_lowered:
.L_overlay_start_1:
0x0: {  	(tag) =	ssettag $0x1  }
0x1: {  	s7 =	rddreg [dreg:$0x0]  }
0x2: {  	s2 =	rddreg [dreg:$0x1]  }
0x3: {  	s0 =	rddreg [dreg:$0x2]  }
0x4: {  	s4 =	srdreg.scid;
	s3 =	simm.s32 $0x0;
	s1 =	stileid.u32  }
0x5: {  	s12 =	simm.s32 $0x2;
	s13 =	simm.s32 $0x200;
	s14 =	simm.s32 $0x400  }
0x6: {  	s15 =	simm.s32 $0x80;
	s16 =	simm.s32 $0x600;
	s17 =	simm.s32 $0x1  }
0x7: {  	s18 =	simm.s32 $0x1600;
	s19 =	simm.s32 $0x2600;
	s20 =	simm.s32 $0x0  }
0x8: {  	s6 =	sand.u32 $0x1, s4;
	[smem:$0x7FF] =	sst s3;
	s5 =	sshll.u32 s1, $0x2  }
0x9: {  	s4 =	sshll.u32 s6, $0x6;
	_ =	strace $0x80000050;
	s9 =	ssub.s32 $0x2, s6  }
0xa: {  	s6 =	sadd.s32 $0x5800, s7;
	s4 =	sor.u32 s5, s4;
	s31 =	sshrl.u32 s9, $0x1  }
0xb: {  	s5 =	sadd.s32 $0x1800, s7;
	s8 =	sshll.u32 s4, $0x4;
	s11 =	ssub.s32 s9, s31  }
0xc: {  	s10 =	sadd.s32 s8, s7;
	s7 =	sadd.s32 $0xB000, s7;
	s11 =	smax.u32 s11, $0x1  }
0xd: {  	s8 =	sadd.s32 $0xA000, s10;
	s9 =	sadd.s32 $0xA800, s10;
	s10 =	sadd.s32 $0x9800, s10  }
.LBB2_1:
0xe: {  	[tilespmem:s3], [sflag:$0x2] =	stream.linear.gather [hbm4b:s8+s3], $0x200, $0x38;
	[tilespmem:$0x3600] =	vst v63  }
0xf: {  	_ =	swait.ge [sflag:s12], $0x200  }
0x10: {  	[sflag:s12] =	ssyncset.done $0x0  }
0x11: {  	[sflag:s12] =	ssyncadd.s32 $0xFFFFFE00  }
0x12: {  	[tilespmem:s13], [sflag:$0x2] =	stream.linear.gather [hbm4b:s9+s3], $0x200, $0x38;
	[tilespmem:$0x3600] =	vst v63  }
0x13: {  	_ =	swait.ge [sflag:s12], $0x200  }
0x14: {  	[sflag:s12] =	ssyncset.done $0x0  }
0x15: {  	[sflag:s12] =	ssyncadd.s32 $0xFFFFFE00  }
0x16: {  	[tilespmem:s14], [sflag:$0x2] =	stream.linear.gather [hbm4b:s10+s3], $0x200, $0x38;
	[tilespmem:$0x3600] =	vst v63  }
0x17: {  	_ =	swait.ge [sflag:s12], $0x200  }
0x18: {  	[sflag:s12] =	ssyncset.done $0x0  }
0x19: {  	s21 =	simm.s32 $0x0;
	[sflag:s12] =	ssyncadd.s32 $0xFFFFFE00  }
.LBB2_2:
0x1a: {  	s22 =	sshll.u32 s21, $0x7  }
0x1b: {  	[tilespmem:s16], [sflag:$0x1] =	stream.indirect.gather [hbm4b:s5+s15], $0x20, s22, s15, $0xb8;
	[tilespmem:$0x3600] =	vst v63  }
0x1c: {  	_ =	swait.ge [sflag:s17], $0x1000  }
0x1d: {  	[sflag:s17] =	ssyncset.done $0x0  }
0x1e: {  	s23 =	sadd.s32 $0x200, s22;
	[sflag:s17] =	ssyncadd.s32 $0xFFFFF000  }
0x1f: {  	[tilespmem:s18], [sflag:$0x1] =	stream.indirect.gather [hbm4b:s5+s15], $0x20, s23, s15, $0xb8;
	[tilespmem:$0x3600] =	vst v63  }
0x20: {  	_ =	swait.ge [sflag:s17], $0x1000  }
0x21: {  	[sflag:s17] =	ssyncset.done $0x0  }
0x22: {  	s22 =	sadd.s32 $0x400, s22;
	[sflag:s17] =	ssyncadd.s32 $0xFFFFF000  }
0x23: {  	[tilespmem:s19], [sflag:$0x1] =	stream.indirect.gather [hbm4b:s6+s15], $0x20, s22, s15, $0xb8;
	[tilespmem:$0x3600] =	vst v63  }
0x24: {  	_ =	swait.ge [sflag:s17], $0x1000  }
0x25: {  	[sflag:s17] =	ssyncset.done $0x0  }
0x26: {  	s22 =	simm.s32 $0x0;
	[sflag:s17] =	ssyncadd.s32 $0xFFFFF000  }
0x27: {  	v0 =	vld [tilespmem:s22+$0x1600]  }
0x28: {  	v1 =	vld [tilespmem:s22+$0x1610]  }
0x29: {  	s23 =	simm.s32 $0x80;
	v2 =	vld [tilespmem:s22+$0x600]  }
.LBB2_3:
0x2a: {  	p0 =	sne.s32 s23, $0x3F80;
	v3 =	vld [tilespmem:s22+$0x610];
	_ =	sdelay $0x3  }
0x2b: {  	v0 =	vadd.f32 v0, v2  }
.Ltmp0:
0x2c: {  	v1 =	vadd.f32 v1, v3;
	(pc) =	sbr.rel @p0 .LBB2_3-.Ltmp0, $4  }
0x2d: {  	s24 =	sshra.s32 s23, $0x2;
	v2 =	vmul.f32 $5.000000000e-01, v0  }
0x2e: {  	v0 =	vld [tilespmem:s24+$0x1600];
	v3 =	vmul.f32 $5.000000000e-01, v1  }
0x2f: {  	v1 =	vld [tilespmem:s24+$0x1610];
	[tilespmem:s22+$0x600] =	vst v2  }
0x30: {  	s23 =	sadd.s32 $0x80, s23;
	v2 =	vld [tilespmem:s24+$0x600];
	[tilespmem:s22+$0x610] =	vst v3;
	s22 =	smov.u32 s24  }
0x31: {  	v3 =	vld [tilespmem:s22+$0x610];
	_ =	sdelay $0x3  }
0x32: {  	v0 =	vadd.f32 v0, v2  }
0x33: {  	v1 =	vadd.f32 v1, v3  }
0x34: {  	v0 =	vmul.f32 $5.000000000e-01, v0  }
0x35: {  	s23 =	sor.u32 s4, s21;
	v1 =	vmul.f32 $5.000000000e-01, v1  }
0x36: {  	s23 =	sshll.u32 s23, $0x9;
	[tilespmem:s22+$0x600] =	vst v0  }
0x37: {  	s30 =	sadd.s32 s2, s23;
	[tilespmem:s22+$0x610] =	vst v1  }
0x38: {  	[hbm4b:s30+s3] =	stream.linear.scatter [tilespmem:s16], [sflag:$0x2], $0x1000, $0x38;
	[tilespmem:$0x3600] =	vst v63  }
0x39: {  	s21 =	sadd.s32 $0x1, s21;
	_ =	swait.ge [sflag:s12], $0x1000  }
0x3a: {  	p0 =	sne.s32 s21, $0x4;
	[sflag:s12] =	ssyncset.done $0x0  }
.Ltmp1:
0x3b: {  	s31 =	sadd.s32 s7, s23;
	[sflag:s12] =	ssyncadd.s32 $0xFFFFF000;
	(pc) =	sbr.rel @p0 .LBB2_2-.Ltmp1, $4  }
0x3c: {  	[hbm4b:s31+s3] =	stream.linear.scatter [tilespmem:s19], [sflag:$0x2], $0x1000, $0x38;
	[tilespmem:$0x3600] =	vst v63  }
0x3d: {  	_ =	swait.ge [sflag:s12], $0x1000  }
0x3e: {  	[sflag:s12] =	ssyncset.done $0x0  }
0x3f: {  	[sflag:s12] =	ssyncadd.s32 $0xFFFFF000  }
0x40: {  	s20 =	sadd.s32 $0x1, s20  }
0x41: {  	p0 =	sne.s32 s20, s11  }
.Ltmp2:
0x42: {  	_ = 	snop;
	(pc) =	sbr.rel @p0 .LBB2_1-.Ltmp2, $1  }
0x43: {  	_ =	sdelay $0x3  }
0x44: {  	_ =	sfence.sel $0x180000  }
0x45: {  	[bflag:$0x0] =	sbarrier.arrive $0xFFFF  }
0x46: {  	p0 =	sne.s32 s1, $0x0;
	_ =	strace $0x90000050  }
0x47: {  	s0 =	sadd.s32 @!p0 $0x100000, s0;
	[bflag:$0x2] =	sbarrier.arrive $0xFFFF  }
0x48: {  	[sflag:s0] =	ssyncadd.tile.s32 @!p0 $0x1;
	_ =	shalt  }
.Lfunc_end2:
_tile_overlayer_lowered:
.L_overlay_start_2:
0x49: {  	(tag) =	ssettag $0x2  }
0x4a: {  	s0 =	rddreg [dreg:$0x0];
	s2 =	stileid.u32  }
0x4b: {  	s1 =	rddreg [dreg:$0x1];
	p0 =	sne.s32 s2, $0x0  }
0x4c: {  	s3 =	rddreg [dreg:$0x2];
	[bflag:$0x3] =	sbarrier.arrive $0xFFFF;
	s2 =	simm.s32 @!p0 $0x1C02  }
0x4d: {  	[timem:s3], [sflag:s2] =	dma.local @!p0 [hbm:s0], s1  }
0x4e: {  	s0 =	simm.s32 @!p0 $0x2  }
0x4f: {  	_ =	swait.ge @!p0 [sflag:s0], s1  }
0x50: {  	s1 =	ssub.s32 @!p0 $0x0, s1;
	[sflag:s0] =	ssyncset.done @!p0 $0x0  }
0x51: {  	[sflag:s0] =	ssyncadd.s32 @!p0 s1  }
0x52: {  	[bflag:$0x3] =	sbarrier.arrive $0xFFFF  }
0x53: {  	_ =	shalt  }

</sc_bundles>
